<compile_context>
chip_gen: v7x
topology: tpu7x:2x2x1
jax: 0.10.2.dev20260603
libtpu: 0.0.44.dev20260713+nightly
codegen_flags: <defaults>
</compile_context>

<pallas_src>
import functools

import jax
import jax.numpy as jnp
from jax import lax
from jax.experimental import pallas as pl
from jax.experimental.pallas import tpu as pltpu
from jax.experimental.pallas import tpu_sc as plsc

L = 16
NC, NS = 2, 16
NW = NC * NS


def _round_up(x, m):
    return (x + m - 1) // m * m


def _masked_softmax_tc(ptr, relmask, travvec, W):
    B = ptr.shape[0]
    R = W.shape[0]

    def body(ptr_ref, relmask_ref, travvec_ref, w_ref, p_ref):
        rb = lax.dot_general(
            ptr_ref[...], relmask_ref[...], (((1,), (1,)), ((), ())),
            preferred_element_type=jnp.float32) > 0
        y = lax.dot_general(
            travvec_ref[...], w_ref[...], (((1,), (1,)), ((), ())),
            preferred_element_type=jnp.float32)
        ymax = jnp.max(jnp.where(rb, y, -jnp.inf), axis=1, keepdims=True)
        exps = jnp.where(rb, jnp.exp(y - ymax), 0.0)
        p_ref[...] = exps / jnp.sum(exps, axis=1, keepdims=True)

    return pl.pallas_call(
        body, out_shape=jax.ShapeDtypeStruct((B, R), jnp.float32),
    )(ptr, relmask, travvec, W)


def _segmax_sc(ptr, p, sr_pad, sstart, sfan, sperm, sgmax, cbase,
               *, nseg, cseg, fmax, wcap):
    B, E = ptr.shape
    R = p.shape[1]
    nchunk = nseg // cseg
    grp = cseg // L
    mesh = plsc.VectorSubcoreMesh(
        core_axis_name="c", subcore_axis_name="s",
        num_cores=NC, num_subcores=NS)

    @functools.partial(
        pl.kernel,
        out_type=jax.ShapeDtypeStruct((B, nseg), jnp.float32),
        mesh=mesh,
        compiler_params=pltpu.CompilerParams(needs_layout_passes=False),
        scratch_types=[
            pltpu.VMEM((E,), jnp.float32),
            pltpu.VMEM((R,), jnp.float32),
            pltpu.VMEM((nseg,), jnp.int32),
            pltpu.VMEM((nseg,), jnp.int32),
            pltpu.VMEM((nseg,), jnp.int32),
            pltpu.VMEM((sgmax.shape[0],), jnp.int32),
            pltpu.VMEM((cbase.shape[0],), jnp.int32),
            pltpu.VMEM((wcap,), jnp.int32),
            pltpu.VMEM((wcap,), jnp.int32),
            pltpu.VMEM((nseg,), jnp.float32),
            pltpu.SemaphoreType.DMA,
            pltpu.SemaphoreType.DMA,
        ],
    )
    def k(ptr_hbm, p_hbm, sr_hbm, sstart_hbm, sfan_hbm, sperm_hbm,
          sgmax_hbm, cbase_hbm, out_hbm,
          ptr_v, p_v, sstart_v, sfan_v, sperm_v, sgmax_v, cbase_v,
          win0_v, win1_v, out_v, sem0, sem1):
        b = lax.axis_index("s") * NC + lax.axis_index("c")
        pairs = [(ptr_hbm.at[b], ptr_v), (p_hbm.at[b], p_v),
                 (sstart_hbm, sstart_v), (sfan_hbm, sfan_v),
                 (sperm_hbm, sperm_v), (sgmax_hbm, sgmax_v),
                 (cbase_hbm, cbase_v)]
        for src, dst in pairs:
            pltpu.async_copy(src, dst, sem1)
        for src, dst in pairs:
            pltpu.make_async_copy(src, dst, sem1).wait()

        def start_dma(c, win_v, sem):
            base = cbase_v[pl.ds(c, L)][0]
            pltpu.async_copy(
                sr_hbm.at[pl.ds(pl.multiple_of(base, 8), wcap)], win_v,
                sem)

        def wait_dma(win_v, sem):
            pltpu.make_async_copy(
                sr_hbm.at[pl.ds(0, wcap)], win_v, sem).wait()

        def compute(c, win_v):
            base = cbase_v[pl.ds(c, L)][0]

            def seg_block(kk, loc, fanv, acc):
                srv = plsc.load_gather(win_v, [loc + kk])
                s = jnp.bitwise_and(srv, jnp.int32(16383))
                r = jnp.right_shift(srv, jnp.int32(14))
                prod = plsc.load_gather(ptr_v, [s]) * \
                    plsc.load_gather(p_v, [r])
                return jnp.maximum(acc, jnp.where(fanv > kk, prod, 0.0))

            def macro_group(jb, gg, nsub, unroll):
                locs = [sstart_v[pl.ds(jb + i * L, L)] - base
                        for i in range(nsub)]
                fans = [sfan_v[pl.ds(jb + i * L, L)] for i in range(nsub)]
                perms = [sperm_v[pl.ds(jb + i * L, L)]
                         for i in range(nsub)]
                kmax = sgmax_v[pl.ds(gg + nsub - 1, L)][0]

                zero = jnp.zeros((L,), jnp.float32)
                init = zero if nsub == 1 else tuple(zero
                                                    for _ in range(nsub))

                @plsc.parallel_loop(0, kmax, unroll=unroll, carry=init)
                def max_body(kk, acc):
                    if nsub == 1:
                        return seg_block(kk, locs[0], fans[0], acc)
                    return tuple(
                        seg_block(kk, locs[i], fans[i], acc[i])
                        for i in range(nsub))
                accs = (max_body,) if nsub == 1 else max_body
                for i in range(nsub):
                    plsc.store_scatter(out_v, [perms[i]], accs[i])

            @plsc.parallel_loop(0, grp // 8, unroll=1)
            def seg_body(pg):
                macro_group(c * cseg + pg * (8 * L),
                            c * grp + pg * 8, 8, 1)

            macro_group(c * cseg + (grp - 1) * L,
                        c * grp + (grp - 1), 1, 4)

        start_dma(0, win0_v, sem0)

        def pair_body(c2, _):
            c0 = c2 * 2
            start_dma(c0 + 1, win1_v, sem1)
            wait_dma(win0_v, sem0)
            compute(c0, win0_v)
            start_dma(c0 + 2, win0_v, sem0)
            wait_dma(win1_v, sem1)
            compute(c0 + 1, win1_v)
            return 0
        lax.fori_loop(0, nchunk // 2, pair_body, 0)
        wait_dma(win0_v, sem0)
        compute(nchunk - 1, win0_v)
        pltpu.sync_copy(out_v, out_hbm.at[b])

    return k(ptr, p, sr_pad, sstart, sfan, sperm, sgmax, cbase)


def kernel(ptr, travvec, W, tensor_idx, relmask, groupbys, groupbymasks):
    B, E = ptr.shape
    T = tensor_idx.shape[0]
    assert B == NW

    p = _masked_softmax_tc(ptr, relmask, travvec, W)

    start = jnp.concatenate(
        [g[:, 0].astype(jnp.int32) for g in groupbys])
    fan = jnp.concatenate(
        [m.sum(axis=1).astype(jnp.int32) for m in groupbymasks])
    nseg = sum(g.shape[0] for g in groupbys)
    fmax = max(g.shape[1] for g in groupbys)

    cseg = 400
    assert nseg % cseg == 0 and cseg % L == 0
    wcap = _round_up(cseg * fmax + fmax + 8, L)

    assert E <= (1 << 14)
    sr = jnp.bitwise_or(
        jnp.left_shift(tensor_idx[:, 0].astype(jnp.int32), 14),
        tensor_idx[:, 1].astype(jnp.int32))
    sr_pad = jnp.pad(sr, (0, _round_up(T + wcap, L) - T))

    nchunk = nseg // cseg
    grp = cseg // L
    cbase = (start[::cseg] // 8 * 8).astype(jnp.int32)
    order = jnp.argsort(fan.reshape(nchunk, cseg), axis=1)
    sstart = jnp.take_along_axis(
        start.reshape(nchunk, cseg), order, axis=1).reshape(-1)
    sfan = jnp.take_along_axis(
        fan.reshape(nchunk, cseg), order, axis=1).reshape(-1)
    sperm = (order + jnp.arange(nchunk, dtype=jnp.int32)[:, None] * cseg
             ).astype(jnp.int32).reshape(-1)
    ngrp = nseg // L
    sgmax = jnp.max(sfan.reshape(ngrp, L), axis=1).astype(jnp.int32)
    sgmax = jnp.pad(sgmax, (0, _round_up(ngrp + L, L) - ngrp))
    cbase = jnp.pad(cbase, (0, _round_up(nchunk + L, L) - nchunk))

    return _segmax_sc(ptr, p, sr_pad, sstart, sfan, sperm, sgmax, cbase,
                      nseg=nseg, cseg=cseg, fmax=fmax, wcap=wcap)

# --- scband reference (transcript-rebuilt; emitter-appended) ---
"""Pipeline reference for scband-simple-dgtnsparse-15427522527291 (READ-ONLY COPY).

The authoritative reference and input builder live on the scoring server;
editing this copy changes nothing except your own understanding.
"""

import jax, jax.numpy as jnp
import numpy as np

B = 32
NUMENTS = 10000
NUMRELS = 128
NNZ = 320000
INDIM = 512
NSPLITS = 3

def _build_structures():
    rng = np.random.default_rng(0)
    triples = np.stack([rng.integers(0, NUMRELS, NNZ),
                        rng.integers(0, NUMENTS, NNZ),
                        rng.integers(0, NUMENTS, NNZ)], axis=1).astype(np.int64)
    triples = np.unique(triples, axis=0)
    order = np.argsort(triples[:, 2], kind='stable')
    triples = triples[order]
    relmask = np.zeros((NUMRELS, NUMENTS), dtype=np.int64)
    np.add.at(relmask, (triples[:, 0], triples[:, 1]), 1)
    relmask = relmask.astype(np.uint8)
    binmass = np.ceil(triples.shape[0] * 1.0 / NSPLITS)
    uniq, fanins = np.unique(triples[:, 2], return_counts=True)
    bins = []
    faninbins = []
    curmass = 0
    previ = 0
    for i in range(uniq.shape[0]):
        curmass += fanins[i]
        if curmass > binmass:
            bins.append(uniq[previ:i])
            faninbins.append(fanins[previ:i])
            curmass = 0
            previ = i
    bins.append(uniq[previ:])
    faninbins.append(fanins[previ:])
    groupbys = []
    masks = []
    acc = 0
    for b, bf in zip(bins, faninbins):
        if b.shape[0] == 0:
            continue
        g = np.zeros((b.shape[0], int(np.max(bf))), dtype=np.int64)
        m = np.zeros_like(g, dtype=np.uint8)
        for j in range(g.shape[0]):
            f = int(bf[j])
            g[j, :f] = np.arange(f) + acc
            m[j, :f] = 1
            acc += f
        groupbys.append(g)
        masks.append(m)
    return triples, relmask, groupbys, masks

def setup_inputs(seed: int = 0):
    triples, relmask, groupbys, masks = _build_structures()
    key = jax.random.key(seed)
    k1, k2, k3 = jax.random.split(key, 3)
    ptr = jax.random.uniform(k1, (B, NUMENTS), dtype=jnp.float32)
    travvec = jax.random.normal(k2, (B, INDIM), dtype=jnp.float32)
    W = jax.random.normal(k3, (NUMRELS, INDIM), dtype=jnp.float32) * 0.02
    return {
        'ptr': ptr,
        'travvec': travvec,
        'W': W,
        'tensor_idx': jnp.asarray(triples),
        'relmask': jnp.asarray(relmask.astype(np.float32)),
        'groupbys': tuple(jnp.asarray(g) for g in groupbys),
        'groupbymasks': tuple(jnp.asarray(m.astype(np.float32)) for m in masks),
    }

def reference(ptr, travvec, W, tensor_idx, relmask, groupbys, groupbymasks):
    # startweights = index_select(ptr, 1, tensor[:,1])
    startweights = jnp.take(ptr, tensor_idx[:, 1], axis=1)
    # relmask = (ptr.unsqueeze(1) * relmask.unsqueeze(0)).sum(2) > 0  (same math via einsum)
    rb = jnp.einsum('be,re->br', ptr, relmask) > 0
    # y = linout(travvec); masked softmax over rels
    y = travvec @ W.T
    ymax = jnp.max(jnp.where(rb, y, -jnp.inf), axis=1, keepdims=True)
    exps = jnp.where(rb, jnp.exp(y - ymax), 0.0)
    p = exps / jnp.sum(exps, axis=1, keepdims=True)
    relweights = jnp.take(p, tensor_idx[:, 0], axis=1)
    prod = startweights * relweights
    outs = []
    for g, m in zip(groupbys, groupbymasks):
        sel = jnp.take(prod, g.reshape(-1), axis=1).reshape(prod.shape[0], g.shape[0], g.shape[1])
        sel = sel * m[None, :, :]
        outs.append(jnp.max(sel, axis=2))
    return jnp.concatenate(outs, axis=1)

if __name__ == "__main__":
    import jax
    _d = setup_inputs()
    print(jax.jit(kernel)(*tuple(_d.values())))

</pallas_src>

<mosaic_0001>
#map = affine_map<(d0, d1) -> (0, 0)>
#map1 = affine_map<(d0, d1) -> (0)>
module attributes {stable_mosaic.version = 14 : i64} {
  func.func @k(%arg0: i32, %arg1: i32, %arg2: memref<32x10000xf32, #tpu.memory_space<hbm>>, %arg3: memref<32x128xf32, #tpu.memory_space<hbm>>, %arg4: memref<342064xi32, #tpu.memory_space<hbm>>, %arg5: memref<10000xi32, #tpu.memory_space<hbm>>, %arg6: memref<10000xi32, #tpu.memory_space<hbm>>, %arg7: memref<10000xi32, #tpu.memory_space<hbm>>, %arg8: memref<656xi32, #tpu.memory_space<hbm>>, %arg9: memref<48xi32, #tpu.memory_space<hbm>>, %arg10: memref<32x10000xf32, #tpu.memory_space<hbm>>, %arg11: memref<10000xf32, #tpu.memory_space<vmem>>, %arg12: memref<128xf32, #tpu.memory_space<vmem>>, %arg13: memref<10000xi32, #tpu.memory_space<vmem>>, %arg14: memref<10000xi32, #tpu.memory_space<vmem>>, %arg15: memref<10000xi32, #tpu.memory_space<vmem>>, %arg16: memref<656xi32, #tpu.memory_space<vmem>>, %arg17: memref<48xi32, #tpu.memory_space<vmem>>, %arg18: memref<22064xi32, #tpu.memory_space<vmem>>, %arg19: memref<22064xi32, #tpu.memory_space<vmem>>, %arg20: memref<10000xf32, #tpu.memory_space<vmem>>, %arg21: memref<!tpu.dma_semaphore, #tpu.memory_space<semaphore_mem>>, %arg22: memref<!tpu.dma_semaphore, #tpu.memory_space<semaphore_mem>>) attributes {dimension_semantics = [#tpu.dimension_semantics<core_parallel>, #tpu.dimension_semantics<subcore_parallel>], iteration_bounds = array<i64: 2, 16>, scalar_prefetch = 0 : i64, scratch_operands = 12 : i64, tpu.core_type = #tpu.core_type<sc_vector_subcore>, window_params = [{transform_indices = #map}, {transform_indices = #map}, {transform_indices = #map1}, {transform_indices = #map1}, {transform_indices = #map1}, {transform_indices = #map1}, {transform_indices = #map1}, {transform_indices = #map1}, {transform_indices = #map}]} {
    %mul3A = arith.constant 2 : i32
    %mul3A_0 = arith.muli %arg1, %mul3A : i32
    %add3A = arith.addi %mul3A_0, %arg0 : i32
    %dma_start3A = arith.constant 0 : i32
    %dma_start3A_1 = tpu.memref_slice %arg2[%add3A, %dma_start3A] : memref<32x10000xf32, #tpu.memory_space<hbm>> -> memref<1x10000xf32, #tpu.memory_space<hbm>>
    %dma_start3A_2 = tpu.memref_squeeze %dma_start3A_1 : memref<1x10000xf32, #tpu.memory_space<hbm>> -> memref<10000xf32, #tpu.memory_space<hbm>>
    %dma_start3A_3 = arith.constant 0 : i32
    %dma_start3A_4 = tpu.memref_slice %arg2[%add3A, %dma_start3A_3] : memref<32x10000xf32, #tpu.memory_space<hbm>> -> memref<1x10000xf32, #tpu.memory_space<hbm>>
    %dma_start3A_5 = tpu.memref_squeeze %dma_start3A_4 : memref<1x10000xf32, #tpu.memory_space<hbm>> -> memref<10000xf32, #tpu.memory_space<hbm>>
    tpu.enqueue_dma source(%dma_start3A_5 : memref<10000xf32, #tpu.memory_space<hbm>>) target(%arg11 : memref<10000xf32, #tpu.memory_space<vmem>>) target_semaphore(%arg22 : memref<!tpu.dma_semaphore, #tpu.memory_space<semaphore_mem>>)
    %dma_start3A_6 = arith.constant 0 : i32
    %dma_start3A_7 = tpu.memref_slice %arg3[%add3A, %dma_start3A_6] : memref<32x128xf32, #tpu.memory_space<hbm>> -> memref<1x128xf32, #tpu.memory_space<hbm>>
    %dma_start3A_8 = tpu.memref_squeeze %dma_start3A_7 : memref<1x128xf32, #tpu.memory_space<hbm>> -> memref<128xf32, #tpu.memory_space<hbm>>
    %dma_start3A_9 = arith.constant 0 : i32
    %dma_start3A_10 = tpu.memref_slice %arg3[%add3A, %dma_start3A_9] : memref<32x128xf32, #tpu.memory_space<hbm>> -> memref<1x128xf32, #tpu.memory_space<hbm>>
    %dma_start3A_11 = tpu.memref_squeeze %dma_start3A_10 : memref<1x128xf32, #tpu.memory_space<hbm>> -> memref<128xf32, #tpu.memory_space<hbm>>
    tpu.enqueue_dma source(%dma_start3A_11 : memref<128xf32, #tpu.memory_space<hbm>>) target(%arg12 : memref<128xf32, #tpu.memory_space<vmem>>) target_semaphore(%arg22 : memref<!tpu.dma_semaphore, #tpu.memory_space<semaphore_mem>>)
    tpu.enqueue_dma source(%arg5 : memref<10000xi32, #tpu.memory_space<hbm>>) target(%arg13 : memref<10000xi32, #tpu.memory_space<vmem>>) target_semaphore(%arg22 : memref<!tpu.dma_semaphore, #tpu.memory_space<semaphore_mem>>)
    tpu.enqueue_dma source(%arg6 : memref<10000xi32, #tpu.memory_space<hbm>>) target(%arg14 : memref<10000xi32, #tpu.memory_space<vmem>>) target_semaphore(%arg22 : memref<!tpu.dma_semaphore, #tpu.memory_space<semaphore_mem>>)
    tpu.enqueue_dma source(%arg7 : memref<10000xi32, #tpu.memory_space<hbm>>) target(%arg15 : memref<10000xi32, #tpu.memory_space<vmem>>) target_semaphore(%arg22 : memref<!tpu.dma_semaphore, #tpu.memory_space<semaphore_mem>>)
    tpu.enqueue_dma source(%arg8 : memref<656xi32, #tpu.memory_space<hbm>>) target(%arg16 : memref<656xi32, #tpu.memory_space<vmem>>) target_semaphore(%arg22 : memref<!tpu.dma_semaphore, #tpu.memory_space<semaphore_mem>>)
    tpu.enqueue_dma source(%arg9 : memref<48xi32, #tpu.memory_space<hbm>>) target(%arg17 : memref<48xi32, #tpu.memory_space<vmem>>) target_semaphore(%arg22 : memref<!tpu.dma_semaphore, #tpu.memory_space<semaphore_mem>>)
    %dma_wait3A = arith.constant 0 : i32
    %dma_wait3A_12 = tpu.memref_slice %arg2[%add3A, %dma_wait3A] : memref<32x10000xf32, #tpu.memory_space<hbm>> -> memref<1x10000xf32, #tpu.memory_space<hbm>>
    %dma_wait3A_13 = tpu.memref_squeeze %dma_wait3A_12 : memref<1x10000xf32, #tpu.memory_space<hbm>> -> memref<10000xf32, #tpu.memory_space<hbm>>
    %dma_wait3A_14 = arith.constant 0 : i32
    %dma_wait3A_15 = tpu.memref_slice %arg2[%add3A, %dma_wait3A_14] : memref<32x10000xf32, #tpu.memory_space<hbm>> -> memref<1x10000xf32, #tpu.memory_space<hbm>>
    %dma_wait3A_16 = tpu.memref_squeeze %dma_wait3A_15 : memref<1x10000xf32, #tpu.memory_space<hbm>> -> memref<10000xf32, #tpu.memory_space<hbm>>
    tpu.wait_dma2 semaphore(%arg22 : memref<!tpu.dma_semaphore, #tpu.memory_space<semaphore_mem>>) src(%dma_wait3A_16 : memref<10000xf32, #tpu.memory_space<hbm>>) dst(%arg11 : memref<10000xf32, #tpu.memory_space<vmem>>)
    %dma_wait3A_17 = arith.constant 0 : i32
    %dma_wait3A_18 = tpu.memref_slice %arg3[%add3A, %dma_wait3A_17] : memref<32x128xf32, #tpu.memory_space<hbm>> -> memref<1x128xf32, #tpu.memory_space<hbm>>
    %dma_wait3A_19 = tpu.memref_squeeze %dma_wait3A_18 : memref<1x128xf32, #tpu.memory_space<hbm>> -> memref<128xf32, #tpu.memory_space<hbm>>
    %dma_wait3A_20 = arith.constant 0 : i32
    %dma_wait3A_21 = tpu.memref_slice %arg3[%add3A, %dma_wait3A_20] : memref<32x128xf32, #tpu.memory_space<hbm>> -> memref<1x128xf32, #tpu.memory_space<hbm>>
    %dma_wait3A_22 = tpu.memref_squeeze %dma_wait3A_21 : memref<1x128xf32, #tpu.memory_space<hbm>> -> memref<128xf32, #tpu.memory_space<hbm>>
    tpu.wait_dma2 semaphore(%arg22 : memref<!tpu.dma_semaphore, #tpu.memory_space<semaphore_mem>>) src(%dma_wait3A_22 : memref<128xf32, #tpu.memory_space<hbm>>) dst(%arg12 : memref<128xf32, #tpu.memory_space<vmem>>)
    tpu.wait_dma2 semaphore(%arg22 : memref<!tpu.dma_semaphore, #tpu.memory_space<semaphore_mem>>) src(%arg5 : memref<10000xi32, #tpu.memory_space<hbm>>) dst(%arg13 : memref<10000xi32, #tpu.memory_space<vmem>>)
    tpu.wait_dma2 semaphore(%arg22 : memref<!tpu.dma_semaphore, #tpu.memory_space<semaphore_mem>>) src(%arg6 : memref<10000xi32, #tpu.memory_space<hbm>>) dst(%arg14 : memref<10000xi32, #tpu.memory_space<vmem>>)
    tpu.wait_dma2 semaphore(%arg22 : memref<!tpu.dma_semaphore, #tpu.memory_space<semaphore_mem>>) src(%arg7 : memref<10000xi32, #tpu.memory_space<hbm>>) dst(%arg15 : memref<10000xi32, #tpu.memory_space<vmem>>)
    tpu.wait_dma2 semaphore(%arg22 : memref<!tpu.dma_semaphore, #tpu.memory_space<semaphore_mem>>) src(%arg8 : memref<656xi32, #tpu.memory_space<hbm>>) dst(%arg16 : memref<656xi32, #tpu.memory_space<vmem>>)
    tpu.wait_dma2 semaphore(%arg22 : memref<!tpu.dma_semaphore, #tpu.memory_space<semaphore_mem>>) src(%arg9 : memref<48xi32, #tpu.memory_space<hbm>>) dst(%arg17 : memref<48xi32, #tpu.memory_space<vmem>>)
    %get3A = arith.constant 0 : index
    %get3A_23 = tpu.vector_load %arg17[%get3A] {strides = array<i32>} : memref<48xi32, #tpu.memory_space<vmem>>, vector<16xi32>,
    %slice3A = vector.extract_strided_slice %get3A_23 {offsets = [0], sizes = [1], strides = [1]} : vector<16xi32> to vector<1xi32>
    %squeeze3A = vector.extract %slice3A[0] : i32 from vector<1xi32>
    %multiple_of3A = tpu.assume_multiple %squeeze3A, 8 : i32
    %dma_start3A_24 = tpu.memref_slice %arg4[%multiple_of3A] : memref<342064xi32, #tpu.memory_space<hbm>> -> memref<22064xi32, #tpu.memory_space<hbm>>
    %dma_start3A_25 = tpu.memref_slice %arg4[%multiple_of3A] : memref<342064xi32, #tpu.memory_space<hbm>> -> memref<22064xi32, #tpu.memory_space<hbm>>
    tpu.enqueue_dma source(%dma_start3A_25 : memref<22064xi32, #tpu.memory_space<hbm>>) target(%arg18 : memref<22064xi32, #tpu.memory_space<vmem>>) target_semaphore(%arg21 : memref<!tpu.dma_semaphore, #tpu.memory_space<semaphore_mem>>)
    %scan3A = arith.constant 0 : i32
    %scan3A_26 = arith.constant 0 : i32
    %scan3A_27 = arith.constant 12 : i32
    %scan3A_28 = arith.addi %scan3A_26, %scan3A_27 : i32
    %scan3A_29 = arith.constant 1 : i32
    %scan3A_30 = scf.for %scan3A_57 = %scan3A_26 to %scan3A_28 step %scan3A_29 iter_args(%scan3A_58 = %scan3A) -> (i32)  : i32 {
      %mul3A_59 = arith.constant 2 : i32
      %mul3A_60 = arith.muli %scan3A_57, %mul3A_59 : i32
      %add3A_61 = arith.constant 1 : i32
      %add3A_62 = arith.addi %mul3A_60, %add3A_61 : i32
      %get3A_63 = arith.index_cast %add3A_62 : i32 to index
      %get3A_64 = tpu.vector_load %arg17[%get3A_63] {strides = array<i32>} : memref<48xi32, #tpu.memory_space<vmem>>, vector<16xi32>,
      %slice3A_65 = vector.extract_strided_slice %get3A_64 {offsets = [0], sizes = [1], strides = [1]} : vector<16xi32> to vector<1xi32>
      %squeeze3A_66 = vector.extract %slice3A_65[0] : i32 from vector<1xi32>
      %multiple_of3A_67 = tpu.assume_multiple %squeeze3A_66, 8 : i32
      %dma_start3A_68 = tpu.memref_slice %arg4[%multiple_of3A_67] : memref<342064xi32, #tpu.memory_space<hbm>> -> memref<22064xi32, #tpu.memory_space<hbm>>
      %dma_start3A_69 = tpu.memref_slice %arg4[%multiple_of3A_67] : memref<342064xi32, #tpu.memory_space<hbm>> -> memref<22064xi32, #tpu.memory_space<hbm>>
      tpu.enqueue_dma source(%dma_start3A_69 : memref<22064xi32, #tpu.memory_space<hbm>>) target(%arg19 : memref<22064xi32, #tpu.memory_space<vmem>>) target_semaphore(%arg22 : memref<!tpu.dma_semaphore, #tpu.memory_space<semaphore_mem>>)
      %dma_wait3A_70 = arith.constant 0 : i32
      %dma_wait3A_71 = tpu.memref_slice %arg4[%dma_wait3A_70] : memref<342064xi32, #tpu.memory_space<hbm>> -> memref<22064xi32, #tpu.memory_space<hbm>>
      %dma_wait3A_72 = arith.constant 0 : i32
      %dma_wait3A_73 = tpu.memref_slice %arg4[%dma_wait3A_72] : memref<342064xi32, #tpu.memory_space<hbm>> -> memref<22064xi32, #tpu.memory_space<hbm>>
      tpu.wait_dma2 semaphore(%arg21 : memref<!tpu.dma_semaphore, #tpu.memory_space<semaphore_mem>>) src(%dma_wait3A_73 : memref<22064xi32, #tpu.memory_space<hbm>>) dst(%arg18 : memref<22064xi32, #tpu.memory_space<vmem>>)
      %get3A_74 = arith.index_cast %mul3A_60 : i32 to index
      %get3A_75 = tpu.vector_load %arg17[%get3A_74] {strides = array<i32>} : memref<48xi32, #tpu.memory_space<vmem>>, vector<16xi32>,
      %slice3A_76 = vector.extract_strided_slice %get3A_75 {offsets = [0], sizes = [1], strides = [1]} : vector<16xi32> to vector<1xi32>
      %squeeze3A_77 = vector.extract %slice3A_76[0] : i32 from vector<1xi32>
      %parallel_loop3A_78 = arith.constant 0 : i32
      %parallel_loop3A_79 = arith.constant 3 : i32
      %parallel_loop3A_80 = arith.constant 1 : i32
      scf.for %parallel_loop3A_174 = %parallel_loop3A_78 to %parallel_loop3A_79 step %parallel_loop3A_80  : i32 {
        %parallel_loop3A_175 = arith.constant 400 : i32
        %parallel_loop3A_176 = arith.muli %mul3A_60, %parallel_loop3A_175 : i32
        %parallel_loop3A_177 = arith.constant 128 : i32
        %parallel_loop3A_178 = arith.muli %parallel_loop3A_174, %parallel_loop3A_177 : i32
        %parallel_loop3A_179 = arith.addi %parallel_loop3A_176, %parallel_loop3A_178 : i32
        %parallel_loop3A_180 = arith.constant 25 : i32
        %parallel_loop3A_181 = arith.muli %mul3A_60, %parallel_loop3A_180 : i32
        %parallel_loop3A_182 = arith.constant 8 : i32
        %parallel_loop3A_183 = arith.muli %parallel_loop3A_174, %parallel_loop3A_182 : i32
        %parallel_loop3A_184 = arith.addi %parallel_loop3A_181, %parallel_loop3A_183 : i32
        %parallel_loop3A_185 = arith.constant 0 : i32
        %parallel_loop3A_186 = arith.addi %parallel_loop3A_179, %parallel_loop3A_185 : i32
        %parallel_loop3A_187 = arith.index_cast %parallel_loop3A_186 : i32 to index
        %parallel_loop3A_188 = tpu.vector_load %arg13[%parallel_loop3A_187] {strides = array<i32>} : memref<10000xi32, #tpu.memory_space<vmem>>, vector<16xi32>,
        %parallel_loop3A_189 = vector.broadcast %squeeze3A_77 : i32 to vector<16xi32>
        %parallel_loop3A_190 = arith.subi %parallel_loop3A_188, %parallel_loop3A_189 : vector<16xi32>
        %parallel_loop3A_191 = arith.constant 16 : i32
        %parallel_loop3A_192 = arith.addi %parallel_loop3A_179, %parallel_loop3A_191 : i32
        %parallel_loop3A_193 = arith.index_cast %parallel_loop3A_192 : i32 to index
        %parallel_loop3A_194 = tpu.vector_load %arg13[%parallel_loop3A_193] {strides = array<i32>} : memref<10000xi32, #tpu.memory_space<vmem>>, vector<16xi32>,
        %parallel_loop3A_195 = vector.broadcast %squeeze3A_77 : i32 to vector<16xi32>
        %parallel_loop3A_196 = arith.subi %parallel_loop3A_194, %parallel_loop3A_195 : vector<16xi32>
        %parallel_loop3A_197 = arith.constant 32 : i32
        %parallel_loop3A_198 = arith.addi %parallel_loop3A_179, %parallel_loop3A_197 : i32
        %parallel_loop3A_199 = arith.index_cast %parallel_loop3A_198 : i32 to index
        %parallel_loop3A_200 = tpu.vector_load %arg13[%parallel_loop3A_199] {strides = array<i32>} : memref<10000xi32, #tpu.memory_space<vmem>>, vector<16xi32>,
        %parallel_loop3A_201 = vector.broadcast %squeeze3A_77 : i32 to vector<16xi32>
        %parallel_loop3A_202 = arith.subi %parallel_loop3A_200, %parallel_loop3A_201 : vector<16xi32>
        %parallel_loop3A_203 = arith.constant 48 : i32
        %parallel_loop3A_204 = arith.addi %parallel_loop3A_179, %parallel_loop3A_203 : i32
        %parallel_loop3A_205 = arith.index_cast %parallel_loop3A_204 : i32 to index
        %parallel_loop3A_206 = tpu.vector_load %arg13[%parallel_loop3A_205] {strides = array<i32>} : memref<10000xi32, #tpu.memory_space<vmem>>, vector<16xi32>,
        %parallel_loop3A_207 = vector.broadcast %squeeze3A_77 : i32 to vector<16xi32>
        %parallel_loop3A_208 = arith.subi %parallel_loop3A_206, %parallel_loop3A_207 : vector<16xi32>
        %parallel_loop3A_209 = arith.constant 64 : i32
        %parallel_loop3A_210 = arith.addi %parallel_loop3A_179, %parallel_loop3A_209 : i32
        %parallel_loop3A_211 = arith.index_cast %parallel_loop3A_210 : i32 to index
        %parallel_loop3A_212 = tpu.vector_load %arg13[%parallel_loop3A_211] {strides = array<i32>} : memref<10000xi32, #tpu.memory_space<vmem>>, vector<16xi32>,
        %parallel_loop3A_213 = vector.broadcast %squeeze3A_77 : i32 to vector<16xi32>
        %parallel_loop3A_214 = arith.subi %parallel_loop3A_212, %parallel_loop3A_213 : vector<16xi32>
        %parallel_loop3A_215 = arith.constant 80 : i32
        %parallel_loop3A_216 = arith.addi %parallel_loop3A_179, %parallel_loop3A_215 : i32
        %parallel_loop3A_217 = arith.index_cast %parallel_loop3A_216 : i32 to index
        %parallel_loop3A_218 = tpu.vector_load %arg13[%parallel_loop3A_217] {strides = array<i32>} : memref<10000xi32, #tpu.memory_space<vmem>>, vector<16xi32>,
        %parallel_loop3A_219 = vector.broadcast %squeeze3A_77 : i32 to vector<16xi32>
        %parallel_loop3A_220 = arith.subi %parallel_loop3A_218, %parallel_loop3A_219 : vector<16xi32>
        %parallel_loop3A_221 = arith.constant 96 : i32
        %parallel_loop3A_222 = arith.addi %parallel_loop3A_179, %parallel_loop3A_221 : i32
        %parallel_loop3A_223 = arith.index_cast %parallel_loop3A_222 : i32 to index
        %parallel_loop3A_224 = tpu.vector_load %arg13[%parallel_loop3A_223] {strides = array<i32>} : memref<10000xi32, #tpu.memory_space<vmem>>, vector<16xi32>,
        %parallel_loop3A_225 = vector.broadcast %squeeze3A_77 : i32 to vector<16xi32>
        %parallel_loop3A_226 = arith.subi %parallel_loop3A_224, %parallel_loop3A_225 : vector<16xi32>
        %parallel_loop3A_227 = arith.constant 112 : i32
        %parallel_loop3A_228 = arith.addi %parallel_loop3A_179, %parallel_loop3A_227 : i32
        %parallel_loop3A_229 = arith.index_cast %parallel_loop3A_228 : i32 to index
        %parallel_loop3A_230 = tpu.vector_load %arg13[%parallel_loop3A_229] {strides = array<i32>} : memref<10000xi32, #tpu.memory_space<vmem>>, vector<16xi32>,
        %parallel_loop3A_231 = vector.broadcast %squeeze3A_77 : i32 to vector<16xi32>
        %parallel_loop3A_232 = arith.subi %parallel_loop3A_230, %parallel_loop3A_231 : vector<16xi32>
        %parallel_loop3A_233 = arith.constant 0 : i32
        %parallel_loop3A_234 = arith.addi %parallel_loop3A_179, %parallel_loop3A_233 : i32
        %parallel_loop3A_235 = arith.index_cast %parallel_loop3A_234 : i32 to index
        %parallel_loop3A_236 = tpu.vector_load %arg14[%parallel_loop3A_235] {strides = array<i32>} : memref<10000xi32, #tpu.memory_space<vmem>>, vector<16xi32>,
        %parallel_loop3A_237 = arith.constant 16 : i32
        %parallel_loop3A_238 = arith.addi %parallel_loop3A_179, %parallel_loop3A_237 : i32
        %parallel_loop3A_239 = arith.index_cast %parallel_loop3A_238 : i32 to index
        %parallel_loop3A_240 = tpu.vector_load %arg14[%parallel_loop3A_239] {strides = array<i32>} : memref<10000xi32, #tpu.memory_space<vmem>>, vector<16xi32>,
        %parallel_loop3A_241 = arith.constant 32 : i32
        %parallel_loop3A_242 = arith.addi %parallel_loop3A_179, %parallel_loop3A_241 : i32
        %parallel_loop3A_243 = arith.index_cast %parallel_loop3A_242 : i32 to index
        %parallel_loop3A_244 = tpu.vector_load %arg14[%parallel_loop3A_243] {strides = array<i32>} : memref<10000xi32, #tpu.memory_space<vmem>>, vector<16xi32>,
        %parallel_loop3A_245 = arith.constant 48 : i32
        %parallel_loop3A_246 = arith.addi %parallel_loop3A_179, %parallel_loop3A_245 : i32
        %parallel_loop3A_247 = arith.index_cast %parallel_loop3A_246 : i32 to index
        %parallel_loop3A_248 = tpu.vector_load %arg14[%parallel_loop3A_247] {strides = array<i32>} : memref<10000xi32, #tpu.memory_space<vmem>>, vector<16xi32>,
        %parallel_loop3A_249 = arith.constant 64 : i32
        %parallel_loop3A_250 = arith.addi %parallel_loop3A_179, %parallel_loop3A_249 : i32
        %parallel_loop3A_251 = arith.index_cast %parallel_loop3A_250 : i32 to index
        %parallel_loop3A_252 = tpu.vector_load %arg14[%parallel_loop3A_251] {strides = array<i32>} : memref<10000xi32, #tpu.memory_space<vmem>>, vector<16xi32>,
        %parallel_loop3A_253 = arith.constant 80 : i32
        %parallel_loop3A_254 = arith.addi %parallel_loop3A_179, %parallel_loop3A_253 : i32
        %parallel_loop3A_255 = arith.index_cast %parallel_loop3A_254 : i32 to index
        %parallel_loop3A_256 = tpu.vector_load %arg14[%parallel_loop3A_255] {strides = array<i32>} : memref<10000xi32, #tpu.memory_space<vmem>>, vector<16xi32>,
        %parallel_loop3A_257 = arith.constant 96 : i32
        %parallel_loop3A_258 = arith.addi %parallel_loop3A_179, %parallel_loop3A_257 : i32
        %parallel_loop3A_259 = arith.index_cast %parallel_loop3A_258 : i32 to index
        %parallel_loop3A_260 = tpu.vector_load %arg14[%parallel_loop3A_259] {strides = array<i32>} : memref<10000xi32, #tpu.memory_space<vmem>>, vector<16xi32>,
        %parallel_loop3A_261 = arith.constant 112 : i32
        %parallel_loop3A_262 = arith.addi %parallel_loop3A_179, %parallel_loop3A_261 : i32
        %parallel_loop3A_263 = arith.index_cast %parallel_loop3A_262 : i32 to index
        %parallel_loop3A_264 = tpu.vector_load %arg14[%parallel_loop3A_263] {strides = array<i32>} : memref<10000xi32, #tpu.memory_space<vmem>>, vector<16xi32>,
        %parallel_loop3A_265 = arith.constant 0 : i32
        %parallel_loop3A_266 = arith.addi %parallel_loop3A_179, %parallel_loop3A_265 : i32
        %parallel_loop3A_267 = arith.index_cast %parallel_loop3A_266 : i32 to index
        %parallel_loop3A_268 = tpu.vector_load %arg15[%parallel_loop3A_267] {strides = array<i32>} : memref<10000xi32, #tpu.memory_space<vmem>>, vector<16xi32>,
        %parallel_loop3A_269 = arith.constant 16 : i32
        %parallel_loop3A_270 = arith.addi %parallel_loop3A_179, %parallel_loop3A_269 : i32
        %parallel_loop3A_271 = arith.index_cast %parallel_loop3A_270 : i32 to index
        %parallel_loop3A_272 = tpu.vector_load %arg15[%parallel_loop3A_271] {strides = array<i32>} : memref<10000xi32, #tpu.memory_space<vmem>>, vector<16xi32>,
        %parallel_loop3A_273 = arith.constant 32 : i32
        %parallel_loop3A_274 = arith.addi %parallel_loop3A_179, %parallel_loop3A_273 : i32
        %parallel_loop3A_275 = arith.index_cast %parallel_loop3A_274 : i32 to index
        %parallel_loop3A_276 = tpu.vector_load %arg15[%parallel_loop3A_275] {strides = array<i32>} : memref<10000xi32, #tpu.memory_space<vmem>>, vector<16xi32>,
        %parallel_loop3A_277 = arith.constant 48 : i32
        %parallel_loop3A_278 = arith.addi %parallel_loop3A_179, %parallel_loop3A_277 : i32
        %parallel_loop3A_279 = arith.index_cast %parallel_loop3A_278 : i32 to index
        %parallel_loop3A_280 = tpu.vector_load %arg15[%parallel_loop3A_279] {strides = array<i32>} : memref<10000xi32, #tpu.memory_space<vmem>>, vector<16xi32>,
        %parallel_loop3A_281 = arith.constant 64 : i32
        %parallel_loop3A_282 = arith.addi %parallel_loop3A_179, %parallel_loop3A_281 : i32
        %parallel_loop3A_283 = arith.index_cast %parallel_loop3A_282 : i32 to index
        %parallel_loop3A_284 = tpu.vector_load %arg15[%parallel_loop3A_283] {strides = array<i32>} : memref<10000xi32, #tpu.memory_space<vmem>>, vector<16xi32>,
        %parallel_loop3A_285 = arith.constant 80 : i32
        %parallel_loop3A_286 = arith.addi %parallel_loop3A_179, %parallel_loop3A_285 : i32
        %parallel_loop3A_287 = arith.index_cast %parallel_loop3A_286 : i32 to index
        %parallel_loop3A_288 = tpu.vector_load %arg15[%parallel_loop3A_287] {strides = array<i32>} : memref<10000xi32, #tpu.memory_space<vmem>>, vector<16xi32>,
        %parallel_loop3A_289 = arith.constant 96 : i32
        %parallel_loop3A_290 = arith.addi %parallel_loop3A_179, %parallel_loop3A_289 : i32
        %parallel_loop3A_291 = arith.index_cast %parallel_loop3A_290 : i32 to index
        %parallel_loop3A_292 = tpu.vector_load %arg15[%parallel_loop3A_291] {strides = array<i32>} : memref<10000xi32, #tpu.memory_space<vmem>>, vector<16xi32>,
        %parallel_loop3A_293 = arith.constant 112 : i32
        %parallel_loop3A_294 = arith.addi %parallel_loop3A_179, %parallel_loop3A_293 : i32
        %parallel_loop3A_295 = arith.index_cast %parallel_loop3A_294 : i32 to index
        %parallel_loop3A_296 = tpu.vector_load %arg15[%parallel_loop3A_295] {strides = array<i32>} : memref<10000xi32, #tpu.memory_space<vmem>>, vector<16xi32>,
        %parallel_loop3A_297 = arith.constant 8 : i32
        %parallel_loop3A_298 = arith.addi %parallel_loop3A_184, %parallel_loop3A_297 : i32
        %parallel_loop3A_299 = arith.constant 1 : i32
        %parallel_loop3A_300 = arith.subi %parallel_loop3A_298, %parallel_loop3A_299 : i32
        %parallel_loop3A_301 = arith.index_cast %parallel_loop3A_300 : i32 to index
        %parallel_loop3A_302 = tpu.vector_load %arg16[%parallel_loop3A_301] {strides = array<i32>} : memref<656xi32, #tpu.memory_space<vmem>>, vector<16xi32>,
        %parallel_loop3A_303 = vector.extract_strided_slice %parallel_loop3A_302 {offsets = [0], sizes = [1], strides = [1]} : vector<16xi32> to vector<1xi32>
        %parallel_loop3A_304 = vector.extract %parallel_loop3A_303[0] : i32 from vector<1xi32>
        %parallel_loop3A_305 = arith.constant 0.000000e+00 : f32
        %parallel_loop3A_306 = vector.broadcast %parallel_loop3A_305 : f32 to vector<16xf32>
        %parallel_loop3A_307 = arith.constant 0 : i32
        %parallel_loop3A_308 = arith.constant 1 : i32
        %parallel_loop3A_309:8 = scf.for %parallel_loop3A_310 = %parallel_loop3A_307 to %parallel_loop3A_304 step %parallel_loop3A_308 iter_args(%parallel_loop3A_311 = %parallel_loop3A_306, %parallel_loop3A_312 = %parallel_loop3A_306, %parallel_loop3A_313 = %parallel_loop3A_306, %parallel_loop3A_314 = %parallel_loop3A_306, %parallel_loop3A_315 = %parallel_loop3A_306, %parallel_loop3A_316 = %parallel_loop3A_306, %parallel_loop3A_317 = %parallel_loop3A_306, %parallel_loop3A_318 = %parallel_loop3A_306) -> (vector<16xf32>, vector<16xf32>, vector<16xf32>, vector<16xf32>, vector<16xf32>, vector<16xf32>, vector<16xf32>, vector<16xf32>)  : i32 {
          %parallel_loop3A_319 = vector.broadcast %parallel_loop3A_310 : i32 to vector<16xi32>
          %parallel_loop3A_320 = arith.addi %parallel_loop3A_190, %parallel_loop3A_319 : vector<16xi32>
          %parallel_loop3A_321 = tpu.vector_load_idx %arg18[%parallel_loop3A_320] : memref<22064xi32, #tpu.memory_space<vmem>>[vector<16xi32>], vector<16xi32>,
          %parallel_loop3A_322 = arith.constant 16383 : i32
          %parallel_loop3A_323 = vector.broadcast %parallel_loop3A_322 : i32 to vector<16xi32>
          %parallel_loop3A_324 = arith.andi %parallel_loop3A_321, %parallel_loop3A_323 : vector<16xi32>
          %parallel_loop3A_325 = arith.constant 14 : i32
          %parallel_loop3A_326 = vector.broadcast %parallel_loop3A_325 : i32 to vector<16xi32>
          %parallel_loop3A_327 = arith.shrsi %parallel_loop3A_321, %parallel_loop3A_326 : vector<16xi32>
          %parallel_loop3A_328 = tpu.vector_load_idx %arg11[%parallel_loop3A_324] : memref<10000xf32, #tpu.memory_space<vmem>>[vector<16xi32>], vector<16xf32>,
          %parallel_loop3A_329 = tpu.vector_load_idx %arg12[%parallel_loop3A_327] : memref<128xf32, #tpu.memory_space<vmem>>[vector<16xi32>], vector<16xf32>,
          %parallel_loop3A_330 = arith.mulf %parallel_loop3A_328, %parallel_loop3A_329 : vector<16xf32>
          %parallel_loop3A_331 = vector.broadcast %parallel_loop3A_310 : i32 to vector<16xi32>
          %parallel_loop3A_332 = arith.cmpi sgt, %parallel_loop3A_236, %parallel_loop3A_331 : vector<16xi32>
          %parallel_loop3A_333 = arith.constant 0.000000e+00 : f32
          %parallel_loop3A_334 = vector.broadcast %parallel_loop3A_333 : f32 to vector<16xf32>
          %parallel_loop3A_335 = arith.select %parallel_loop3A_332, %parallel_loop3A_330, %parallel_loop3A_334 : vector<16xi1>, vector<16xf32>
          %parallel_loop3A_336 = arith.maximumf %parallel_loop3A_311, %parallel_loop3A_335 : vector<16xf32>
          %parallel_loop3A_337 = vector.broadcast %parallel_loop3A_310 : i32 to vector<16xi32>
          %parallel_loop3A_338 = arith.addi %parallel_loop3A_196, %parallel_loop3A_337 : vector<16xi32>
          %parallel_loop3A_339 = tpu.vector_load_idx %arg18[%parallel_loop3A_338] : memref<22064xi32, #tpu.memory_space<vmem>>[vector<16xi32>], vector<16xi32>,
          %parallel_loop3A_340 = arith.constant 16383 : i32
          %parallel_loop3A_341 = vector.broadcast %parallel_loop3A_340 : i32 to vector<16xi32>
          %parallel_loop3A_342 = arith.andi %parallel_loop3A_339, %parallel_loop3A_341 : vector<16xi32>
          %parallel_loop3A_343 = arith.constant 14 : i32
          %parallel_loop3A_344 = vector.broadcast %parallel_loop3A_343 : i32 to vector<16xi32>
          %parallel_loop3A_345 = arith.shrsi %parallel_loop3A_339, %parallel_loop3A_344 : vector<16xi32>
          %parallel_loop3A_346 = tpu.vector_load_idx %arg11[%parallel_loop3A_342] : memref<10000xf32, #tpu.memory_space<vmem>>[vector<16xi32>], vector<16xf32>,
          %parallel_loop3A_347 = tpu.vector_load_idx %arg12[%parallel_loop3A_345] : memref<128xf32, #tpu.memory_space<vmem>>[vector<16xi32>], vector<16xf32>,
          %parallel_loop3A_348 = arith.mulf %parallel_loop3A_346, %parallel_loop3A_347 : vector<16xf32>
          %parallel_loop3A_349 = vector.broadcast %parallel_loop3A_310 : i32 to vector<16xi32>
          %parallel_loop3A_350 = arith.cmpi sgt, %parallel_loop3A_240, %parallel_loop3A_349 : vector<16xi32>
          %parallel_loop3A_351 = arith.constant 0.000000e+00 : f32
          %parallel_loop3A_352 = vector.broadcast %parallel_loop3A_351 : f32 to vector<16xf32>
          %parallel_loop3A_353 = arith.select %parallel_loop3A_350, %parallel_loop3A_348, %parallel_loop3A_352 : vector<16xi1>, vector<16xf32>
          %parallel_loop3A_354 = arith.maximumf %parallel_loop3A_312, %parallel_loop3A_353 : vector<16xf32>
          %parallel_loop3A_355 = vector.broadcast %parallel_loop3A_310 : i32 to vector<16xi32>
          %parallel_loop3A_356 = arith.addi %parallel_loop3A_202, %parallel_loop3A_355 : vector<16xi32>
          %parallel_loop3A_357 = tpu.vector_load_idx %arg18[%parallel_loop3A_356] : memref<22064xi32, #tpu.memory_space<vmem>>[vector<16xi32>], vector<16xi32>,
          %parallel_loop3A_358 = arith.constant 16383 : i32
          %parallel_loop3A_359 = vector.broadcast %parallel_loop3A_358 : i32 to vector<16xi32>
          %parallel_loop3A_360 = arith.andi %parallel_loop3A_357, %parallel_loop3A_359 : vector<16xi32>
          %parallel_loop3A_361 = arith.constant 14 : i32
          %parallel_loop3A_362 = vector.broadcast %parallel_loop3A_361 : i32 to vector<16xi32>
          %parallel_loop3A_363 = arith.shrsi %parallel_loop3A_357, %parallel_loop3A_362 : vector<16xi32>
          %parallel_loop3A_364 = tpu.vector_load_idx %arg11[%parallel_loop3A_360] : memref<10000xf32, #tpu.memory_space<vmem>>[vector<16xi32>], vector<16xf32>,
          %parallel_loop3A_365 = tpu.vector_load_idx %arg12[%parallel_loop3A_363] : memref<128xf32, #tpu.memory_space<vmem>>[vector<16xi32>], vector<16xf32>,
          %parallel_loop3A_366 = arith.mulf %parallel_loop3A_364, %parallel_loop3A_365 : vector<16xf32>
          %parallel_loop3A_367 = vector.broadcast %parallel_loop3A_310 : i32 to vector<16xi32>
          %parallel_loop3A_368 = arith.cmpi sgt, %parallel_loop3A_244, %parallel_loop3A_367 : vector<16xi32>
          %parallel_loop3A_369 = arith.constant 0.000000e+00 : f32
          %parallel_loop3A_370 = vector.broadcast %parallel_loop3A_369 : f32 to vector<16xf32>
          %parallel_loop3A_371 = arith.select %parallel_loop3A_368, %parallel_loop3A_366, %parallel_loop3A_370 : vector<16xi1>, vector<16xf32>
          %parallel_loop3A_372 = arith.maximumf %parallel_loop3A_313, %parallel_loop3A_371 : vector<16xf32>
          %parallel_loop3A_373 = vector.broadcast %parallel_loop3A_310 : i32 to vector<16xi32>
          %parallel_loop3A_374 = arith.addi %parallel_loop3A_208, %parallel_loop3A_373 : vector<16xi32>
          %parallel_loop3A_375 = tpu.vector_load_idx %arg18[%parallel_loop3A_374] : memref<22064xi32, #tpu.memory_space<vmem>>[vector<16xi32>], vector<16xi32>,
          %parallel_loop3A_376 = arith.constant 16383 : i32
          %parallel_loop3A_377 = vector.broadcast %parallel_loop3A_376 : i32 to vector<16xi32>
          %parallel_loop3A_378 = arith.andi %parallel_loop3A_375, %parallel_loop3A_377 : vector<16xi32>
          %parallel_loop3A_379 = arith.constant 14 : i32
          %parallel_loop3A_380 = vector.broadcast %parallel_loop3A_379 : i32 to vector<16xi32>
          %parallel_loop3A_381 = arith.shrsi %parallel_loop3A_375, %parallel_loop3A_380 : vector<16xi32>
          %parallel_loop3A_382 = tpu.vector_load_idx %arg11[%parallel_loop3A_378] : memref<10000xf32, #tpu.memory_space<vmem>>[vector<16xi32>], vector<16xf32>,
          %parallel_loop3A_383 = tpu.vector_load_idx %arg12[%parallel_loop3A_381] : memref<128xf32, #tpu.memory_space<vmem>>[vector<16xi32>], vector<16xf32>,
          %parallel_loop3A_384 = arith.mulf %parallel_loop3A_382, %parallel_loop3A_383 : vector<16xf32>
          %parallel_loop3A_385 = vector.broadcast %parallel_loop3A_310 : i32 to vector<16xi32>
          %parallel_loop3A_386 = arith.cmpi sgt, %parallel_loop3A_248, %parallel_loop3A_385 : vector<16xi32>
          %parallel_loop3A_387 = arith.constant 0.000000e+00 : f32
          %parallel_loop3A_388 = vector.broadcast %parallel_loop3A_387 : f32 to vector<16xf32>
          %parallel_loop3A_389 = arith.select %parallel_loop3A_386, %parallel_loop3A_384, %parallel_loop3A_388 : vector<16xi1>, vector<16xf32>
          %parallel_loop3A_390 = arith.maximumf %parallel_loop3A_314, %parallel_loop3A_389 : vector<16xf32>
          %parallel_loop3A_391 = vector.broadcast %parallel_loop3A_310 : i32 to vector<16xi32>
          %parallel_loop3A_392 = arith.addi %parallel_loop3A_214, %parallel_loop3A_391 : vector<16xi32>
          %parallel_loop3A_393 = tpu.vector_load_idx %arg18[%parallel_loop3A_392] : memref<22064xi32, #tpu.memory_space<vmem>>[vector<16xi32>], vector<16xi32>,
          %parallel_loop3A_394 = arith.constant 16383 : i32
          %parallel_loop3A_395 = vector.broadcast %parallel_loop3A_394 : i32 to vector<16xi32>
          %parallel_loop3A_396 = arith.andi %parallel_loop3A_393, %parallel_loop3A_395 : vector<16xi32>
          %parallel_loop3A_397 = arith.constant 14 : i32
          %parallel_loop3A_398 = vector.broadcast %parallel_loop3A_397 : i32 to vector<16xi32>
          %parallel_loop3A_399 = arith.shrsi %parallel_loop3A_393, %parallel_loop3A_398 : vector<16xi32>
          %parallel_loop3A_400 = tpu.vector_load_idx %arg11[%parallel_loop3A_396] : memref<10000xf32, #tpu.memory_space<vmem>>[vector<16xi32>], vector<16xf32>,
          %parallel_loop3A_401 = tpu.vector_load_idx %arg12[%parallel_loop3A_399] : memref<128xf32, #tpu.memory_space<vmem>>[vector<16xi32>], vector<16xf32>,
          %parallel_loop3A_402 = arith.mulf %parallel_loop3A_400, %parallel_loop3A_401 : vector<16xf32>
          %parallel_loop3A_403 = vector.broadcast %parallel_loop3A_310 : i32 to vector<16xi32>
          %parallel_loop3A_404 = arith.cmpi sgt, %parallel_loop3A_252, %parallel_loop3A_403 : vector<16xi32>
          %parallel_loop3A_405 = arith.constant 0.000000e+00 : f32
          %parallel_loop3A_406 = vector.broadcast %parallel_loop3A_405 : f32 to vector<16xf32>
          %parallel_loop3A_407 = arith.select %parallel_loop3A_404, %parallel_loop3A_402, %parallel_loop3A_406 : vector<16xi1>, vector<16xf32>
          %parallel_loop3A_408 = arith.maximumf %parallel_loop3A_315, %parallel_loop3A_407 : vector<16xf32>
          %parallel_loop3A_409 = vector.broadcast %parallel_loop3A_310 : i32 to vector<16xi32>
          %parallel_loop3A_410 = arith.addi %parallel_loop3A_220, %parallel_loop3A_409 : vector<16xi32>
          %parallel_loop3A_411 = tpu.vector_load_idx %arg18[%parallel_loop3A_410] : memref<22064xi32, #tpu.memory_space<vmem>>[vector<16xi32>], vector<16xi32>,
          %parallel_loop3A_412 = arith.constant 16383 : i32
          %parallel_loop3A_413 = vector.broadcast %parallel_loop3A_412 : i32 to vector<16xi32>
          %parallel_loop3A_414 = arith.andi %parallel_loop3A_411, %parallel_loop3A_413 : vector<16xi32>
          %parallel_loop3A_415 = arith.constant 14 : i32
          %parallel_loop3A_416 = vector.broadcast %parallel_loop3A_415 : i32 to vector<16xi32>
          %parallel_loop3A_417 = arith.shrsi %parallel_loop3A_411, %parallel_loop3A_416 : vector<16xi32>
          %parallel_loop3A_418 = tpu.vector_load_idx %arg11[%parallel_loop3A_414] : memref<10000xf32, #tpu.memory_space<vmem>>[vector<16xi32>], vector<16xf32>,
          %parallel_loop3A_419 = tpu.vector_load_idx %arg12[%parallel_loop3A_417] : memref<128xf32, #tpu.memory_space<vmem>>[vector<16xi32>], vector<16xf32>,
          %parallel_loop3A_420 = arith.mulf %parallel_loop3A_418, %parallel_loop3A_419 : vector<16xf32>
          %parallel_loop3A_421 = vector.broadcast %parallel_loop3A_310 : i32 to vector<16xi32>
          %parallel_loop3A_422 = arith.cmpi sgt, %parallel_loop3A_256, %parallel_loop3A_421 : vector<16xi32>
          %parallel_loop3A_423 = arith.constant 0.000000e+00 : f32
          %parallel_loop3A_424 = vector.broadcast %parallel_loop3A_423 : f32 to vector<16xf32>
          %parallel_loop3A_425 = arith.select %parallel_loop3A_422, %parallel_loop3A_420, %parallel_loop3A_424 : vector<16xi1>, vector<16xf32>
          %parallel_loop3A_426 = arith.maximumf %parallel_loop3A_316, %parallel_loop3A_425 : vector<16xf32>
          %parallel_loop3A_427 = vector.broadcast %parallel_loop3A_310 : i32 to vector<16xi32>
          %parallel_loop3A_428 = arith.addi %parallel_loop3A_226, %parallel_loop3A_427 : vector<16xi32>
          %parallel_loop3A_429 = tpu.vector_load_idx %arg18[%parallel_loop3A_428] : memref<22064xi32, #tpu.memory_space<vmem>>[vector<16xi32>], vector<16xi32>,
          %parallel_loop3A_430 = arith.constant 16383 : i32
          %parallel_loop3A_431 = vector.broadcast %parallel_loop3A_430 : i32 to vector<16xi32>
          %parallel_loop3A_432 = arith.andi %parallel_loop3A_429, %parallel_loop3A_431 : vector<16xi32>
          %parallel_loop3A_433 = arith.constant 14 : i32
          %parallel_loop3A_434 = vector.broadcast %parallel_loop3A_433 : i32 to vector<16xi32>
          %parallel_loop3A_435 = arith.shrsi %parallel_loop3A_429, %parallel_loop3A_434 : vector<16xi32>
          %parallel_loop3A_436 = tpu.vector_load_idx %arg11[%parallel_loop3A_432] : memref<10000xf32, #tpu.memory_space<vmem>>[vector<16xi32>], vector<16xf32>,
          %parallel_loop3A_437 = tpu.vector_load_idx %arg12[%parallel_loop3A_435] : memref<128xf32, #tpu.memory_space<vmem>>[vector<16xi32>], vector<16xf32>,
          %parallel_loop3A_438 = arith.mulf %parallel_loop3A_436, %parallel_loop3A_437 : vector<16xf32>
          %parallel_loop3A_439 = vector.broadcast %parallel_loop3A_310 : i32 to vector<16xi32>
          %parallel_loop3A_440 = arith.cmpi sgt, %parallel_loop3A_260, %parallel_loop3A_439 : vector<16xi32>
          %parallel_loop3A_441 = arith.constant 0.000000e+00 : f32
          %parallel_loop3A_442 = vector.broadcast %parallel_loop3A_441 : f32 to vector<16xf32>
          %parallel_loop3A_443 = arith.select %parallel_loop3A_440, %parallel_loop3A_438, %parallel_loop3A_442 : vector<16xi1>, vector<16xf32>
          %parallel_loop3A_444 = arith.maximumf %parallel_loop3A_317, %parallel_loop3A_443 : vector<16xf32>
          %parallel_loop3A_445 = vector.broadcast %parallel_loop3A_310 : i32 to vector<16xi32>
          %parallel_loop3A_446 = arith.addi %parallel_loop3A_232, %parallel_loop3A_445 : vector<16xi32>
          %parallel_loop3A_447 = tpu.vector_load_idx %arg18[%parallel_loop3A_446] : memref<22064xi32, #tpu.memory_space<vmem>>[vector<16xi32>], vector<16xi32>,
          %parallel_loop3A_448 = arith.constant 16383 : i32
          %parallel_loop3A_449 = vector.broadcast %parallel_loop3A_448 : i32 to vector<16xi32>
          %parallel_loop3A_450 = arith.andi %parallel_loop3A_447, %parallel_loop3A_449 : vector<16xi32>
          %parallel_loop3A_451 = arith.constant 14 : i32
          %parallel_loop3A_452 = vector.broadcast %parallel_loop3A_451 : i32 to vector<16xi32>
          %parallel_loop3A_453 = arith.shrsi %parallel_loop3A_447, %parallel_loop3A_452 : vector<16xi32>
          %parallel_loop3A_454 = tpu.vector_load_idx %arg11[%parallel_loop3A_450] : memref<10000xf32, #tpu.memory_space<vmem>>[vector<16xi32>], vector<16xf32>,
          %parallel_loop3A_455 = tpu.vector_load_idx %arg12[%parallel_loop3A_453] : memref<128xf32, #tpu.memory_space<vmem>>[vector<16xi32>], vector<16xf32>,
          %parallel_loop3A_456 = arith.mulf %parallel_loop3A_454, %parallel_loop3A_455 : vector<16xf32>
          %parallel_loop3A_457 = vector.broadcast %parallel_loop3A_310 : i32 to vector<16xi32>
          %parallel_loop3A_458 = arith.cmpi sgt, %parallel_loop3A_264, %parallel_loop3A_457 : vector<16xi32>
          %parallel_loop3A_459 = arith.constant 0.000000e+00 : f32
          %parallel_loop3A_460 = vector.broadcast %parallel_loop3A_459 : f32 to vector<16xf32>
          %parallel_loop3A_461 = arith.select %parallel_loop3A_458, %parallel_loop3A_456, %parallel_loop3A_460 : vector<16xi1>, vector<16xf32>
          %parallel_loop3A_462 = arith.maximumf %parallel_loop3A_318, %parallel_loop3A_461 : vector<16xf32>
          scf.yield %parallel_loop3A_336, %parallel_loop3A_354, %parallel_loop3A_372, %parallel_loop3A_390, %parallel_loop3A_408, %parallel_loop3A_426, %parallel_loop3A_444, %parallel_loop3A_462 : vector<16xf32>, vector<16xf32>, vector<16xf32>, vector<16xf32>, vector<16xf32>, vector<16xf32>, vector<16xf32>, vector<16xf32>
        } {sc.loop_unroll_factor = 1 : i64, sc.parallel_access}
        tpu.vector_store_idx %arg20[%parallel_loop3A_268], %parallel_loop3A_309#0 : memref<10000xf32, #tpu.memory_space<vmem>>[vector<16xi32>], vector<16xf32>,
        tpu.vector_store_idx %arg20[%parallel_loop3A_272], %parallel_loop3A_309#1 : memref<10000xf32, #tpu.memory_space<vmem>>[vector<16xi32>], vector<16xf32>,
        tpu.vector_store_idx %arg20[%parallel_loop3A_276], %parallel_loop3A_309#2 : memref<10000xf32, #tpu.memory_space<vmem>>[vector<16xi32>], vector<16xf32>,
        tpu.vector_store_idx %arg20[%parallel_loop3A_280], %parallel_loop3A_309#3 : memref<10000xf32, #tpu.memory_space<vmem>>[vector<16xi32>], vector<16xf32>,
        tpu.vector_store_idx %arg20[%parallel_loop3A_284], %parallel_loop3A_309#4 : memref<10000xf32, #tpu.memory_space<vmem>>[vector<16xi32>], vector<16xf32>,
        tpu.vector_store_idx %arg20[%parallel_loop3A_288], %parallel_loop3A_309#5 : memref<10000xf32, #tpu.memory_space<vmem>>[vector<16xi32>], vector<16xf32>,
        tpu.vector_store_idx %arg20[%parallel_loop3A_292], %parallel_loop3A_309#6 : memref<10000xf32, #tpu.memory_space<vmem>>[vector<16xi32>], vector<16xf32>,
        tpu.vector_store_idx %arg20[%parallel_loop3A_296], %parallel_loop3A_309#7 : memref<10000xf32, #tpu.memory_space<vmem>>[vector<16xi32>], vector<16xf32>,
      } {sc.loop_unroll_factor = 1 : i64, sc.parallel_access}
      %mul3A_81 = arith.constant 400 : i32
      %mul3A_82 = arith.muli %mul3A_60, %mul3A_81 : i32
      %add3A_83 = arith.constant 384 : i32
      %add3A_84 = arith.addi %mul3A_82, %add3A_83 : i32
      %mul3A_85 = arith.constant 25 : i32
      %mul3A_86 = arith.muli %mul3A_60, %mul3A_85 : i32
      %add3A_87 = arith.constant 24 : i32
      %add3A_88 = arith.addi %mul3A_86, %add3A_87 : i32
      %add3A_89 = arith.constant 0 : i32
      %add3A_90 = arith.addi %add3A_84, %add3A_89 : i32
      %get3A_91 = arith.index_cast %add3A_90 : i32 to index
      %get3A_92 = tpu.vector_load %arg13[%get3A_91] {strides = array<i32>} : memref<10000xi32, #tpu.memory_space<vmem>>, vector<16xi32>,
      %sub3A_93 = vector.broadcast %squeeze3A_77 : i32 to vector<16xi32>
      %sub3A_94 = arith.subi %get3A_92, %sub3A_93 : vector<16xi32>
      %add3A_95 = arith.constant 0 : i32
      %add3A_96 = arith.addi %add3A_84, %add3A_95 : i32
      %get3A_97 = arith.index_cast %add3A_96 : i32 to index
      %get3A_98 = tpu.vector_load %arg14[%get3A_97] {strides = array<i32>} : memref<10000xi32, #tpu.memory_space<vmem>>, vector<16xi32>,
      %add3A_99 = arith.constant 0 : i32
      %add3A_100 = arith.addi %add3A_84, %add3A_99 : i32
      %get3A_101 = arith.index_cast %add3A_100 : i32 to index
      %get3A_102 = tpu.vector_load %arg15[%get3A_101] {strides = array<i32>} : memref<10000xi32, #tpu.memory_space<vmem>>, vector<16xi32>,
      %add3A_103 = arith.constant 1 : i32
      %add3A_104 = arith.addi %add3A_88, %add3A_103 : i32
      %sub3A_105 = arith.constant 1 : i32
      %sub3A_106 = arith.subi %add3A_104, %sub3A_105 : i32
      %get3A_107 = arith.index_cast %sub3A_106 : i32 to index
      %get3A_108 = tpu.vector_load %arg16[%get3A_107] {strides = array<i32>} : memref<656xi32, #tpu.memory_space<vmem>>, vector<16xi32>,
      %slice3A_109 = vector.extract_strided_slice %get3A_108 {offsets = [0], sizes = [1], strides = [1]} : vector<16xi32> to vector<1xi32>
      %squeeze3A_110 = vector.extract %slice3A_109[0] : i32 from vector<1xi32>
      %broadcast_in_dim3A_111 = arith.constant 0.000000e+00 : f32
      %broadcast_in_dim3A_112 = vector.broadcast %broadcast_in_dim3A_111 : f32 to vector<16xf32>
      %parallel_loop3A_113 = arith.constant 0 : i32
      %parallel_loop3A_114 = arith.constant 1 : i32
      %parallel_loop3A_115 = scf.for %parallel_loop3A_174 = %parallel_loop3A_113 to %squeeze3A_110 step %parallel_loop3A_114 iter_args(%parallel_loop3A_175 = %broadcast_in_dim3A_112) -> (vector<16xf32>)  : i32 {
        %parallel_loop3A_176 = vector.broadcast %parallel_loop3A_174 : i32 to vector<16xi32>
        %parallel_loop3A_177 = arith.addi %sub3A_94, %parallel_loop3A_176 : vector<16xi32>
        %parallel_loop3A_178 = tpu.vector_load_idx %arg18[%parallel_loop3A_177] : memref<22064xi32, #tpu.memory_space<vmem>>[vector<16xi32>], vector<16xi32>,
        %parallel_loop3A_179 = arith.constant 16383 : i32
        %parallel_loop3A_180 = vector.broadcast %parallel_loop3A_179 : i32 to vector<16xi32>
        %parallel_loop3A_181 = arith.andi %parallel_loop3A_178, %parallel_loop3A_180 : vector<16xi32>
        %parallel_loop3A_182 = arith.constant 14 : i32
        %parallel_loop3A_183 = vector.broadcast %parallel_loop3A_182 : i32 to vector<16xi32>
        %parallel_loop3A_184 = arith.shrsi %parallel_loop3A_178, %parallel_loop3A_183 : vector<16xi32>
        %parallel_loop3A_185 = tpu.vector_load_idx %arg11[%parallel_loop3A_181] : memref<10000xf32, #tpu.memory_space<vmem>>[vector<16xi32>], vector<16xf32>,
        %parallel_loop3A_186 = tpu.vector_load_idx %arg12[%parallel_loop3A_184] : memref<128xf32, #tpu.memory_space<vmem>>[vector<16xi32>], vector<16xf32>,
        %parallel_loop3A_187 = arith.mulf %parallel_loop3A_185, %parallel_loop3A_186 : vector<16xf32>
        %parallel_loop3A_188 = vector.broadcast %parallel_loop3A_174 : i32 to vector<16xi32>
        %parallel_loop3A_189 = arith.cmpi sgt, %get3A_98, %parallel_loop3A_188 : vector<16xi32>
        %parallel_loop3A_190 = arith.constant 0.000000e+00 : f32
        %parallel_loop3A_191 = vector.broadcast %parallel_loop3A_190 : f32 to vector<16xf32>
        %parallel_loop3A_192 = arith.select %parallel_loop3A_189, %parallel_loop3A_187, %parallel_loop3A_191 : vector<16xi1>, vector<16xf32>
        %parallel_loop3A_193 = arith.maximumf %parallel_loop3A_175, %parallel_loop3A_192 : vector<16xf32>
        scf.yield %parallel_loop3A_193 : vector<16xf32>
      } {sc.loop_unroll_factor = 4 : i64, sc.parallel_access}
      tpu.vector_store_idx %arg20[%get3A_102], %parallel_loop3A_115 : memref<10000xf32, #tpu.memory_space<vmem>>[vector<16xi32>], vector<16xf32>,
      %add3A_116 = arith.constant 2 : i32
      %add3A_117 = arith.addi %mul3A_60, %add3A_116 : i32
      %get3A_118 = arith.index_cast %add3A_117 : i32 to index
      %get3A_119 = tpu.vector_load %arg17[%get3A_118] {strides = array<i32>} : memref<48xi32, #tpu.memory_space<vmem>>, vector<16xi32>,
      %slice3A_120 = vector.extract_strided_slice %get3A_119 {offsets = [0], sizes = [1], strides = [1]} : vector<16xi32> to vector<1xi32>
      %squeeze3A_121 = vector.extract %slice3A_120[0] : i32 from vector<1xi32>
      %multiple_of3A_122 = tpu.assume_multiple %squeeze3A_121, 8 : i32
      %dma_start3A_123 = tpu.memref_slice %arg4[%multiple_of3A_122] : memref<342064xi32, #tpu.memory_space<hbm>> -> memref<22064xi32, #tpu.memory_space<hbm>>
      %dma_start3A_124 = tpu.memref_slice %arg4[%multiple_of3A_122] : memref<342064xi32, #tpu.memory_space<hbm>> -> memref<22064xi32, #tpu.memory_space<hbm>>
      tpu.enqueue_dma source(%dma_start3A_124 : memref<22064xi32, #tpu.memory_space<hbm>>) target(%arg18 : memref<22064xi32, #tpu.memory_space<vmem>>) target_semaphore(%arg21 : memref<!tpu.dma_semaphore, #tpu.memory_space<semaphore_mem>>)
      %dma_wait3A_125 = arith.constant 0 : i32
      %dma_wait3A_126 = tpu.memref_slice %arg4[%dma_wait3A_125] : memref<342064xi32, #tpu.memory_space<hbm>> -> memref<22064xi32, #tpu.memory_space<hbm>>
      %dma_wait3A_127 = arith.constant 0 : i32
      %dma_wait3A_128 = tpu.memref_slice %arg4[%dma_wait3A_127] : memref<342064xi32, #tpu.memory_space<hbm>> -> memref<22064xi32, #tpu.memory_space<hbm>>
      tpu.wait_dma2 semaphore(%arg22 : memref<!tpu.dma_semaphore, #tpu.memory_space<semaphore_mem>>) src(%dma_wait3A_128 : memref<22064xi32, #tpu.memory_space<hbm>>) dst(%arg19 : memref<22064xi32, #tpu.memory_space<vmem>>)
      %add3A_129 = arith.constant 1 : i32
      %add3A_130 = arith.addi %mul3A_60, %add3A_129 : i32
      %get3A_131 = arith.index_cast %add3A_130 : i32 to index
      %get3A_132 = tpu.vector_load %arg17[%get3A_131] {strides = array<i32>} : memref<48xi32, #tpu.memory_space<vmem>>, vector<16xi32>,
      %slice3A_133 = vector.extract_strided_slice %get3A_132 {offsets = [0], sizes = [1], strides = [1]} : vector<16xi32> to vector<1xi32>
      %squeeze3A_134 = vector.extract %slice3A_133[0] : i32 from vector<1xi32>
      %parallel_loop3A_135 = arith.constant 0 : i32
      %parallel_loop3A_136 = arith.constant 3 : i32
      %parallel_loop3A_137 = arith.constant 1 : i32
      scf.for %parallel_loop3A_174 = %parallel_loop3A_135 to %parallel_loop3A_136 step %parallel_loop3A_137  : i32 {
        %parallel_loop3A_175 = arith.constant 400 : i32
        %parallel_loop3A_176 = arith.muli %add3A_130, %parallel_loop3A_175 : i32
        %parallel_loop3A_177 = arith.constant 128 : i32
        %parallel_loop3A_178 = arith.muli %parallel_loop3A_174, %parallel_loop3A_177 : i32
        %parallel_loop3A_179 = arith.addi %parallel_loop3A_176, %parallel_loop3A_178 : i32
        %parallel_loop3A_180 = arith.constant 25 : i32
        %parallel_loop3A_181 = arith.muli %add3A_130, %parallel_loop3A_180 : i32
        %parallel_loop3A_182 = arith.constant 8 : i32
        %parallel_loop3A_183 = arith.muli %parallel_loop3A_174, %parallel_loop3A_182 : i32
        %parallel_loop3A_184 = arith.addi %parallel_loop3A_181, %parallel_loop3A_183 : i32
        %parallel_loop3A_185 = arith.constant 0 : i32
        %parallel_loop3A_186 = arith.addi %parallel_loop3A_179, %parallel_loop3A_185 : i32
        %parallel_loop3A_187 = arith.index_cast %parallel_loop3A_186 : i32 to index
        %parallel_loop3A_188 = tpu.vector_load %arg13[%parallel_loop3A_187] {strides = array<i32>} : memref<10000xi32, #tpu.memory_space<vmem>>, vector<16xi32>,
        %parallel_loop3A_189 = vector.broadcast %squeeze3A_134 : i32 to vector<16xi32>
        %parallel_loop3A_190 = arith.subi %parallel_loop3A_188, %parallel_loop3A_189 : vector<16xi32>
        %parallel_loop3A_191 = arith.constant 16 : i32
        %parallel_loop3A_192 = arith.addi %parallel_loop3A_179, %parallel_loop3A_191 : i32
        %parallel_loop3A_193 = arith.index_cast %parallel_loop3A_192 : i32 to index
        %parallel_loop3A_194 = tpu.vector_load %arg13[%parallel_loop3A_193] {strides = array<i32>} : memref<10000xi32, #tpu.memory_space<vmem>>, vector<16xi32>,
        %parallel_loop3A_195 = vector.broadcast %squeeze3A_134 : i32 to vector<16xi32>
        %parallel_loop3A_196 = arith.subi %parallel_loop3A_194, %parallel_loop3A_195 : vector<16xi32>
        %parallel_loop3A_197 = arith.constant 32 : i32
        %parallel_loop3A_198 = arith.addi %parallel_loop3A_179, %parallel_loop3A_197 : i32
        %parallel_loop3A_199 = arith.index_cast %parallel_loop3A_198 : i32 to index
        %parallel_loop3A_200 = tpu.vector_load %arg13[%parallel_loop3A_199] {strides = array<i32>} : memref<10000xi32, #tpu.memory_space<vmem>>, vector<16xi32>,
        %parallel_loop3A_201 = vector.broadcast %squeeze3A_134 : i32 to vector<16xi32>
        %parallel_loop3A_202 = arith.subi %parallel_loop3A_200, %parallel_loop3A_201 : vector<16xi32>
        %parallel_loop3A_203 = arith.constant 48 : i32
        %parallel_loop3A_204 = arith.addi %parallel_loop3A_179, %parallel_loop3A_203 : i32
        %parallel_loop3A_205 = arith.index_cast %parallel_loop3A_204 : i32 to index
        %parallel_loop3A_206 = tpu.vector_load %arg13[%parallel_loop3A_205] {strides = array<i32>} : memref<10000xi32, #tpu.memory_space<vmem>>, vector<16xi32>,
        %parallel_loop3A_207 = vector.broadcast %squeeze3A_134 : i32 to vector<16xi32>
        %parallel_loop3A_208 = arith.subi %parallel_loop3A_206, %parallel_loop3A_207 : vector<16xi32>
        %parallel_loop3A_209 = arith.constant 64 : i32
        %parallel_loop3A_210 = arith.addi %parallel_loop3A_179, %parallel_loop3A_209 : i32
        %parallel_loop3A_211 = arith.index_cast %parallel_loop3A_210 : i32 to index
        %parallel_loop3A_212 = tpu.vector_load %arg13[%parallel_loop3A_211] {strides = array<i32>} : memref<10000xi32, #tpu.memory_space<vmem>>, vector<16xi32>,
        %parallel_loop3A_213 = vector.broadcast %squeeze3A_134 : i32 to vector<16xi32>
        %parallel_loop3A_214 = arith.subi %parallel_loop3A_212, %parallel_loop3A_213 : vector<16xi32>
        %parallel_loop3A_215 = arith.constant 80 : i32
        %parallel_loop3A_216 = arith.addi %parallel_loop3A_179, %parallel_loop3A_215 : i32
        %parallel_loop3A_217 = arith.index_cast %parallel_loop3A_216 : i32 to index
        %parallel_loop3A_218 = tpu.vector_load %arg13[%parallel_loop3A_217] {strides = array<i32>} : memref<10000xi32, #tpu.memory_space<vmem>>, vector<16xi32>,
        %parallel_loop3A_219 = vector.broadcast %squeeze3A_134 : i32 to vector<16xi32>
        %parallel_loop3A_220 = arith.subi %parallel_loop3A_218, %parallel_loop3A_219 : vector<16xi32>
        %parallel_loop3A_221 = arith.constant 96 : i32
        %parallel_loop3A_222 = arith.addi %parallel_loop3A_179, %parallel_loop3A_221 : i32
        %parallel_loop3A_223 = arith.index_cast %parallel_loop3A_222 : i32 to index
        %parallel_loop3A_224 = tpu.vector_load %arg13[%parallel_loop3A_223] {strides = array<i32>} : memref<10000xi32, #tpu.memory_space<vmem>>, vector<16xi32>,
        %parallel_loop3A_225 = vector.broadcast %squeeze3A_134 : i32 to vector<16xi32>
        %parallel_loop3A_226 = arith.subi %parallel_loop3A_224, %parallel_loop3A_225 : vector<16xi32>
        %parallel_loop3A_227 = arith.constant 112 : i32
        %parallel_loop3A_228 = arith.addi %parallel_loop3A_179, %parallel_loop3A_227 : i32
        %parallel_loop3A_229 = arith.index_cast %parallel_loop3A_228 : i32 to index
        %parallel_loop3A_230 = tpu.vector_load %arg13[%parallel_loop3A_229] {strides = array<i32>} : memref<10000xi32, #tpu.memory_space<vmem>>, vector<16xi32>,
        %parallel_loop3A_231 = vector.broadcast %squeeze3A_134 : i32 to vector<16xi32>
        %parallel_loop3A_232 = arith.subi %parallel_loop3A_230, %parallel_loop3A_231 : vector<16xi32>
        %parallel_loop3A_233 = arith.constant 0 : i32
        %parallel_loop3A_234 = arith.addi %parallel_loop3A_179, %parallel_loop3A_233 : i32
        %parallel_loop3A_235 = arith.index_cast %parallel_loop3A_234 : i32 to index
        %parallel_loop3A_236 = tpu.vector_load %arg14[%parallel_loop3A_235] {strides = array<i32>} : memref<10000xi32, #tpu.memory_space<vmem>>, vector<16xi32>,
        %parallel_loop3A_237 = arith.constant 16 : i32
        %parallel_loop3A_238 = arith.addi %parallel_loop3A_179, %parallel_loop3A_237 : i32
        %parallel_loop3A_239 = arith.index_cast %parallel_loop3A_238 : i32 to index
        %parallel_loop3A_240 = tpu.vector_load %arg14[%parallel_loop3A_239] {strides = array<i32>} : memref<10000xi32, #tpu.memory_space<vmem>>, vector<16xi32>,
        %parallel_loop3A_241 = arith.constant 32 : i32
        %parallel_loop3A_242 = arith.addi %parallel_loop3A_179, %parallel_loop3A_241 : i32
        %parallel_loop3A_243 = arith.index_cast %parallel_loop3A_242 : i32 to index
        %parallel_loop3A_244 = tpu.vector_load %arg14[%parallel_loop3A_243] {strides = array<i32>} : memref<10000xi32, #tpu.memory_space<vmem>>, vector<16xi32>,
        %parallel_loop3A_245 = arith.constant 48 : i32
        %parallel_loop3A_246 = arith.addi %parallel_loop3A_179, %parallel_loop3A_245 : i32
        %parallel_loop3A_247 = arith.index_cast %parallel_loop3A_246 : i32 to index
        %parallel_loop3A_248 = tpu.vector_load %arg14[%parallel_loop3A_247] {strides = array<i32>} : memref<10000xi32, #tpu.memory_space<vmem>>, vector<16xi32>,
        %parallel_loop3A_249 = arith.constant 64 : i32
        %parallel_loop3A_250 = arith.addi %parallel_loop3A_179, %parallel_loop3A_249 : i32
        %parallel_loop3A_251 = arith.index_cast %parallel_loop3A_250 : i32 to index
        %parallel_loop3A_252 = tpu.vector_load %arg14[%parallel_loop3A_251] {strides = array<i32>} : memref<10000xi32, #tpu.memory_space<vmem>>, vector<16xi32>,
        %parallel_loop3A_253 = arith.constant 80 : i32
        %parallel_loop3A_254 = arith.addi %parallel_loop3A_179, %parallel_loop3A_253 : i32
        %parallel_loop3A_255 = arith.index_cast %parallel_loop3A_254 : i32 to index
        %parallel_loop3A_256 = tpu.vector_load %arg14[%parallel_loop3A_255] {strides = array<i32>} : memref<10000xi32, #tpu.memory_space<vmem>>, vector<16xi32>,
        %parallel_loop3A_257 = arith.constant 96 : i32
        %parallel_loop3A_258 = arith.addi %parallel_loop3A_179, %parallel_loop3A_257 : i32
        %parallel_loop3A_259 = arith.index_cast %parallel_loop3A_258 : i32 to index
        %parallel_loop3A_260 = tpu.vector_load %arg14[%parallel_loop3A_259] {strides = array<i32>} : memref<10000xi32, #tpu.memory_space<vmem>>, vector<16xi32>,
        %parallel_loop3A_261 = arith.constant 112 : i32
        %parallel_loop3A_262 = arith.addi %parallel_loop3A_179, %parallel_loop3A_261 : i32
        %parallel_loop3A_263 = arith.index_cast %parallel_loop3A_262 : i32 to index
        %parallel_loop3A_264 = tpu.vector_load %arg14[%parallel_loop3A_263] {strides = array<i32>} : memref<10000xi32, #tpu.memory_space<vmem>>, vector<16xi32>,
        %parallel_loop3A_265 = arith.constant 0 : i32
        %parallel_loop3A_266 = arith.addi %parallel_loop3A_179, %parallel_loop3A_265 : i32
        %parallel_loop3A_267 = arith.index_cast %parallel_loop3A_266 : i32 to index
        %parallel_loop3A_268 = tpu.vector_load %arg15[%parallel_loop3A_267] {strides = array<i32>} : memref<10000xi32, #tpu.memory_space<vmem>>, vector<16xi32>,
        %parallel_loop3A_269 = arith.constant 16 : i32
        %parallel_loop3A_270 = arith.addi %parallel_loop3A_179, %parallel_loop3A_269 : i32
        %parallel_loop3A_271 = arith.index_cast %parallel_loop3A_270 : i32 to index
        %parallel_loop3A_272 = tpu.vector_load %arg15[%parallel_loop3A_271] {strides = array<i32>} : memref<10000xi32, #tpu.memory_space<vmem>>, vector<16xi32>,
        %parallel_loop3A_273 = arith.constant 32 : i32
        %parallel_loop3A_274 = arith.addi %parallel_loop3A_179, %parallel_loop3A_273 : i32
        %parallel_loop3A_275 = arith.index_cast %parallel_loop3A_274 : i32 to index
        %parallel_loop3A_276 = tpu.vector_load %arg15[%parallel_loop3A_275] {strides = array<i32>} : memref<10000xi32, #tpu.memory_space<vmem>>, vector<16xi32>,
        %parallel_loop3A_277 = arith.constant 48 : i32
        %parallel_loop3A_278 = arith.addi %parallel_loop3A_179, %parallel_loop3A_277 : i32
        %parallel_loop3A_279 = arith.index_cast %parallel_loop3A_278 : i32 to index
        %parallel_loop3A_280 = tpu.vector_load %arg15[%parallel_loop3A_279] {strides = array<i32>} : memref<10000xi32, #tpu.memory_space<vmem>>, vector<16xi32>,
        %parallel_loop3A_281 = arith.constant 64 : i32
        %parallel_loop3A_282 = arith.addi %parallel_loop3A_179, %parallel_loop3A_281 : i32
        %parallel_loop3A_283 = arith.index_cast %parallel_loop3A_282 : i32 to index
        %parallel_loop3A_284 = tpu.vector_load %arg15[%parallel_loop3A_283] {strides = array<i32>} : memref<10000xi32, #tpu.memory_space<vmem>>, vector<16xi32>,
        %parallel_loop3A_285 = arith.constant 80 : i32
        %parallel_loop3A_286 = arith.addi %parallel_loop3A_179, %parallel_loop3A_285 : i32
        %parallel_loop3A_287 = arith.index_cast %parallel_loop3A_286 : i32 to index
        %parallel_loop3A_288 = tpu.vector_load %arg15[%parallel_loop3A_287] {strides = array<i32>} : memref<10000xi32, #tpu.memory_space<vmem>>, vector<16xi32>,
        %parallel_loop3A_289 = arith.constant 96 : i32
        %parallel_loop3A_290 = arith.addi %parallel_loop3A_179, %parallel_loop3A_289 : i32
        %parallel_loop3A_291 = arith.index_cast %parallel_loop3A_290 : i32 to index
        %parallel_loop3A_292 = tpu.vector_load %arg15[%parallel_loop3A_291] {strides = array<i32>} : memref<10000xi32, #tpu.memory_space<vmem>>, vector<16xi32>,
        %parallel_loop3A_293 = arith.constant 112 : i32
        %parallel_loop3A_294 = arith.addi %parallel_loop3A_179, %parallel_loop3A_293 : i32
        %parallel_loop3A_295 = arith.index_cast %parallel_loop3A_294 : i32 to index
        %parallel_loop3A_296 = tpu.vector_load %arg15[%parallel_loop3A_295] {strides = array<i32>} : memref<10000xi32, #tpu.memory_space<vmem>>, vector<16xi32>,
        %parallel_loop3A_297 = arith.constant 8 : i32
        %parallel_loop3A_298 = arith.addi %parallel_loop3A_184, %parallel_loop3A_297 : i32
        %parallel_loop3A_299 = arith.constant 1 : i32
        %parallel_loop3A_300 = arith.subi %parallel_loop3A_298, %parallel_loop3A_299 : i32
        %parallel_loop3A_301 = arith.index_cast %parallel_loop3A_300 : i32 to index
        %parallel_loop3A_302 = tpu.vector_load %arg16[%parallel_loop3A_301] {strides = array<i32>} : memref<656xi32, #tpu.memory_space<vmem>>, vector<16xi32>,
        %parallel_loop3A_303 = vector.extract_strided_slice %parallel_loop3A_302 {offsets = [0], sizes = [1], strides = [1]} : vector<16xi32> to vector<1xi32>
        %parallel_loop3A_304 = vector.extract %parallel_loop3A_303[0] : i32 from vector<1xi32>
        %parallel_loop3A_305 = arith.constant 0.000000e+00 : f32
        %parallel_loop3A_306 = vector.broadcast %parallel_loop3A_305 : f32 to vector<16xf32>
        %parallel_loop3A_307 = arith.constant 0 : i32
        %parallel_loop3A_308 = arith.constant 1 : i32
        %parallel_loop3A_309:8 = scf.for %parallel_loop3A_310 = %parallel_loop3A_307 to %parallel_loop3A_304 step %parallel_loop3A_308 iter_args(%parallel_loop3A_311 = %parallel_loop3A_306, %parallel_loop3A_312 = %parallel_loop3A_306, %parallel_loop3A_313 = %parallel_loop3A_306, %parallel_loop3A_314 = %parallel_loop3A_306, %parallel_loop3A_315 = %parallel_loop3A_306, %parallel_loop3A_316 = %parallel_loop3A_306, %parallel_loop3A_317 = %parallel_loop3A_306, %parallel_loop3A_318 = %parallel_loop3A_306) -> (vector<16xf32>, vector<16xf32>, vector<16xf32>, vector<16xf32>, vector<16xf32>, vector<16xf32>, vector<16xf32>, vector<16xf32>)  : i32 {
          %parallel_loop3A_319 = vector.broadcast %parallel_loop3A_310 : i32 to vector<16xi32>
          %parallel_loop3A_320 = arith.addi %parallel_loop3A_190, %parallel_loop3A_319 : vector<16xi32>
          %parallel_loop3A_321 = tpu.vector_load_idx %arg19[%parallel_loop3A_320] : memref<22064xi32, #tpu.memory_space<vmem>>[vector<16xi32>], vector<16xi32>,
          %parallel_loop3A_322 = arith.constant 16383 : i32
          %parallel_loop3A_323 = vector.broadcast %parallel_loop3A_322 : i32 to vector<16xi32>
          %parallel_loop3A_324 = arith.andi %parallel_loop3A_321, %parallel_loop3A_323 : vector<16xi32>
          %parallel_loop3A_325 = arith.constant 14 : i32
          %parallel_loop3A_326 = vector.broadcast %parallel_loop3A_325 : i32 to vector<16xi32>
          %parallel_loop3A_327 = arith.shrsi %parallel_loop3A_321, %parallel_loop3A_326 : vector<16xi32>
          %parallel_loop3A_328 = tpu.vector_load_idx %arg11[%parallel_loop3A_324] : memref<10000xf32, #tpu.memory_space<vmem>>[vector<16xi32>], vector<16xf32>,
          %parallel_loop3A_329 = tpu.vector_load_idx %arg12[%parallel_loop3A_327] : memref<128xf32, #tpu.memory_space<vmem>>[vector<16xi32>], vector<16xf32>,
          %parallel_loop3A_330 = arith.mulf %parallel_loop3A_328, %parallel_loop3A_329 : vector<16xf32>
          %parallel_loop3A_331 = vector.broadcast %parallel_loop3A_310 : i32 to vector<16xi32>
          %parallel_loop3A_332 = arith.cmpi sgt, %parallel_loop3A_236, %parallel_loop3A_331 : vector<16xi32>
          %parallel_loop3A_333 = arith.constant 0.000000e+00 : f32
          %parallel_loop3A_334 = vector.broadcast %parallel_loop3A_333 : f32 to vector<16xf32>
          %parallel_loop3A_335 = arith.select %parallel_loop3A_332, %parallel_loop3A_330, %parallel_loop3A_334 : vector<16xi1>, vector<16xf32>
          %parallel_loop3A_336 = arith.maximumf %parallel_loop3A_311, %parallel_loop3A_335 : vector<16xf32>
          %parallel_loop3A_337 = vector.broadcast %parallel_loop3A_310 : i32 to vector<16xi32>
          %parallel_loop3A_338 = arith.addi %parallel_loop3A_196, %parallel_loop3A_337 : vector<16xi32>
          %parallel_loop3A_339 = tpu.vector_load_idx %arg19[%parallel_loop3A_338] : memref<22064xi32, #tpu.memory_space<vmem>>[vector<16xi32>], vector<16xi32>,
          %parallel_loop3A_340 = arith.constant 16383 : i32
          %parallel_loop3A_341 = vector.broadcast %parallel_loop3A_340 : i32 to vector<16xi32>
          %parallel_loop3A_342 = arith.andi %parallel_loop3A_339, %parallel_loop3A_341 : vector<16xi32>
          %parallel_loop3A_343 = arith.constant 14 : i32
          %parallel_loop3A_344 = vector.broadcast %parallel_loop3A_343 : i32 to vector<16xi32>
          %parallel_loop3A_345 = arith.shrsi %parallel_loop3A_339, %parallel_loop3A_344 : vector<16xi32>
          %parallel_loop3A_346 = tpu.vector_load_idx %arg11[%parallel_loop3A_342] : memref<10000xf32, #tpu.memory_space<vmem>>[vector<16xi32>], vector<16xf32>,
          %parallel_loop3A_347 = tpu.vector_load_idx %arg12[%parallel_loop3A_345] : memref<128xf32, #tpu.memory_space<vmem>>[vector<16xi32>], vector<16xf32>,
          %parallel_loop3A_348 = arith.mulf %parallel_loop3A_346, %parallel_loop3A_347 : vector<16xf32>
          %parallel_loop3A_349 = vector.broadcast %parallel_loop3A_310 : i32 to vector<16xi32>
          %parallel_loop3A_350 = arith.cmpi sgt, %parallel_loop3A_240, %parallel_loop3A_349 : vector<16xi32>
          %parallel_loop3A_351 = arith.constant 0.000000e+00 : f32
          %parallel_loop3A_352 = vector.broadcast %parallel_loop3A_351 : f32 to vector<16xf32>
          %parallel_loop3A_353 = arith.select %parallel_loop3A_350, %parallel_loop3A_348, %parallel_loop3A_352 : vector<16xi1>, vector<16xf32>
          %parallel_loop3A_354 = arith.maximumf %parallel_loop3A_312, %parallel_loop3A_353 : vector<16xf32>
          %parallel_loop3A_355 = vector.broadcast %parallel_loop3A_310 : i32 to vector<16xi32>
          %parallel_loop3A_356 = arith.addi %parallel_loop3A_202, %parallel_loop3A_355 : vector<16xi32>
          %parallel_loop3A_357 = tpu.vector_load_idx %arg19[%parallel_loop3A_356] : memref<22064xi32, #tpu.memory_space<vmem>>[vector<16xi32>], vector<16xi32>,
          %parallel_loop3A_358 = arith.constant 16383 : i32
          %parallel_loop3A_359 = vector.broadcast %parallel_loop3A_358 : i32 to vector<16xi32>
          %parallel_loop3A_360 = arith.andi %parallel_loop3A_357, %parallel_loop3A_359 : vector<16xi32>
          %parallel_loop3A_361 = arith.constant 14 : i32
          %parallel_loop3A_362 = vector.broadcast %parallel_loop3A_361 : i32 to vector<16xi32>
          %parallel_loop3A_363 = arith.shrsi %parallel_loop3A_357, %parallel_loop3A_362 : vector<16xi32>
          %parallel_loop3A_364 = tpu.vector_load_idx %arg11[%parallel_loop3A_360] : memref<10000xf32, #tpu.memory_space<vmem>>[vector<16xi32>], vector<16xf32>,
          %parallel_loop3A_365 = tpu.vector_load_idx %arg12[%parallel_loop3A_363] : memref<128xf32, #tpu.memory_space<vmem>>[vector<16xi32>], vector<16xf32>,
          %parallel_loop3A_366 = arith.mulf %parallel_loop3A_364, %parallel_loop3A_365 : vector<16xf32>
          %parallel_loop3A_367 = vector.broadcast %parallel_loop3A_310 : i32 to vector<16xi32>
          %parallel_loop3A_368 = arith.cmpi sgt, %parallel_loop3A_244, %parallel_loop3A_367 : vector<16xi32>
          %parallel_loop3A_369 = arith.constant 0.000000e+00 : f32
          %parallel_loop3A_370 = vector.broadcast %parallel_loop3A_369 : f32 to vector<16xf32>
          %parallel_loop3A_371 = arith.select %parallel_loop3A_368, %parallel_loop3A_366, %parallel_loop3A_370 : vector<16xi1>, vector<16xf32>
          %parallel_loop3A_372 = arith.maximumf %parallel_loop3A_313, %parallel_loop3A_371 : vector<16xf32>
          %parallel_loop3A_373 = vector.broadcast %parallel_loop3A_310 : i32 to vector<16xi32>
          %parallel_loop3A_374 = arith.addi %parallel_loop3A_208, %parallel_loop3A_373 : vector<16xi32>
          %parallel_loop3A_375 = tpu.vector_load_idx %arg19[%parallel_loop3A_374] : memref<22064xi32, #tpu.memory_space<vmem>>[vector<16xi32>], vector<16xi32>,
          %parallel_loop3A_376 = arith.constant 16383 : i32
          %parallel_loop3A_377 = vector.broadcast %parallel_loop3A_376 : i32 to vector<16xi32>
          %parallel_loop3A_378 = arith.andi %parallel_loop3A_375, %parallel_loop3A_377 : vector<16xi32>
          %parallel_loop3A_379 = arith.constant 14 : i32
          %parallel_loop3A_380 = vector.broadcast %parallel_loop3A_379 : i32 to vector<16xi32>
          %parallel_loop3A_381 = arith.shrsi %parallel_loop3A_375, %parallel_loop3A_380 : vector<16xi32>
          %parallel_loop3A_382 = tpu.vector_load_idx %arg11[%parallel_loop3A_378] : memref<10000xf32, #tpu.memory_space<vmem>>[vector<16xi32>], vector<16xf32>,
          %parallel_loop3A_383 = tpu.vector_load_idx %arg12[%parallel_loop3A_381] : memref<128xf32, #tpu.memory_space<vmem>>[vector<16xi32>], vector<16xf32>,
          %parallel_loop3A_384 = arith.mulf %parallel_loop3A_382, %parallel_loop3A_383 : vector<16xf32>
          %parallel_loop3A_385 = vector.broadcast %parallel_loop3A_310 : i32 to vector<16xi32>
          %parallel_loop3A_386 = arith.cmpi sgt, %parallel_loop3A_248, %parallel_loop3A_385 : vector<16xi32>
          %parallel_loop3A_387 = arith.constant 0.000000e+00 : f32
          %parallel_loop3A_388 = vector.broadcast %parallel_loop3A_387 : f32 to vector<16xf32>
          %parallel_loop3A_389 = arith.select %parallel_loop3A_386, %parallel_loop3A_384, %parallel_loop3A_388 : vector<16xi1>, vector<16xf32>
          %parallel_loop3A_390 = arith.maximumf %parallel_loop3A_314, %parallel_loop3A_389 : vector<16xf32>
          %parallel_loop3A_391 = vector.broadcast %parallel_loop3A_310 : i32 to vector<16xi32>
          %parallel_loop3A_392 = arith.addi %parallel_loop3A_214, %parallel_loop3A_391 : vector<16xi32>
          %parallel_loop3A_393 = tpu.vector_load_idx %arg19[%parallel_loop3A_392] : memref<22064xi32, #tpu.memory_space<vmem>>[vector<16xi32>], vector<16xi32>,
          %parallel_loop3A_394 = arith.constant 16383 : i32
          %parallel_loop3A_395 = vector.broadcast %parallel_loop3A_394 : i32 to vector<16xi32>
          %parallel_loop3A_396 = arith.andi %parallel_loop3A_393, %parallel_loop3A_395 : vector<16xi32>
          %parallel_loop3A_397 = arith.constant 14 : i32
          %parallel_loop3A_398 = vector.broadcast %parallel_loop3A_397 : i32 to vector<16xi32>
          %parallel_loop3A_399 = arith.shrsi %parallel_loop3A_393, %parallel_loop3A_398 : vector<16xi32>
          %parallel_loop3A_400 = tpu.vector_load_idx %arg11[%parallel_loop3A_396] : memref<10000xf32, #tpu.memory_space<vmem>>[vector<16xi32>], vector<16xf32>,
          %parallel_loop3A_401 = tpu.vector_load_idx %arg12[%parallel_loop3A_399] : memref<128xf32, #tpu.memory_space<vmem>>[vector<16xi32>], vector<16xf32>,
          %parallel_loop3A_402 = arith.mulf %parallel_loop3A_400, %parallel_loop3A_401 : vector<16xf32>
          %parallel_loop3A_403 = vector.broadcast %parallel_loop3A_310 : i32 to vector<16xi32>
          %parallel_loop3A_404 = arith.cmpi sgt, %parallel_loop3A_252, %parallel_loop3A_403 : vector<16xi32>
          %parallel_loop3A_405 = arith.constant 0.000000e+00 : f32
          %parallel_loop3A_406 = vector.broadcast %parallel_loop3A_405 : f32 to vector<16xf32>
          %parallel_loop3A_407 = arith.select %parallel_loop3A_404, %parallel_loop3A_402, %parallel_loop3A_406 : vector<16xi1>, vector<16xf32>
          %parallel_loop3A_408 = arith.maximumf %parallel_loop3A_315, %parallel_loop3A_407 : vector<16xf32>
          %parallel_loop3A_409 = vector.broadcast %parallel_loop3A_310 : i32 to vector<16xi32>
          %parallel_loop3A_410 = arith.addi %parallel_loop3A_220, %parallel_loop3A_409 : vector<16xi32>
          %parallel_loop3A_411 = tpu.vector_load_idx %arg19[%parallel_loop3A_410] : memref<22064xi32, #tpu.memory_space<vmem>>[vector<16xi32>], vector<16xi32>,
          %parallel_loop3A_412 = arith.constant 16383 : i32
          %parallel_loop3A_413 = vector.broadcast %parallel_loop3A_412 : i32 to vector<16xi32>
          %parallel_loop3A_414 = arith.andi %parallel_loop3A_411, %parallel_loop3A_413 : vector<16xi32>
          %parallel_loop3A_415 = arith.constant 14 : i32
          %parallel_loop3A_416 = vector.broadcast %parallel_loop3A_415 : i32 to vector<16xi32>
          %parallel_loop3A_417 = arith.shrsi %parallel_loop3A_411, %parallel_loop3A_416 : vector<16xi32>
          %parallel_loop3A_418 = tpu.vector_load_idx %arg11[%parallel_loop3A_414] : memref<10000xf32, #tpu.memory_space<vmem>>[vector<16xi32>], vector<16xf32>,
          %parallel_loop3A_419 = tpu.vector_load_idx %arg12[%parallel_loop3A_417] : memref<128xf32, #tpu.memory_space<vmem>>[vector<16xi32>], vector<16xf32>,
          %parallel_loop3A_420 = arith.mulf %parallel_loop3A_418, %parallel_loop3A_419 : vector<16xf32>
          %parallel_loop3A_421 = vector.broadcast %parallel_loop3A_310 : i32 to vector<16xi32>
          %parallel_loop3A_422 = arith.cmpi sgt, %parallel_loop3A_256, %parallel_loop3A_421 : vector<16xi32>
          %parallel_loop3A_423 = arith.constant 0.000000e+00 : f32
          %parallel_loop3A_424 = vector.broadcast %parallel_loop3A_423 : f32 to vector<16xf32>
          %parallel_loop3A_425 = arith.select %parallel_loop3A_422, %parallel_loop3A_420, %parallel_loop3A_424 : vector<16xi1>, vector<16xf32>
          %parallel_loop3A_426 = arith.maximumf %parallel_loop3A_316, %parallel_loop3A_425 : vector<16xf32>
          %parallel_loop3A_427 = vector.broadcast %parallel_loop3A_310 : i32 to vector<16xi32>
          %parallel_loop3A_428 = arith.addi %parallel_loop3A_226, %parallel_loop3A_427 : vector<16xi32>
          %parallel_loop3A_429 = tpu.vector_load_idx %arg19[%parallel_loop3A_428] : memref<22064xi32, #tpu.memory_space<vmem>>[vector<16xi32>], vector<16xi32>,
          %parallel_loop3A_430 = arith.constant 16383 : i32
          %parallel_loop3A_431 = vector.broadcast %parallel_loop3A_430 : i32 to vector<16xi32>
          %parallel_loop3A_432 = arith.andi %parallel_loop3A_429, %parallel_loop3A_431 : vector<16xi32>
          %parallel_loop3A_433 = arith.constant 14 : i32
          %parallel_loop3A_434 = vector.broadcast %parallel_loop3A_433 : i32 to vector<16xi32>
          %parallel_loop3A_435 = arith.shrsi %parallel_loop3A_429, %parallel_loop3A_434 : vector<16xi32>
          %parallel_loop3A_436 = tpu.vector_load_idx %arg11[%parallel_loop3A_432] : memref<10000xf32, #tpu.memory_space<vmem>>[vector<16xi32>], vector<16xf32>,
          %parallel_loop3A_437 = tpu.vector_load_idx %arg12[%parallel_loop3A_435] : memref<128xf32, #tpu.memory_space<vmem>>[vector<16xi32>], vector<16xf32>,
          %parallel_loop3A_438 = arith.mulf %parallel_loop3A_436, %parallel_loop3A_437 : vector<16xf32>
          %parallel_loop3A_439 = vector.broadcast %parallel_loop3A_310 : i32 to vector<16xi32>
          %parallel_loop3A_440 = arith.cmpi sgt, %parallel_loop3A_260, %parallel_loop3A_439 : vector<16xi32>
          %parallel_loop3A_441 = arith.constant 0.000000e+00 : f32
          %parallel_loop3A_442 = vector.broadcast %parallel_loop3A_441 : f32 to vector<16xf32>
          %parallel_loop3A_443 = arith.select %parallel_loop3A_440, %parallel_loop3A_438, %parallel_loop3A_442 : vector<16xi1>, vector<16xf32>
          %parallel_loop3A_444 = arith.maximumf %parallel_loop3A_317, %parallel_loop3A_443 : vector<16xf32>
          %parallel_loop3A_445 = vector.broadcast %parallel_loop3A_310 : i32 to vector<16xi32>
          %parallel_loop3A_446 = arith.addi %parallel_loop3A_232, %parallel_loop3A_445 : vector<16xi32>
          %parallel_loop3A_447 = tpu.vector_load_idx %arg19[%parallel_loop3A_446] : memref<22064xi32, #tpu.memory_space<vmem>>[vector<16xi32>], vector<16xi32>,
          %parallel_loop3A_448 = arith.constant 16383 : i32
          %parallel_loop3A_449 = vector.broadcast %parallel_loop3A_448 : i32 to vector<16xi32>
          %parallel_loop3A_450 = arith.andi %parallel_loop3A_447, %parallel_loop3A_449 : vector<16xi32>
          %parallel_loop3A_451 = arith.constant 14 : i32
          %parallel_loop3A_452 = vector.broadcast %parallel_loop3A_451 : i32 to vector<16xi32>
          %parallel_loop3A_453 = arith.shrsi %parallel_loop3A_447, %parallel_loop3A_452 : vector<16xi32>
          %parallel_loop3A_454 = tpu.vector_load_idx %arg11[%parallel_loop3A_450] : memref<10000xf32, #tpu.memory_space<vmem>>[vector<16xi32>], vector<16xf32>,
          %parallel_loop3A_455 = tpu.vector_load_idx %arg12[%parallel_loop3A_453] : memref<128xf32, #tpu.memory_space<vmem>>[vector<16xi32>], vector<16xf32>,
          %parallel_loop3A_456 = arith.mulf %parallel_loop3A_454, %parallel_loop3A_455 : vector<16xf32>
          %parallel_loop3A_457 = vector.broadcast %parallel_loop3A_310 : i32 to vector<16xi32>
          %parallel_loop3A_458 = arith.cmpi sgt, %parallel_loop3A_264, %parallel_loop3A_457 : vector<16xi32>
          %parallel_loop3A_459 = arith.constant 0.000000e+00 : f32
          %parallel_loop3A_460 = vector.broadcast %parallel_loop3A_459 : f32 to vector<16xf32>
          %parallel_loop3A_461 = arith.select %parallel_loop3A_458, %parallel_loop3A_456, %parallel_loop3A_460 : vector<16xi1>, vector<16xf32>
          %parallel_loop3A_462 = arith.maximumf %parallel_loop3A_318, %parallel_loop3A_461 : vector<16xf32>
          scf.yield %parallel_loop3A_336, %parallel_loop3A_354, %parallel_loop3A_372, %parallel_loop3A_390, %parallel_loop3A_408, %parallel_loop3A_426, %parallel_loop3A_444, %parallel_loop3A_462 : vector<16xf32>, vector<16xf32>, vector<16xf32>, vector<16xf32>, vector<16xf32>, vector<16xf32>, vector<16xf32>, vector<16xf32>
        } {sc.loop_unroll_factor = 1 : i64, sc.parallel_access}
        tpu.vector_store_idx %arg20[%parallel_loop3A_268], %parallel_loop3A_309#0 : memref<10000xf32, #tpu.memory_space<vmem>>[vector<16xi32>], vector<16xf32>,
        tpu.vector_store_idx %arg20[%parallel_loop3A_272], %parallel_loop3A_309#1 : memref<10000xf32, #tpu.memory_space<vmem>>[vector<16xi32>], vector<16xf32>,
        tpu.vector_store_idx %arg20[%parallel_loop3A_276], %parallel_loop3A_309#2 : memref<10000xf32, #tpu.memory_space<vmem>>[vector<16xi32>], vector<16xf32>,
        tpu.vector_store_idx %arg20[%parallel_loop3A_280], %parallel_loop3A_309#3 : memref<10000xf32, #tpu.memory_space<vmem>>[vector<16xi32>], vector<16xf32>,
        tpu.vector_store_idx %arg20[%parallel_loop3A_284], %parallel_loop3A_309#4 : memref<10000xf32, #tpu.memory_space<vmem>>[vector<16xi32>], vector<16xf32>,
        tpu.vector_store_idx %arg20[%parallel_loop3A_288], %parallel_loop3A_309#5 : memref<10000xf32, #tpu.memory_space<vmem>>[vector<16xi32>], vector<16xf32>,
        tpu.vector_store_idx %arg20[%parallel_loop3A_292], %parallel_loop3A_309#6 : memref<10000xf32, #tpu.memory_space<vmem>>[vector<16xi32>], vector<16xf32>,
        tpu.vector_store_idx %arg20[%parallel_loop3A_296], %parallel_loop3A_309#7 : memref<10000xf32, #tpu.memory_space<vmem>>[vector<16xi32>], vector<16xf32>,
      } {sc.loop_unroll_factor = 1 : i64, sc.parallel_access}
      %mul3A_138 = arith.constant 400 : i32
      %mul3A_139 = arith.muli %add3A_130, %mul3A_138 : i32
      %add3A_140 = arith.constant 384 : i32
      %add3A_141 = arith.addi %mul3A_139, %add3A_140 : i32
      %mul3A_142 = arith.constant 25 : i32
      %mul3A_143 = arith.muli %add3A_130, %mul3A_142 : i32
      %add3A_144 = arith.constant 24 : i32
      %add3A_145 = arith.addi %mul3A_143, %add3A_144 : i32
      %add3A_146 = arith.constant 0 : i32
      %add3A_147 = arith.addi %add3A_141, %add3A_146 : i32
      %get3A_148 = arith.index_cast %add3A_147 : i32 to index
      %get3A_149 = tpu.vector_load %arg13[%get3A_148] {strides = array<i32>} : memref<10000xi32, #tpu.memory_space<vmem>>, vector<16xi32>,
      %sub3A_150 = vector.broadcast %squeeze3A_134 : i32 to vector<16xi32>
      %sub3A_151 = arith.subi %get3A_149, %sub3A_150 : vector<16xi32>
      %add3A_152 = arith.constant 0 : i32
      %add3A_153 = arith.addi %add3A_141, %add3A_152 : i32
      %get3A_154 = arith.index_cast %add3A_153 : i32 to index
      %get3A_155 = tpu.vector_load %arg14[%get3A_154] {strides = array<i32>} : memref<10000xi32, #tpu.memory_space<vmem>>, vector<16xi32>,
      %add3A_156 = arith.constant 0 : i32
      %add3A_157 = arith.addi %add3A_141, %add3A_156 : i32
      %get3A_158 = arith.index_cast %add3A_157 : i32 to index
      %get3A_159 = tpu.vector_load %arg15[%get3A_158] {strides = array<i32>} : memref<10000xi32, #tpu.memory_space<vmem>>, vector<16xi32>,
      %add3A_160 = arith.constant 1 : i32
      %add3A_161 = arith.addi %add3A_145, %add3A_160 : i32
      %sub3A_162 = arith.constant 1 : i32
      %sub3A_163 = arith.subi %add3A_161, %sub3A_162 : i32
      %get3A_164 = arith.index_cast %sub3A_163 : i32 to index
      %get3A_165 = tpu.vector_load %arg16[%get3A_164] {strides = array<i32>} : memref<656xi32, #tpu.memory_space<vmem>>, vector<16xi32>,
      %slice3A_166 = vector.extract_strided_slice %get3A_165 {offsets = [0], sizes = [1], strides = [1]} : vector<16xi32> to vector<1xi32>
      %squeeze3A_167 = vector.extract %slice3A_166[0] : i32 from vector<1xi32>
      %broadcast_in_dim3A_168 = arith.constant 0.000000e+00 : f32
      %broadcast_in_dim3A_169 = vector.broadcast %broadcast_in_dim3A_168 : f32 to vector<16xf32>
      %parallel_loop3A_170 = arith.constant 0 : i32
      %parallel_loop3A_171 = arith.constant 1 : i32
      %parallel_loop3A_172 = scf.for %parallel_loop3A_174 = %parallel_loop3A_170 to %squeeze3A_167 step %parallel_loop3A_171 iter_args(%parallel_loop3A_175 = %broadcast_in_dim3A_169) -> (vector<16xf32>)  : i32 {
        %parallel_loop3A_176 = vector.broadcast %parallel_loop3A_174 : i32 to vector<16xi32>
        %parallel_loop3A_177 = arith.addi %sub3A_151, %parallel_loop3A_176 : vector<16xi32>
        %parallel_loop3A_178 = tpu.vector_load_idx %arg19[%parallel_loop3A_177] : memref<22064xi32, #tpu.memory_space<vmem>>[vector<16xi32>], vector<16xi32>,
        %parallel_loop3A_179 = arith.constant 16383 : i32
        %parallel_loop3A_180 = vector.broadcast %parallel_loop3A_179 : i32 to vector<16xi32>
        %parallel_loop3A_181 = arith.andi %parallel_loop3A_178, %parallel_loop3A_180 : vector<16xi32>
        %parallel_loop3A_182 = arith.constant 14 : i32
        %parallel_loop3A_183 = vector.broadcast %parallel_loop3A_182 : i32 to vector<16xi32>
        %parallel_loop3A_184 = arith.shrsi %parallel_loop3A_178, %parallel_loop3A_183 : vector<16xi32>
        %parallel_loop3A_185 = tpu.vector_load_idx %arg11[%parallel_loop3A_181] : memref<10000xf32, #tpu.memory_space<vmem>>[vector<16xi32>], vector<16xf32>,
        %parallel_loop3A_186 = tpu.vector_load_idx %arg12[%parallel_loop3A_184] : memref<128xf32, #tpu.memory_space<vmem>>[vector<16xi32>], vector<16xf32>,
        %parallel_loop3A_187 = arith.mulf %parallel_loop3A_185, %parallel_loop3A_186 : vector<16xf32>
        %parallel_loop3A_188 = vector.broadcast %parallel_loop3A_174 : i32 to vector<16xi32>
        %parallel_loop3A_189 = arith.cmpi sgt, %get3A_155, %parallel_loop3A_188 : vector<16xi32>
        %parallel_loop3A_190 = arith.constant 0.000000e+00 : f32
        %parallel_loop3A_191 = vector.broadcast %parallel_loop3A_190 : f32 to vector<16xf32>
        %parallel_loop3A_192 = arith.select %parallel_loop3A_189, %parallel_loop3A_187, %parallel_loop3A_191 : vector<16xi1>, vector<16xf32>
        %parallel_loop3A_193 = arith.maximumf %parallel_loop3A_175, %parallel_loop3A_192 : vector<16xf32>
        scf.yield %parallel_loop3A_193 : vector<16xf32>
      } {sc.loop_unroll_factor = 4 : i64, sc.parallel_access}
      tpu.vector_store_idx %arg20[%get3A_159], %parallel_loop3A_172 : memref<10000xf32, #tpu.memory_space<vmem>>[vector<16xi32>], vector<16xf32>,
      %scan3A_173 = arith.constant 0 : i32
      scf.yield %scan3A_173 : i32
    }
    %scan3A_31 = arith.constant 12 : i32
    %dma_wait3A_32 = arith.constant 0 : i32
    %dma_wait3A_33 = tpu.memref_slice %arg4[%dma_wait3A_32] : memref<342064xi32, #tpu.memory_space<hbm>> -> memref<22064xi32, #tpu.memory_space<hbm>>
    %dma_wait3A_34 = arith.constant 0 : i32
    %dma_wait3A_35 = tpu.memref_slice %arg4[%dma_wait3A_34] : memref<342064xi32, #tpu.memory_space<hbm>> -> memref<22064xi32, #tpu.memory_space<hbm>>
    tpu.wait_dma2 semaphore(%arg21 : memref<!tpu.dma_semaphore, #tpu.memory_space<semaphore_mem>>) src(%dma_wait3A_35 : memref<22064xi32, #tpu.memory_space<hbm>>) dst(%arg18 : memref<22064xi32, #tpu.memory_space<vmem>>)
    %get3A_36 = arith.constant 24 : index
    %get3A_37 = tpu.vector_load %arg17[%get3A_36] {strides = array<i32>} : memref<48xi32, #tpu.memory_space<vmem>>, vector<16xi32>,
    %slice3A_38 = vector.extract_strided_slice %get3A_37 {offsets = [0], sizes = [1], strides = [1]} : vector<16xi32> to vector<1xi32>
    %squeeze3A_39 = vector.extract %slice3A_38[0] : i32 from vector<1xi32>
    %parallel_loop3A = arith.constant 0 : i32
    %parallel_loop3A_40 = arith.constant 3 : i32
    %parallel_loop3A_41 = arith.constant 1 : i32
    scf.for %parallel_loop3A_57 = %parallel_loop3A to %parallel_loop3A_40 step %parallel_loop3A_41  : i32 {
      %parallel_loop3A_58 = arith.constant 128 : i32
      %parallel_loop3A_59 = arith.muli %parallel_loop3A_57, %parallel_loop3A_58 : i32
      %parallel_loop3A_60 = arith.constant 9600 : i32
      %parallel_loop3A_61 = arith.addi %parallel_loop3A_60, %parallel_loop3A_59 : i32
      %parallel_loop3A_62 = arith.constant 8 : i32
      %parallel_loop3A_63 = arith.muli %parallel_loop3A_57, %parallel_loop3A_62 : i32
      %parallel_loop3A_64 = arith.constant 600 : i32
      %parallel_loop3A_65 = arith.addi %parallel_loop3A_64, %parallel_loop3A_63 : i32
      %parallel_loop3A_66 = arith.constant 0 : i32
      %parallel_loop3A_67 = arith.addi %parallel_loop3A_61, %parallel_loop3A_66 : i32
      %parallel_loop3A_68 = arith.index_cast %parallel_loop3A_67 : i32 to index
      %parallel_loop3A_69 = tpu.vector_load %arg13[%parallel_loop3A_68] {strides = array<i32>} : memref<10000xi32, #tpu.memory_space<vmem>>, vector<16xi32>,
      %parallel_loop3A_70 = vector.broadcast %squeeze3A_39 : i32 to vector<16xi32>
      %parallel_loop3A_71 = arith.subi %parallel_loop3A_69, %parallel_loop3A_70 : vector<16xi32>
      %parallel_loop3A_72 = arith.constant 16 : i32
      %parallel_loop3A_73 = arith.addi %parallel_loop3A_61, %parallel_loop3A_72 : i32
      %parallel_loop3A_74 = arith.index_cast %parallel_loop3A_73 : i32 to index
      %parallel_loop3A_75 = tpu.vector_load %arg13[%parallel_loop3A_74] {strides = array<i32>} : memref<10000xi32, #tpu.memory_space<vmem>>, vector<16xi32>,
      %parallel_loop3A_76 = vector.broadcast %squeeze3A_39 : i32 to vector<16xi32>
      %parallel_loop3A_77 = arith.subi %parallel_loop3A_75, %parallel_loop3A_76 : vector<16xi32>
      %parallel_loop3A_78 = arith.constant 32 : i32
      %parallel_loop3A_79 = arith.addi %parallel_loop3A_61, %parallel_loop3A_78 : i32
      %parallel_loop3A_80 = arith.index_cast %parallel_loop3A_79 : i32 to index
      %parallel_loop3A_81 = tpu.vector_load %arg13[%parallel_loop3A_80] {strides = array<i32>} : memref<10000xi32, #tpu.memory_space<vmem>>, vector<16xi32>,
      %parallel_loop3A_82 = vector.broadcast %squeeze3A_39 : i32 to vector<16xi32>
      %parallel_loop3A_83 = arith.subi %parallel_loop3A_81, %parallel_loop3A_82 : vector<16xi32>
      %parallel_loop3A_84 = arith.constant 48 : i32
      %parallel_loop3A_85 = arith.addi %parallel_loop3A_61, %parallel_loop3A_84 : i32
      %parallel_loop3A_86 = arith.index_cast %parallel_loop3A_85 : i32 to index
      %parallel_loop3A_87 = tpu.vector_load %arg13[%parallel_loop3A_86] {strides = array<i32>} : memref<10000xi32, #tpu.memory_space<vmem>>, vector<16xi32>,
      %parallel_loop3A_88 = vector.broadcast %squeeze3A_39 : i32 to vector<16xi32>
      %parallel_loop3A_89 = arith.subi %parallel_loop3A_87, %parallel_loop3A_88 : vector<16xi32>
      %parallel_loop3A_90 = arith.constant 64 : i32
      %parallel_loop3A_91 = arith.addi %parallel_loop3A_61, %parallel_loop3A_90 : i32
      %parallel_loop3A_92 = arith.index_cast %parallel_loop3A_91 : i32 to index
      %parallel_loop3A_93 = tpu.vector_load %arg13[%parallel_loop3A_92] {strides = array<i32>} : memref<10000xi32, #tpu.memory_space<vmem>>, vector<16xi32>,
      %parallel_loop3A_94 = vector.broadcast %squeeze3A_39 : i32 to vector<16xi32>
      %parallel_loop3A_95 = arith.subi %parallel_loop3A_93, %parallel_loop3A_94 : vector<16xi32>
      %parallel_loop3A_96 = arith.constant 80 : i32
      %parallel_loop3A_97 = arith.addi %parallel_loop3A_61, %parallel_loop3A_96 : i32
      %parallel_loop3A_98 = arith.index_cast %parallel_loop3A_97 : i32 to index
      %parallel_loop3A_99 = tpu.vector_load %arg13[%parallel_loop3A_98] {strides = array<i32>} : memref<10000xi32, #tpu.memory_space<vmem>>, vector<16xi32>,
      %parallel_loop3A_100 = vector.broadcast %squeeze3A_39 : i32 to vector<16xi32>
      %parallel_loop3A_101 = arith.subi %parallel_loop3A_99, %parallel_loop3A_100 : vector<16xi32>
      %parallel_loop3A_102 = arith.constant 96 : i32
      %parallel_loop3A_103 = arith.addi %parallel_loop3A_61, %parallel_loop3A_102 : i32
      %parallel_loop3A_104 = arith.index_cast %parallel_loop3A_103 : i32 to index
      %parallel_loop3A_105 = tpu.vector_load %arg13[%parallel_loop3A_104] {strides = array<i32>} : memref<10000xi32, #tpu.memory_space<vmem>>, vector<16xi32>,
      %parallel_loop3A_106 = vector.broadcast %squeeze3A_39 : i32 to vector<16xi32>
      %parallel_loop3A_107 = arith.subi %parallel_loop3A_105, %parallel_loop3A_106 : vector<16xi32>
      %parallel_loop3A_108 = arith.constant 112 : i32
      %parallel_loop3A_109 = arith.addi %parallel_loop3A_61, %parallel_loop3A_108 : i32
      %parallel_loop3A_110 = arith.index_cast %parallel_loop3A_109 : i32 to index
      %parallel_loop3A_111 = tpu.vector_load %arg13[%parallel_loop3A_110] {strides = array<i32>} : memref<10000xi32, #tpu.memory_space<vmem>>, vector<16xi32>,
      %parallel_loop3A_112 = vector.broadcast %squeeze3A_39 : i32 to vector<16xi32>
      %parallel_loop3A_113 = arith.subi %parallel_loop3A_111, %parallel_loop3A_112 : vector<16xi32>
      %parallel_loop3A_114 = arith.constant 0 : i32
      %parallel_loop3A_115 = arith.addi %parallel_loop3A_61, %parallel_loop3A_114 : i32
      %parallel_loop3A_116 = arith.index_cast %parallel_loop3A_115 : i32 to index
      %parallel_loop3A_117 = tpu.vector_load %arg14[%parallel_loop3A_116] {strides = array<i32>} : memref<10000xi32, #tpu.memory_space<vmem>>, vector<16xi32>,
      %parallel_loop3A_118 = arith.constant 16 : i32
      %parallel_loop3A_119 = arith.addi %parallel_loop3A_61, %parallel_loop3A_118 : i32
      %parallel_loop3A_120 = arith.index_cast %parallel_loop3A_119 : i32 to index
      %parallel_loop3A_121 = tpu.vector_load %arg14[%parallel_loop3A_120] {strides = array<i32>} : memref<10000xi32, #tpu.memory_space<vmem>>, vector<16xi32>,
      %parallel_loop3A_122 = arith.constant 32 : i32
      %parallel_loop3A_123 = arith.addi %parallel_loop3A_61, %parallel_loop3A_122 : i32
      %parallel_loop3A_124 = arith.index_cast %parallel_loop3A_123 : i32 to index
      %parallel_loop3A_125 = tpu.vector_load %arg14[%parallel_loop3A_124] {strides = array<i32>} : memref<10000xi32, #tpu.memory_space<vmem>>, vector<16xi32>,
      %parallel_loop3A_126 = arith.constant 48 : i32
      %parallel_loop3A_127 = arith.addi %parallel_loop3A_61, %parallel_loop3A_126 : i32
      %parallel_loop3A_128 = arith.index_cast %parallel_loop3A_127 : i32 to index
      %parallel_loop3A_129 = tpu.vector_load %arg14[%parallel_loop3A_128] {strides = array<i32>} : memref<10000xi32, #tpu.memory_space<vmem>>, vector<16xi32>,
      %parallel_loop3A_130 = arith.constant 64 : i32
      %parallel_loop3A_131 = arith.addi %parallel_loop3A_61, %parallel_loop3A_130 : i32
      %parallel_loop3A_132 = arith.index_cast %parallel_loop3A_131 : i32 to index
      %parallel_loop3A_133 = tpu.vector_load %arg14[%parallel_loop3A_132] {strides = array<i32>} : memref<10000xi32, #tpu.memory_space<vmem>>, vector<16xi32>,
      %parallel_loop3A_134 = arith.constant 80 : i32
      %parallel_loop3A_135 = arith.addi %parallel_loop3A_61, %parallel_loop3A_134 : i32
      %parallel_loop3A_136 = arith.index_cast %parallel_loop3A_135 : i32 to index
      %parallel_loop3A_137 = tpu.vector_load %arg14[%parallel_loop3A_136] {strides = array<i32>} : memref<10000xi32, #tpu.memory_space<vmem>>, vector<16xi32>,
      %parallel_loop3A_138 = arith.constant 96 : i32
      %parallel_loop3A_139 = arith.addi %parallel_loop3A_61, %parallel_loop3A_138 : i32
      %parallel_loop3A_140 = arith.index_cast %parallel_loop3A_139 : i32 to index
      %parallel_loop3A_141 = tpu.vector_load %arg14[%parallel_loop3A_140] {strides = array<i32>} : memref<10000xi32, #tpu.memory_space<vmem>>, vector<16xi32>,
      %parallel_loop3A_142 = arith.constant 112 : i32
      %parallel_loop3A_143 = arith.addi %parallel_loop3A_61, %parallel_loop3A_142 : i32
      %parallel_loop3A_144 = arith.index_cast %parallel_loop3A_143 : i32 to index
      %parallel_loop3A_145 = tpu.vector_load %arg14[%parallel_loop3A_144] {strides = array<i32>} : memref<10000xi32, #tpu.memory_space<vmem>>, vector<16xi32>,
      %parallel_loop3A_146 = arith.constant 0 : i32
      %parallel_loop3A_147 = arith.addi %parallel_loop3A_61, %parallel_loop3A_146 : i32
      %parallel_loop3A_148 = arith.index_cast %parallel_loop3A_147 : i32 to index
      %parallel_loop3A_149 = tpu.vector_load %arg15[%parallel_loop3A_148] {strides = array<i32>} : memref<10000xi32, #tpu.memory_space<vmem>>, vector<16xi32>,
      %parallel_loop3A_150 = arith.constant 16 : i32
      %parallel_loop3A_151 = arith.addi %parallel_loop3A_61, %parallel_loop3A_150 : i32
      %parallel_loop3A_152 = arith.index_cast %parallel_loop3A_151 : i32 to index
      %parallel_loop3A_153 = tpu.vector_load %arg15[%parallel_loop3A_152] {strides = array<i32>} : memref<10000xi32, #tpu.memory_space<vmem>>, vector<16xi32>,
      %parallel_loop3A_154 = arith.constant 32 : i32
      %parallel_loop3A_155 = arith.addi %parallel_loop3A_61, %parallel_loop3A_154 : i32
      %parallel_loop3A_156 = arith.index_cast %parallel_loop3A_155 : i32 to index
      %parallel_loop3A_157 = tpu.vector_load %arg15[%parallel_loop3A_156] {strides = array<i32>} : memref<10000xi32, #tpu.memory_space<vmem>>, vector<16xi32>,
      %parallel_loop3A_158 = arith.constant 48 : i32
      %parallel_loop3A_159 = arith.addi %parallel_loop3A_61, %parallel_loop3A_158 : i32
      %parallel_loop3A_160 = arith.index_cast %parallel_loop3A_159 : i32 to index
      %parallel_loop3A_161 = tpu.vector_load %arg15[%parallel_loop3A_160] {strides = array<i32>} : memref<10000xi32, #tpu.memory_space<vmem>>, vector<16xi32>,
      %parallel_loop3A_162 = arith.constant 64 : i32
      %parallel_loop3A_163 = arith.addi %parallel_loop3A_61, %parallel_loop3A_162 : i32
      %parallel_loop3A_164 = arith.index_cast %parallel_loop3A_163 : i32 to index
      %parallel_loop3A_165 = tpu.vector_load %arg15[%parallel_loop3A_164] {strides = array<i32>} : memref<10000xi32, #tpu.memory_space<vmem>>, vector<16xi32>,
      %parallel_loop3A_166 = arith.constant 80 : i32
      %parallel_loop3A_167 = arith.addi %parallel_loop3A_61, %parallel_loop3A_166 : i32
      %parallel_loop3A_168 = arith.index_cast %parallel_loop3A_167 : i32 to index
      %parallel_loop3A_169 = tpu.vector_load %arg15[%parallel_loop3A_168] {strides = array<i32>} : memref<10000xi32, #tpu.memory_space<vmem>>, vector<16xi32>,
      %parallel_loop3A_170 = arith.constant 96 : i32
      %parallel_loop3A_171 = arith.addi %parallel_loop3A_61, %parallel_loop3A_170 : i32
      %parallel_loop3A_172 = arith.index_cast %parallel_loop3A_171 : i32 to index
      %parallel_loop3A_173 = tpu.vector_load %arg15[%parallel_loop3A_172] {strides = array<i32>} : memref<10000xi32, #tpu.memory_space<vmem>>, vector<16xi32>,
      %parallel_loop3A_174 = arith.constant 112 : i32
      %parallel_loop3A_175 = arith.addi %parallel_loop3A_61, %parallel_loop3A_174 : i32
      %parallel_loop3A_176 = arith.index_cast %parallel_loop3A_175 : i32 to index
      %parallel_loop3A_177 = tpu.vector_load %arg15[%parallel_loop3A_176] {strides = array<i32>} : memref<10000xi32, #tpu.memory_space<vmem>>, vector<16xi32>,
      %parallel_loop3A_178 = arith.constant 8 : i32
      %parallel_loop3A_179 = arith.addi %parallel_loop3A_65, %parallel_loop3A_178 : i32
      %parallel_loop3A_180 = arith.constant 1 : i32
      %parallel_loop3A_181 = arith.subi %parallel_loop3A_179, %parallel_loop3A_180 : i32
      %parallel_loop3A_182 = arith.index_cast %parallel_loop3A_181 : i32 to index
      %parallel_loop3A_183 = tpu.vector_load %arg16[%parallel_loop3A_182] {strides = array<i32>} : memref<656xi32, #tpu.memory_space<vmem>>, vector<16xi32>,
      %parallel_loop3A_184 = vector.extract_strided_slice %parallel_loop3A_183 {offsets = [0], sizes = [1], strides = [1]} : vector<16xi32> to vector<1xi32>
      %parallel_loop3A_185 = vector.extract %parallel_loop3A_184[0] : i32 from vector<1xi32>
      %parallel_loop3A_186 = arith.constant 0.000000e+00 : f32
      %parallel_loop3A_187 = vector.broadcast %parallel_loop3A_186 : f32 to vector<16xf32>
      %parallel_loop3A_188 = arith.constant 0 : i32
      %parallel_loop3A_189 = arith.constant 1 : i32
      %parallel_loop3A_190:8 = scf.for %parallel_loop3A_191 = %parallel_loop3A_188 to %parallel_loop3A_185 step %parallel_loop3A_189 iter_args(%parallel_loop3A_192 = %parallel_loop3A_187, %parallel_loop3A_193 = %parallel_loop3A_187, %parallel_loop3A_194 = %parallel_loop3A_187, %parallel_loop3A_195 = %parallel_loop3A_187, %parallel_loop3A_196 = %parallel_loop3A_187, %parallel_loop3A_197 = %parallel_loop3A_187, %parallel_loop3A_198 = %parallel_loop3A_187, %parallel_loop3A_199 = %parallel_loop3A_187) -> (vector<16xf32>, vector<16xf32>, vector<16xf32>, vector<16xf32>, vector<16xf32>, vector<16xf32>, vector<16xf32>, vector<16xf32>)  : i32 {
        %parallel_loop3A_200 = vector.broadcast %parallel_loop3A_191 : i32 to vector<16xi32>
        %parallel_loop3A_201 = arith.addi %parallel_loop3A_71, %parallel_loop3A_200 : vector<16xi32>
        %parallel_loop3A_202 = tpu.vector_load_idx %arg18[%parallel_loop3A_201] : memref<22064xi32, #tpu.memory_space<vmem>>[vector<16xi32>], vector<16xi32>,
        %parallel_loop3A_203 = arith.constant 16383 : i32
        %parallel_loop3A_204 = vector.broadcast %parallel_loop3A_203 : i32 to vector<16xi32>
        %parallel_loop3A_205 = arith.andi %parallel_loop3A_202, %parallel_loop3A_204 : vector<16xi32>
        %parallel_loop3A_206 = arith.constant 14 : i32
        %parallel_loop3A_207 = vector.broadcast %parallel_loop3A_206 : i32 to vector<16xi32>
        %parallel_loop3A_208 = arith.shrsi %parallel_loop3A_202, %parallel_loop3A_207 : vector<16xi32>
        %parallel_loop3A_209 = tpu.vector_load_idx %arg11[%parallel_loop3A_205] : memref<10000xf32, #tpu.memory_space<vmem>>[vector<16xi32>], vector<16xf32>,
        %parallel_loop3A_210 = tpu.vector_load_idx %arg12[%parallel_loop3A_208] : memref<128xf32, #tpu.memory_space<vmem>>[vector<16xi32>], vector<16xf32>,
        %parallel_loop3A_211 = arith.mulf %parallel_loop3A_209, %parallel_loop3A_210 : vector<16xf32>
        %parallel_loop3A_212 = vector.broadcast %parallel_loop3A_191 : i32 to vector<16xi32>
        %parallel_loop3A_213 = arith.cmpi sgt, %parallel_loop3A_117, %parallel_loop3A_212 : vector<16xi32>
        %parallel_loop3A_214 = arith.constant 0.000000e+00 : f32
        %parallel_loop3A_215 = vector.broadcast %parallel_loop3A_214 : f32 to vector<16xf32>
        %parallel_loop3A_216 = arith.select %parallel_loop3A_213, %parallel_loop3A_211, %parallel_loop3A_215 : vector<16xi1>, vector<16xf32>
        %parallel_loop3A_217 = arith.maximumf %parallel_loop3A_192, %parallel_loop3A_216 : vector<16xf32>
        %parallel_loop3A_218 = vector.broadcast %parallel_loop3A_191 : i32 to vector<16xi32>
        %parallel_loop3A_219 = arith.addi %parallel_loop3A_77, %parallel_loop3A_218 : vector<16xi32>
        %parallel_loop3A_220 = tpu.vector_load_idx %arg18[%parallel_loop3A_219] : memref<22064xi32, #tpu.memory_space<vmem>>[vector<16xi32>], vector<16xi32>,
        %parallel_loop3A_221 = arith.constant 16383 : i32
        %parallel_loop3A_222 = vector.broadcast %parallel_loop3A_221 : i32 to vector<16xi32>
        %parallel_loop3A_223 = arith.andi %parallel_loop3A_220, %parallel_loop3A_222 : vector<16xi32>
        %parallel_loop3A_224 = arith.constant 14 : i32
        %parallel_loop3A_225 = vector.broadcast %parallel_loop3A_224 : i32 to vector<16xi32>
        %parallel_loop3A_226 = arith.shrsi %parallel_loop3A_220, %parallel_loop3A_225 : vector<16xi32>
        %parallel_loop3A_227 = tpu.vector_load_idx %arg11[%parallel_loop3A_223] : memref<10000xf32, #tpu.memory_space<vmem>>[vector<16xi32>], vector<16xf32>,
        %parallel_loop3A_228 = tpu.vector_load_idx %arg12[%parallel_loop3A_226] : memref<128xf32, #tpu.memory_space<vmem>>[vector<16xi32>], vector<16xf32>,
        %parallel_loop3A_229 = arith.mulf %parallel_loop3A_227, %parallel_loop3A_228 : vector<16xf32>
        %parallel_loop3A_230 = vector.broadcast %parallel_loop3A_191 : i32 to vector<16xi32>
        %parallel_loop3A_231 = arith.cmpi sgt, %parallel_loop3A_121, %parallel_loop3A_230 : vector<16xi32>
        %parallel_loop3A_232 = arith.constant 0.000000e+00 : f32
        %parallel_loop3A_233 = vector.broadcast %parallel_loop3A_232 : f32 to vector<16xf32>
        %parallel_loop3A_234 = arith.select %parallel_loop3A_231, %parallel_loop3A_229, %parallel_loop3A_233 : vector<16xi1>, vector<16xf32>
        %parallel_loop3A_235 = arith.maximumf %parallel_loop3A_193, %parallel_loop3A_234 : vector<16xf32>
        %parallel_loop3A_236 = vector.broadcast %parallel_loop3A_191 : i32 to vector<16xi32>
        %parallel_loop3A_237 = arith.addi %parallel_loop3A_83, %parallel_loop3A_236 : vector<16xi32>
        %parallel_loop3A_238 = tpu.vector_load_idx %arg18[%parallel_loop3A_237] : memref<22064xi32, #tpu.memory_space<vmem>>[vector<16xi32>], vector<16xi32>,
        %parallel_loop3A_239 = arith.constant 16383 : i32
        %parallel_loop3A_240 = vector.broadcast %parallel_loop3A_239 : i32 to vector<16xi32>
        %parallel_loop3A_241 = arith.andi %parallel_loop3A_238, %parallel_loop3A_240 : vector<16xi32>
        %parallel_loop3A_242 = arith.constant 14 : i32
        %parallel_loop3A_243 = vector.broadcast %parallel_loop3A_242 : i32 to vector<16xi32>
        %parallel_loop3A_244 = arith.shrsi %parallel_loop3A_238, %parallel_loop3A_243 : vector<16xi32>
        %parallel_loop3A_245 = tpu.vector_load_idx %arg11[%parallel_loop3A_241] : memref<10000xf32, #tpu.memory_space<vmem>>[vector<16xi32>], vector<16xf32>,
        %parallel_loop3A_246 = tpu.vector_load_idx %arg12[%parallel_loop3A_244] : memref<128xf32, #tpu.memory_space<vmem>>[vector<16xi32>], vector<16xf32>,
        %parallel_loop3A_247 = arith.mulf %parallel_loop3A_245, %parallel_loop3A_246 : vector<16xf32>
        %parallel_loop3A_248 = vector.broadcast %parallel_loop3A_191 : i32 to vector<16xi32>
        %parallel_loop3A_249 = arith.cmpi sgt, %parallel_loop3A_125, %parallel_loop3A_248 : vector<16xi32>
        %parallel_loop3A_250 = arith.constant 0.000000e+00 : f32
        %parallel_loop3A_251 = vector.broadcast %parallel_loop3A_250 : f32 to vector<16xf32>
        %parallel_loop3A_252 = arith.select %parallel_loop3A_249, %parallel_loop3A_247, %parallel_loop3A_251 : vector<16xi1>, vector<16xf32>
        %parallel_loop3A_253 = arith.maximumf %parallel_loop3A_194, %parallel_loop3A_252 : vector<16xf32>
        %parallel_loop3A_254 = vector.broadcast %parallel_loop3A_191 : i32 to vector<16xi32>
        %parallel_loop3A_255 = arith.addi %parallel_loop3A_89, %parallel_loop3A_254 : vector<16xi32>
        %parallel_loop3A_256 = tpu.vector_load_idx %arg18[%parallel_loop3A_255] : memref<22064xi32, #tpu.memory_space<vmem>>[vector<16xi32>], vector<16xi32>,
        %parallel_loop3A_257 = arith.constant 16383 : i32
        %parallel_loop3A_258 = vector.broadcast %parallel_loop3A_257 : i32 to vector<16xi32>
        %parallel_loop3A_259 = arith.andi %parallel_loop3A_256, %parallel_loop3A_258 : vector<16xi32>
        %parallel_loop3A_260 = arith.constant 14 : i32
        %parallel_loop3A_261 = vector.broadcast %parallel_loop3A_260 : i32 to vector<16xi32>
        %parallel_loop3A_262 = arith.shrsi %parallel_loop3A_256, %parallel_loop3A_261 : vector<16xi32>
        %parallel_loop3A_263 = tpu.vector_load_idx %arg11[%parallel_loop3A_259] : memref<10000xf32, #tpu.memory_space<vmem>>[vector<16xi32>], vector<16xf32>,
        %parallel_loop3A_264 = tpu.vector_load_idx %arg12[%parallel_loop3A_262] : memref<128xf32, #tpu.memory_space<vmem>>[vector<16xi32>], vector<16xf32>,
        %parallel_loop3A_265 = arith.mulf %parallel_loop3A_263, %parallel_loop3A_264 : vector<16xf32>
        %parallel_loop3A_266 = vector.broadcast %parallel_loop3A_191 : i32 to vector<16xi32>
        %parallel_loop3A_267 = arith.cmpi sgt, %parallel_loop3A_129, %parallel_loop3A_266 : vector<16xi32>
        %parallel_loop3A_268 = arith.constant 0.000000e+00 : f32
        %parallel_loop3A_269 = vector.broadcast %parallel_loop3A_268 : f32 to vector<16xf32>
        %parallel_loop3A_270 = arith.select %parallel_loop3A_267, %parallel_loop3A_265, %parallel_loop3A_269 : vector<16xi1>, vector<16xf32>
        %parallel_loop3A_271 = arith.maximumf %parallel_loop3A_195, %parallel_loop3A_270 : vector<16xf32>
        %parallel_loop3A_272 = vector.broadcast %parallel_loop3A_191 : i32 to vector<16xi32>
        %parallel_loop3A_273 = arith.addi %parallel_loop3A_95, %parallel_loop3A_272 : vector<16xi32>
        %parallel_loop3A_274 = tpu.vector_load_idx %arg18[%parallel_loop3A_273] : memref<22064xi32, #tpu.memory_space<vmem>>[vector<16xi32>], vector<16xi32>,
        %parallel_loop3A_275 = arith.constant 16383 : i32
        %parallel_loop3A_276 = vector.broadcast %parallel_loop3A_275 : i32 to vector<16xi32>
        %parallel_loop3A_277 = arith.andi %parallel_loop3A_274, %parallel_loop3A_276 : vector<16xi32>
        %parallel_loop3A_278 = arith.constant 14 : i32
        %parallel_loop3A_279 = vector.broadcast %parallel_loop3A_278 : i32 to vector<16xi32>
        %parallel_loop3A_280 = arith.shrsi %parallel_loop3A_274, %parallel_loop3A_279 : vector<16xi32>
        %parallel_loop3A_281 = tpu.vector_load_idx %arg11[%parallel_loop3A_277] : memref<10000xf32, #tpu.memory_space<vmem>>[vector<16xi32>], vector<16xf32>,
        %parallel_loop3A_282 = tpu.vector_load_idx %arg12[%parallel_loop3A_280] : memref<128xf32, #tpu.memory_space<vmem>>[vector<16xi32>], vector<16xf32>,
        %parallel_loop3A_283 = arith.mulf %parallel_loop3A_281, %parallel_loop3A_282 : vector<16xf32>
        %parallel_loop3A_284 = vector.broadcast %parallel_loop3A_191 : i32 to vector<16xi32>
        %parallel_loop3A_285 = arith.cmpi sgt, %parallel_loop3A_133, %parallel_loop3A_284 : vector<16xi32>
        %parallel_loop3A_286 = arith.constant 0.000000e+00 : f32
        %parallel_loop3A_287 = vector.broadcast %parallel_loop3A_286 : f32 to vector<16xf32>
        %parallel_loop3A_288 = arith.select %parallel_loop3A_285, %parallel_loop3A_283, %parallel_loop3A_287 : vector<16xi1>, vector<16xf32>
        %parallel_loop3A_289 = arith.maximumf %parallel_loop3A_196, %parallel_loop3A_288 : vector<16xf32>
        %parallel_loop3A_290 = vector.broadcast %parallel_loop3A_191 : i32 to vector<16xi32>
        %parallel_loop3A_291 = arith.addi %parallel_loop3A_101, %parallel_loop3A_290 : vector<16xi32>
        %parallel_loop3A_292 = tpu.vector_load_idx %arg18[%parallel_loop3A_291] : memref<22064xi32, #tpu.memory_space<vmem>>[vector<16xi32>], vector<16xi32>,
        %parallel_loop3A_293 = arith.constant 16383 : i32
        %parallel_loop3A_294 = vector.broadcast %parallel_loop3A_293 : i32 to vector<16xi32>
        %parallel_loop3A_295 = arith.andi %parallel_loop3A_292, %parallel_loop3A_294 : vector<16xi32>
        %parallel_loop3A_296 = arith.constant 14 : i32
        %parallel_loop3A_297 = vector.broadcast %parallel_loop3A_296 : i32 to vector<16xi32>
        %parallel_loop3A_298 = arith.shrsi %parallel_loop3A_292, %parallel_loop3A_297 : vector<16xi32>
        %parallel_loop3A_299 = tpu.vector_load_idx %arg11[%parallel_loop3A_295] : memref<10000xf32, #tpu.memory_space<vmem>>[vector<16xi32>], vector<16xf32>,
        %parallel_loop3A_300 = tpu.vector_load_idx %arg12[%parallel_loop3A_298] : memref<128xf32, #tpu.memory_space<vmem>>[vector<16xi32>], vector<16xf32>,
        %parallel_loop3A_301 = arith.mulf %parallel_loop3A_299, %parallel_loop3A_300 : vector<16xf32>
        %parallel_loop3A_302 = vector.broadcast %parallel_loop3A_191 : i32 to vector<16xi32>
        %parallel_loop3A_303 = arith.cmpi sgt, %parallel_loop3A_137, %parallel_loop3A_302 : vector<16xi32>
        %parallel_loop3A_304 = arith.constant 0.000000e+00 : f32
        %parallel_loop3A_305 = vector.broadcast %parallel_loop3A_304 : f32 to vector<16xf32>
        %parallel_loop3A_306 = arith.select %parallel_loop3A_303, %parallel_loop3A_301, %parallel_loop3A_305 : vector<16xi1>, vector<16xf32>
        %parallel_loop3A_307 = arith.maximumf %parallel_loop3A_197, %parallel_loop3A_306 : vector<16xf32>
        %parallel_loop3A_308 = vector.broadcast %parallel_loop3A_191 : i32 to vector<16xi32>
        %parallel_loop3A_309 = arith.addi %parallel_loop3A_107, %parallel_loop3A_308 : vector<16xi32>
        %parallel_loop3A_310 = tpu.vector_load_idx %arg18[%parallel_loop3A_309] : memref<22064xi32, #tpu.memory_space<vmem>>[vector<16xi32>], vector<16xi32>,
        %parallel_loop3A_311 = arith.constant 16383 : i32
        %parallel_loop3A_312 = vector.broadcast %parallel_loop3A_311 : i32 to vector<16xi32>
        %parallel_loop3A_313 = arith.andi %parallel_loop3A_310, %parallel_loop3A_312 : vector<16xi32>
        %parallel_loop3A_314 = arith.constant 14 : i32
        %parallel_loop3A_315 = vector.broadcast %parallel_loop3A_314 : i32 to vector<16xi32>
        %parallel_loop3A_316 = arith.shrsi %parallel_loop3A_310, %parallel_loop3A_315 : vector<16xi32>
        %parallel_loop3A_317 = tpu.vector_load_idx %arg11[%parallel_loop3A_313] : memref<10000xf32, #tpu.memory_space<vmem>>[vector<16xi32>], vector<16xf32>,
        %parallel_loop3A_318 = tpu.vector_load_idx %arg12[%parallel_loop3A_316] : memref<128xf32, #tpu.memory_space<vmem>>[vector<16xi32>], vector<16xf32>,
        %parallel_loop3A_319 = arith.mulf %parallel_loop3A_317, %parallel_loop3A_318 : vector<16xf32>
        %parallel_loop3A_320 = vector.broadcast %parallel_loop3A_191 : i32 to vector<16xi32>
        %parallel_loop3A_321 = arith.cmpi sgt, %parallel_loop3A_141, %parallel_loop3A_320 : vector<16xi32>
        %parallel_loop3A_322 = arith.constant 0.000000e+00 : f32
        %parallel_loop3A_323 = vector.broadcast %parallel_loop3A_322 : f32 to vector<16xf32>
        %parallel_loop3A_324 = arith.select %parallel_loop3A_321, %parallel_loop3A_319, %parallel_loop3A_323 : vector<16xi1>, vector<16xf32>
        %parallel_loop3A_325 = arith.maximumf %parallel_loop3A_198, %parallel_loop3A_324 : vector<16xf32>
        %parallel_loop3A_326 = vector.broadcast %parallel_loop3A_191 : i32 to vector<16xi32>
        %parallel_loop3A_327 = arith.addi %parallel_loop3A_113, %parallel_loop3A_326 : vector<16xi32>
        %parallel_loop3A_328 = tpu.vector_load_idx %arg18[%parallel_loop3A_327] : memref<22064xi32, #tpu.memory_space<vmem>>[vector<16xi32>], vector<16xi32>,
        %parallel_loop3A_329 = arith.constant 16383 : i32
        %parallel_loop3A_330 = vector.broadcast %parallel_loop3A_329 : i32 to vector<16xi32>
        %parallel_loop3A_331 = arith.andi %parallel_loop3A_328, %parallel_loop3A_330 : vector<16xi32>
        %parallel_loop3A_332 = arith.constant 14 : i32
        %parallel_loop3A_333 = vector.broadcast %parallel_loop3A_332 : i32 to vector<16xi32>
        %parallel_loop3A_334 = arith.shrsi %parallel_loop3A_328, %parallel_loop3A_333 : vector<16xi32>
        %parallel_loop3A_335 = tpu.vector_load_idx %arg11[%parallel_loop3A_331] : memref<10000xf32, #tpu.memory_space<vmem>>[vector<16xi32>], vector<16xf32>,
        %parallel_loop3A_336 = tpu.vector_load_idx %arg12[%parallel_loop3A_334] : memref<128xf32, #tpu.memory_space<vmem>>[vector<16xi32>], vector<16xf32>,
        %parallel_loop3A_337 = arith.mulf %parallel_loop3A_335, %parallel_loop3A_336 : vector<16xf32>
        %parallel_loop3A_338 = vector.broadcast %parallel_loop3A_191 : i32 to vector<16xi32>
        %parallel_loop3A_339 = arith.cmpi sgt, %parallel_loop3A_145, %parallel_loop3A_338 : vector<16xi32>
        %parallel_loop3A_340 = arith.constant 0.000000e+00 : f32
        %parallel_loop3A_341 = vector.broadcast %parallel_loop3A_340 : f32 to vector<16xf32>
        %parallel_loop3A_342 = arith.select %parallel_loop3A_339, %parallel_loop3A_337, %parallel_loop3A_341 : vector<16xi1>, vector<16xf32>
        %parallel_loop3A_343 = arith.maximumf %parallel_loop3A_199, %parallel_loop3A_342 : vector<16xf32>
        scf.yield %parallel_loop3A_217, %parallel_loop3A_235, %parallel_loop3A_253, %parallel_loop3A_271, %parallel_loop3A_289, %parallel_loop3A_307, %parallel_loop3A_325, %parallel_loop3A_343 : vector<16xf32>, vector<16xf32>, vector<16xf32>, vector<16xf32>, vector<16xf32>, vector<16xf32>, vector<16xf32>, vector<16xf32>
      } {sc.loop_unroll_factor = 1 : i64, sc.parallel_access}
      tpu.vector_store_idx %arg20[%parallel_loop3A_149], %parallel_loop3A_190#0 : memref<10000xf32, #tpu.memory_space<vmem>>[vector<16xi32>], vector<16xf32>,
      tpu.vector_store_idx %arg20[%parallel_loop3A_153], %parallel_loop3A_190#1 : memref<10000xf32, #tpu.memory_space<vmem>>[vector<16xi32>], vector<16xf32>,
      tpu.vector_store_idx %arg20[%parallel_loop3A_157], %parallel_loop3A_190#2 : memref<10000xf32, #tpu.memory_space<vmem>>[vector<16xi32>], vector<16xf32>,
      tpu.vector_store_idx %arg20[%parallel_loop3A_161], %parallel_loop3A_190#3 : memref<10000xf32, #tpu.memory_space<vmem>>[vector<16xi32>], vector<16xf32>,
      tpu.vector_store_idx %arg20[%parallel_loop3A_165], %parallel_loop3A_190#4 : memref<10000xf32, #tpu.memory_space<vmem>>[vector<16xi32>], vector<16xf32>,
      tpu.vector_store_idx %arg20[%parallel_loop3A_169], %parallel_loop3A_190#5 : memref<10000xf32, #tpu.memory_space<vmem>>[vector<16xi32>], vector<16xf32>,
      tpu.vector_store_idx %arg20[%parallel_loop3A_173], %parallel_loop3A_190#6 : memref<10000xf32, #tpu.memory_space<vmem>>[vector<16xi32>], vector<16xf32>,
      tpu.vector_store_idx %arg20[%parallel_loop3A_177], %parallel_loop3A_190#7 : memref<10000xf32, #tpu.memory_space<vmem>>[vector<16xi32>], vector<16xf32>,
    } {sc.loop_unroll_factor = 1 : i64, sc.parallel_access}
    %get3A_42 = arith.constant 9984 : index
    %get3A_43 = tpu.vector_load %arg13[%get3A_42] {strides = array<i32>} : memref<10000xi32, #tpu.memory_space<vmem>>, vector<16xi32>,
    %sub3A = vector.broadcast %squeeze3A_39 : i32 to vector<16xi32>
    %sub3A_44 = arith.subi %get3A_43, %sub3A : vector<16xi32>
    %get3A_45 = arith.constant 9984 : index
    %get3A_46 = tpu.vector_load %arg14[%get3A_45] {strides = array<i32>} : memref<10000xi32, #tpu.memory_space<vmem>>, vector<16xi32>,
    %get3A_47 = arith.constant 9984 : index
    %get3A_48 = tpu.vector_load %arg15[%get3A_47] {strides = array<i32>} : memref<10000xi32, #tpu.memory_space<vmem>>, vector<16xi32>,
    %get3A_49 = arith.constant 624 : index
    %get3A_50 = tpu.vector_load %arg16[%get3A_49] {strides = array<i32>} : memref<656xi32, #tpu.memory_space<vmem>>, vector<16xi32>,
    %slice3A_51 = vector.extract_strided_slice %get3A_50 {offsets = [0], sizes = [1], strides = [1]} : vector<16xi32> to vector<1xi32>
    %squeeze3A_52 = vector.extract %slice3A_51[0] : i32 from vector<1xi32>
    %broadcast_in_dim3A = arith.constant 0.000000e+00 : f32
    %broadcast_in_dim3A_53 = vector.broadcast %broadcast_in_dim3A : f32 to vector<16xf32>
    %parallel_loop3A_54 = arith.constant 0 : i32
    %parallel_loop3A_55 = arith.constant 1 : i32
    %parallel_loop3A_56 = scf.for %parallel_loop3A_57 = %parallel_loop3A_54 to %squeeze3A_52 step %parallel_loop3A_55 iter_args(%parallel_loop3A_58 = %broadcast_in_dim3A_53) -> (vector<16xf32>)  : i32 {
      %parallel_loop3A_59 = vector.broadcast %parallel_loop3A_57 : i32 to vector<16xi32>
      %parallel_loop3A_60 = arith.addi %sub3A_44, %parallel_loop3A_59 : vector<16xi32>
      %parallel_loop3A_61 = tpu.vector_load_idx %arg18[%parallel_loop3A_60] : memref<22064xi32, #tpu.memory_space<vmem>>[vector<16xi32>], vector<16xi32>,
      %parallel_loop3A_62 = arith.constant 16383 : i32
      %parallel_loop3A_63 = vector.broadcast %parallel_loop3A_62 : i32 to vector<16xi32>
      %parallel_loop3A_64 = arith.andi %parallel_loop3A_61, %parallel_loop3A_63 : vector<16xi32>
      %parallel_loop3A_65 = arith.constant 14 : i32
      %parallel_loop3A_66 = vector.broadcast %parallel_loop3A_65 : i32 to vector<16xi32>
      %parallel_loop3A_67 = arith.shrsi %parallel_loop3A_61, %parallel_loop3A_66 : vector<16xi32>
      %parallel_loop3A_68 = tpu.vector_load_idx %arg11[%parallel_loop3A_64] : memref<10000xf32, #tpu.memory_space<vmem>>[vector<16xi32>], vector<16xf32>,
      %parallel_loop3A_69 = tpu.vector_load_idx %arg12[%parallel_loop3A_67] : memref<128xf32, #tpu.memory_space<vmem>>[vector<16xi32>], vector<16xf32>,
      %parallel_loop3A_70 = arith.mulf %parallel_loop3A_68, %parallel_loop3A_69 : vector<16xf32>
      %parallel_loop3A_71 = vector.broadcast %parallel_loop3A_57 : i32 to vector<16xi32>
      %parallel_loop3A_72 = arith.cmpi sgt, %get3A_46, %parallel_loop3A_71 : vector<16xi32>
      %parallel_loop3A_73 = arith.constant 0.000000e+00 : f32
      %parallel_loop3A_74 = vector.broadcast %parallel_loop3A_73 : f32 to vector<16xf32>
      %parallel_loop3A_75 = arith.select %parallel_loop3A_72, %parallel_loop3A_70, %parallel_loop3A_74 : vector<16xi1>, vector<16xf32>
      %parallel_loop3A_76 = arith.maximumf %parallel_loop3A_58, %parallel_loop3A_75 : vector<16xf32>
      scf.yield %parallel_loop3A_76 : vector<16xf32>
    } {sc.loop_unroll_factor = 4 : i64, sc.parallel_access}
    tpu.vector_store_idx %arg20[%get3A_48], %parallel_loop3A_56 : memref<10000xf32, #tpu.memory_space<vmem>>[vector<16xi32>], vector<16xf32>,
    "tpu.region"() ({
      %run_scoped3A = tpu.sem_alloc : memref<!tpu.dma_semaphore, #tpu.memory_space<semaphore_mem>>
      %dma_start3A_57 = arith.constant 0 : i32
      %dma_start3A_58 = tpu.memref_slice %arg10[%add3A, %dma_start3A_57] : memref<32x10000xf32, #tpu.memory_space<hbm>> -> memref<1x10000xf32, #tpu.memory_space<hbm>>
      %dma_start3A_59 = tpu.memref_squeeze %dma_start3A_58 : memref<1x10000xf32, #tpu.memory_space<hbm>> -> memref<10000xf32, #tpu.memory_space<hbm>>
      %dma_start3A_60 = arith.constant 0 : i32
      %dma_start3A_61 = tpu.memref_slice %arg10[%add3A, %dma_start3A_60] : memref<32x10000xf32, #tpu.memory_space<hbm>> -> memref<1x10000xf32, #tpu.memory_space<hbm>>
      %dma_start3A_62 = tpu.memref_squeeze %dma_start3A_61 : memref<1x10000xf32, #tpu.memory_space<hbm>> -> memref<10000xf32, #tpu.memory_space<hbm>>
      tpu.enqueue_dma source(%arg20 : memref<10000xf32, #tpu.memory_space<vmem>>) target(%dma_start3A_62 : memref<10000xf32, #tpu.memory_space<hbm>>) target_semaphore(%run_scoped3A : memref<!tpu.dma_semaphore, #tpu.memory_space<semaphore_mem>>)
      %dma_wait3A_63 = arith.constant 0 : i32
      %dma_wait3A_64 = tpu.memref_slice %arg10[%add3A, %dma_wait3A_63] : memref<32x10000xf32, #tpu.memory_space<hbm>> -> memref<1x10000xf32, #tpu.memory_space<hbm>>
      %dma_wait3A_65 = tpu.memref_squeeze %dma_wait3A_64 : memref<1x10000xf32, #tpu.memory_space<hbm>> -> memref<10000xf32, #tpu.memory_space<hbm>>
      %dma_wait3A_66 = arith.constant 0 : i32
      %dma_wait3A_67 = tpu.memref_slice %arg10[%add3A, %dma_wait3A_66] : memref<32x10000xf32, #tpu.memory_space<hbm>> -> memref<1x10000xf32, #tpu.memory_space<hbm>>
      %dma_wait3A_68 = tpu.memref_squeeze %dma_wait3A_67 : memref<1x10000xf32, #tpu.memory_space<hbm>> -> memref<10000xf32, #tpu.memory_space<hbm>>
      tpu.wait_dma2 semaphore(%run_scoped3A : memref<!tpu.dma_semaphore, #tpu.memory_space<semaphore_mem>>) src(%arg20 : memref<10000xf32, #tpu.memory_space<vmem>>) dst(%dma_wait3A_68 : memref<10000xf32, #tpu.memory_space<hbm>>)
      tpu.yield
    }) : () -> ()
    return
  }
}

module attributes {stable_mosaic.version = 14 : i64} {
  func.func @body(%arg0: memref<32x10000xf32, #tpu.memory_space<vmem>>, %arg1: memref<128x10000xf32, #tpu.memory_space<vmem>>, %arg2: memref<32x512xf32, #tpu.memory_space<vmem>>, %arg3: memref<128x512xf32, #tpu.memory_space<vmem>>, %arg4: memref<32x128xf32, #tpu.memory_space<vmem>>) attributes {dimension_semantics = [], scalar_prefetch = 0 : i64, scratch_operands = 0 : i64, tpu.core_type = #tpu.core_type<tc>} {
    %get3A = arith.constant 0 : index
    %get3A_0 = arith.constant 0 : index
    %get3A_1 = vector.load %arg0[%get3A, %get3A_0] : memref<32x10000xf32, #tpu.memory_space<vmem>>, vector<32x10000xf32>
    %get3A_2 = arith.constant 0 : index
    %get3A_3 = arith.constant 0 : index
    %get3A_4 = vector.load %arg1[%get3A_2, %get3A_3] : memref<128x10000xf32, #tpu.memory_space<vmem>>, vector<128x10000xf32>
    %dot_general3A = arith.constant dense<0.000000e+00> : vector<32x128xf32>
    %dot_general3A_5 = tpu.matmul %get3A_1, %get3A_4, %dot_general3A {dimension_numbers = #tpu.dot_dimension_numbers<[1], [1], [0], [0], [0, 0, 1, 0], [], []>, transpose_lhs_hint = false} : vector<32x10000xf32>, vector<128x10000xf32>, vector<32x128xf32> -> vector<32x128xf32>
    %gt3A = arith.constant 0.000000e+00 : f32
    %gt3A_6 = vector.broadcast %gt3A : f32 to vector<32x128xf32>
    %gt3A_7 = arith.cmpf ogt, %dot_general3A_5, %gt3A_6 : vector<32x128xf32>
    %get3A_8 = arith.constant 0 : index
    %get3A_9 = arith.constant 0 : index
    %get3A_10 = vector.load %arg2[%get3A_8, %get3A_9] : memref<32x512xf32, #tpu.memory_space<vmem>>, vector<32x512xf32>
    %get3A_11 = arith.constant 0 : index
    %get3A_12 = arith.constant 0 : index
    %get3A_13 = vector.load %arg3[%get3A_11, %get3A_12] : memref<128x512xf32, #tpu.memory_space<vmem>>, vector<128x512xf32>
    %dot_general3A_14 = arith.constant dense<0.000000e+00> : vector<32x128xf32>
    %dot_general3A_15 = tpu.matmul %get3A_10, %get3A_13, %dot_general3A_14 {dimension_numbers = #tpu.dot_dimension_numbers<[1], [1], [0], [0], [0, 0, 1, 0], [], []>, transpose_lhs_hint = false} : vector<32x512xf32>, vector<128x512xf32>, vector<32x128xf32> -> vector<32x128xf32>
    %jit3A = arith.constant 0xFF800000 : f32
    %broadcast_in_dim3A = vector.broadcast %jit3A : f32 to vector<32x128xf32>
    %select_n3A = arith.select %gt3A_7, %dot_general3A_15, %broadcast_in_dim3A : vector<32x128xi1>, vector<32x128xf32>
    %reduce_max3A = arith.constant dense<0xFF800000> : vector<32xf32>
    %reduce_max3A_16 = vector.multi_reduction <maximumf>, %select_n3A, %reduce_max3A [1] : vector<32x128xf32> to vector<32xf32>
    %broadcast_in_dim3A_17 = vector.shape_cast %reduce_max3A_16 : vector<32xf32> to vector<32x1xf32>
    %sub3A = vector.broadcast %broadcast_in_dim3A_17 : vector<32x1xf32> to vector<32x128xf32>
    %sub3A_18 = arith.subf %dot_general3A_15, %sub3A : vector<32x128xf32>
    %exp3A = math.exp %sub3A_18 : vector<32x128xf32>
    %jit3A_19 = arith.constant 0.000000e+00 : f32
    %broadcast_in_dim3A_20 = vector.broadcast %jit3A_19 : f32 to vector<32x128xf32>
    %select_n3A_21 = arith.select %gt3A_7, %exp3A, %broadcast_in_dim3A_20 : vector<32x128xi1>, vector<32x128xf32>
    %reduce_sum3A = arith.constant dense<0.000000e+00> : vector<32xf32>
    %reduce_sum3A_22 = vector.multi_reduction <add>, %select_n3A_21, %reduce_sum3A [1] : vector<32x128xf32> to vector<32xf32>
    %broadcast_in_dim3A_23 = vector.shape_cast %reduce_sum3A_22 : vector<32xf32> to vector<32x1xf32>
    %div3A = vector.broadcast %broadcast_in_dim3A_23 : vector<32x1xf32> to vector<32x128xf32>
    %div3A_24 = arith.divf %select_n3A_21, %div3A : vector<32x128xf32>
    %swap3A = arith.constant 0 : index
    %swap3A_25 = arith.constant 0 : index
    %swap3A_26 = vector.load %arg4[%swap3A, %swap3A_25] : memref<32x128xf32, #tpu.memory_space<vmem>>, vector<32x128xf32>
    tpu.vector_store %arg4[%swap3A, %swap3A_25], %div3A_24 {strides = array<i32>} : memref<32x128xf32, #tpu.memory_space<vmem>>, vector<32x128xf32>,
    return
  }
}

</mosaic_0001>

<sc_bundles>
// kernel: gather_offload_async_start.1
scs
__scs_entry_jumppad:
0x0: {  	(pc) =	sbr.rel $0x88, $3  }
0x1: {  	(tag) =	ssettag $0x0;
	lr =	simm.s32 $0x1  }
0x2: {  	[smem:$0x3F96] =	sst lr;
	_ =	strace $0xD0000000  }
0x3: {  	_ = 	snop  }
0x4: {  	_ = 	snop  }
0x5: {  	_ = 	snop  }
0x6: {  	_ = 	snop  }
0x7: {  	_ = 	snop  }
__scs_overlays_trampoline_lowered:
0x8: {  	[smem:$0x3FA5] =	sst s0  }
0x9: {  	[smem:$0x3FA6] =	sst s1  }
0xa: {  	[smem:$0x3FA7] =	sst s2  }
0xb: {  	[smem:$0x3FA8] =	sst s3  }
0xc: {  	[smem:$0x3FA9] =	sst s4  }
0xd: {  	[smem:$0x3FAA] =	sst s5  }
0xe: {  	[smem:$0x3FAB] =	sst s6  }
0xf: {  	[smem:$0x3FAC] =	sst s7  }
0x10: {  	[smem:$0x3FAD] =	sst s8  }
0x11: {  	[smem:$0x3FAE] =	sst s9;
	s0 =	simm.s32 @!p0 $0x0  }
0x12: {  	s1 =	sld [smem:$0x3F94];
	s0 =	simm.s32 @p0 $0x1  }
0x13: {  	[smem:$0x3FAF] =	sst s0;
	s0 =	simm.s32 @!p1 $0x0  }
0x14: {  	s2 =	sld [smem:$0x3F93];
	s0 =	simm.s32 @p1 $0x1  }
0x15: {  	[smem:$0x3FB0] =	sst s0;
	s0 =	simm.s32 @!p2 $0x0  }
0x16: {  	s3 =	sld [smem:$0x3FDB];
	s0 =	simm.s32 @p2 $0x1  }
0x17: {  	s4 =	simm.s32 $0x1BF5;
	[smem:$0x3FB2] =	sst s0  }
0x18: {  	s0 =	sld [smem:$0x3F95];
	_ =	swait.ge [sflag:s4], $0x0  }
0x19: {  	s7 =	sld [smem:$0x3F96]  }
0x1a: {  	s8 =	sadd.s32 $0xFFFFE003, lr  }
0x1b: {  	s9 =	sadd.s32 $0xFFFFFEF7, lr;
	s5 =	simm.s32 $0xFFFFFFFF;
	p2 =	slt.u32 s8, $0xFFFFF086  }
0x1c: {  	p1 =	slt.u32 s9, $0xF7A;
	s5 =	simm.s32 @!p2 $0x0  }
0x1d: {  	s5 =	simm.s32 @p1 $0x1;
	p0 =	seq.s32 s7, s2  }
0x1e: {  	s7 =	smul.u32 @!p0 $0xF7A, s2;
	p2 =	seq.s32 @!p0 s5, $0x0  }
0x1f: {  	s9 =	smul.u32 $0xF7A, s1;
	s8 =	simm.s32 @!p0 $0x1BF5;
	p2 =	por !p2, p0  }
0x20: {  	[sflag:s8] =	ssyncset.s32 @!p0 $0xFFFFF086;
	s6 =	sadd.s32 @!p0 s3, s7;
	s7 =	simm.s32 @!p0 $0x108  }
0x21: {  	s3 =	sadd.s32 s3, s9;
	s6 =	sadd.s32 @!p0 $0x88, s6;
	s7 =	simm.s32 @p2 $0x1082  }
0x22: {  	[simem:s7], [sflag:s8] =	dma.local @!p0 [hbm:s6], $0xF7A  }
0x23: {  	s9 =	sor.u32 $0xD0000000, s2;
	s6 =	simm.s32 $0x108;
	_ =	swait.ge @!p0 [sflag:s8], $0x0  }
0x24: {  	s3 =	sadd.s32 $0x88, s3;
	s6 =	simm.s32 @!p1 $0x1082;
	[sflag:s4] =	ssyncset.s32 $0xFFFFF086  }
0x25: {  	[simem:s6], [sflag:s4] =	dma.local [hbm:s3], $0xF7A  }
0x26: {  	[smem:$0x3F96] =	sst s1;
	(tag) =	ssettag s2;
	_ =	strace s9  }
0x27: {  	s1 =	sld [smem:$0x3FA6]  }
0x28: {  	s2 =	sld [smem:$0x3FA7]  }
0x29: {  	s4 =	sld [smem:$0x3FA9]  }
0x2a: {  	p0 =	seq.s32 s5, $0x0;
	s5 =	sld [smem:$0x3FAA]  }
0x2b: {  	s6 =	sld [smem:$0x3FAB]  }
0x2c: {  	s7 =	sld [smem:$0x3FAC]  }
0x2d: {  	s3 =	simm.s32 $0x108;
	s8 =	sld [smem:$0x3FAD]  }
0x2e: {  	s3 =	simm.s32 @!p0 $0x1082;
	s9 =	sld [smem:$0x3FAE]  }
0x2f: {  	lr =	sadd.s32 s0, s3;
	s0 =	sld [smem:$0x3FA5]  }
0x30: {  	s3 =	sld [smem:$0x3FA8]  }
0x31: {  	[smem:$0x3FB1] =	sst s10  }
0x32: {  	s10 =	sld [smem:$0x3FAF];
	_ =	sdelay $0x3  }
0x33: {  	p0 =	seq.s32 s10, $0x1;
	s10 =	sld [smem:$0x3FB1];
	_ =	sdelay $0x3  }
0x34: {  	[smem:$0x3FB1] =	sst s10  }
0x35: {  	s10 =	sld [smem:$0x3FB0];
	_ =	sdelay $0x3  }
0x36: {  	p1 =	seq.s32 s10, $0x1;
	s10 =	sld [smem:$0x3FB1];
	_ =	sdelay $0x3  }
0x37: {  	[smem:$0x3FB1] =	sst s10  }
0x38: {  	s10 =	sld [smem:$0x3FB2]  }
0x39: {  	_ = 	snop;
	(pc) =	sbr.ind lr, $3  }
0x3a: {  	_ = 	snop  }
0x3b: {  	_ = 	snop  }
0x3c: {  	p2 =	seq.s32 s10, $0x1;
	s10 =	sld [smem:$0x3FB1]  }
0x3d: {  	_ =	shalt  }
0x3e: {  	_ =	shalt  }
0x3f: {  	_ =	shalt  }
0x40: {  	_ =	shalt  }
0x41: {  	_ =	shalt  }
0x42: {  	_ =	shalt  }
0x43: {  	_ =	shalt  }
0x44: {  	_ =	shalt  }
0x45: {  	_ =	shalt  }
0x46: {  	_ =	shalt  }
0x47: {  	_ =	shalt  }
0x48: {  	_ =	shalt  }
0x49: {  	_ =	shalt  }
0x4a: {  	_ =	shalt  }
0x4b: {  	_ =	shalt  }
0x4c: {  	_ =	shalt  }
0x4d: {  	_ =	shalt  }
0x4e: {  	_ =	shalt  }
0x4f: {  	_ =	shalt  }
0x50: {  	_ =	shalt  }
0x51: {  	_ =	shalt  }
0x52: {  	_ =	shalt  }
0x53: {  	_ =	shalt  }
0x54: {  	_ =	shalt  }
0x55: {  	_ =	shalt  }
0x56: {  	_ =	shalt  }
0x57: {  	_ =	shalt  }
0x58: {  	_ =	shalt  }
0x59: {  	_ =	shalt  }
0x5a: {  	_ =	shalt  }
0x5b: {  	_ =	shalt  }
0x5c: {  	_ =	shalt  }
0x5d: {  	_ =	shalt  }
0x5e: {  	_ =	shalt  }
0x5f: {  	_ =	shalt  }
0x60: {  	_ =	shalt  }
0x61: {  	_ =	shalt  }
0x62: {  	_ =	shalt  }
0x63: {  	_ =	shalt  }
0x64: {  	_ =	shalt  }
0x65: {  	_ =	shalt  }
0x66: {  	_ =	shalt  }
0x67: {  	_ =	shalt  }
0x68: {  	_ =	shalt  }
0x69: {  	_ =	shalt  }
0x6a: {  	_ =	shalt  }
0x6b: {  	_ =	shalt  }
0x6c: {  	_ =	shalt  }
0x6d: {  	_ =	shalt  }
0x6e: {  	_ =	shalt  }
0x6f: {  	_ =	shalt  }
0x70: {  	_ =	shalt  }
0x71: {  	_ =	shalt  }
0x72: {  	_ =	shalt  }
0x73: {  	_ =	shalt  }
0x74: {  	_ =	shalt  }
0x75: {  	_ =	shalt  }
0x76: {  	_ =	shalt  }
0x77: {  	_ =	shalt  }
0x78: {  	_ =	shalt  }
0x79: {  	_ =	shalt  }
0x7a: {  	_ =	shalt  }
0x7b: {  	_ =	shalt  }
0x7c: {  	_ =	shalt  }
0x7d: {  	_ =	shalt  }
0x7e: {  	_ =	shalt  }
0x7f: {  	_ =	shalt  }
0x80: {  	_ =	shalt  }
0x81: {  	_ =	shalt  }
0x82: {  	_ =	shalt  }
0x83: {  	_ =	shalt  }
0x84: {  	_ =	shalt  }
0x85: {  	_ =	shalt  }
0x86: {  	_ =	shalt  }
0x87: {  	_ =	shalt  }
.Lfunc_end0:
.L_simem_size_0:
called_computation.1_lowered:
.L_overlay_start_0:
0x88: {  	s0 =	sld [smem:$0x3FD9]  }
0x89: {  	s1 =	sld [smem:$0x3FFE];
	_ =	sdelay $0x3  }
0x8a: {  	s0 =	sadd.s32 s1, s0  }
0x8b: {  	[smem:$0x3FBD] =	sst s0  }
0x8c: {  	_ = 	snop  }
0x8d: {  	s0 =	sld [smem:$0x3FD0];
	(tm) =	ssettm $0x1  }
0x8e: {  	s16 =	sld [smem:$0x3FFB];
	_ =	sdelay $0x3  }
0x8f: {  	_ =	strace s16  }
0x90: {  	s1 =	sld [smem:$0x3FFC];
	_ =	sdelay $0x3  }
0x91: {  	_ =	strace s1  }
0x92: {  	s1 =	sld [smem:$0x3FFD];
	_ =	sdelay $0x3  }
0x93: {  	_ =	strace s1  }
0x94: {  	_ =	strace $0x8FFFFFFF  }
0x95: {  	s17 =	sld [smem:$0x3FDB];
	_ =	sdelay $0x1  }
0x96: {  	s2 =	simm.s32 $_scs_section_size  }
0x97: {  	s3 =	simm.s32 $_size__tile_overlayer_lowered;
	s4 =	simm.s32 $_tile_overlayer_lowered  }
0x98: {  	s20 =	simm.s32 $0x1BFF;
	s19 =	sshll.u32 s4, $0x1;
	s1 =	sadd.s32 s2, s17  }
0x99: {  	s5 =	simm.s32 $0x0;
	s18 =	sshll.u32 s3, $0x1;
	s3 =	sadd.s32 s19, s1  }
0x9a: {  	[timem:s5], [sflag:s20] =	dma.local [hbm:s3], s18  }
0x9b: {  	_ =	swait.ge [sflag:s20], s18  }
0x9c: {  	s2 =	ssub.s32 $0x0, s18;
	[sflag:s20] =	ssyncset.done $0x0  }
0x9d: {  	[sflag:s20] =	ssyncadd.s32 s2;
	_ =	sdelay $0x1  }
0x9e: {  	s21 =	simm.s32 $0x1B8B  }
0x9f: {  	_ =	swait.ge [sflag:s21], $0x1  }
0xa0: {  	[sflag:s21] =	ssyncset.done $0x0  }
0xa1: {  	s23 =	simm.s32 $0x1B8E;
	s22 =	sld [smem:$0x3FFE];
	[sflag:s21] =	ssyncadd.s32 $0xFFFFFFFF  }
0xa2: {  	s24 =	simm.s32 $execute0_lowered;
	[smem:$0x3FD2] =	sst s23  }
0xa3: {  	s3 =	sshll.u32 s24, $0x1;
	_ =	strace $0x80000046;
	[dreg:$0x1] =	wrdreg $0xFFFFFFFF  }
0xa4: {  	s25 =	simm.s32 $_size_execute0_lowered;
	s1 =	sadd.s32 s1, s3;
	[dreg:$0x0] =	wrdreg $0x0  }
0xa5: {  	s3 =	sshll.u32 s25, $0x1;
	[dreg:$0x2] =	wrdreg s1  }
0xa6: {  	[dreg:$0x3] =	wrdreg s3  }
0xa7: {  	[dreg:$0x4] =	wrdreg $0xC0  }
0xa8: {  	_ =	task [dreg:s5], $0x5FFFF  }
0xa9: {  	[dreg:$0x1] =	wrdreg $0xFFFFFFFF  }
0xaa: {  	[dreg:$0x0] =	wrdreg $0x60  }
0xab: {  	[dreg:$0x2] =	wrdreg s0  }
0xac: {  	[dreg:$0x3] =	wrdreg s22  }
0xad: {  	[dreg:$0x4] =	wrdreg $0x9  }
0xae: {  	_ =	task.clear_ibuf [dreg:s5], $0x5FFFF;
	_ =	strace $0x90000046  }
0xaf: {  	s26 =	simm.s32 $0x9;
	_ =	strace $0x80000048  }
0xb0: {  	_ =	swait.ge [sflag:s26], $0x1  }
0xb1: {  	[sflag:s26] =	ssyncadd.s32 $0xFFFFFFFF  }
0xb2: {  	_ =	strace $0x90000048  }
0xb3: {  	_ =	sfence  }
0xb4: {  	s28 =	sld [smem:$0x0];
	_ =	sdelay $0x1  }
0xb5: {  	s29 =	srdreg.scid  }
0xb6: {  	s30 =	sshll.u32 s29, $0xD;
	s31 =	sshrl.u32 s29, $0x2  }
0xb7: {  	s2 =	sand.u32 $0x4000, s30;
	s1 =	sand.u32 $0x1, s29;
	s0 =	sadd.s32 s31, s28  }
0xb8: {  	s1 =	sor.u32 s2, s1;
	s0 =	sshll.u32 s0, $0x11  }
0xb9: {  	s0 =	sor.u32 s0, s1  }
0xba: {  	s0 =	sadd.s32 $0x8F2B, s0  }
0xbb: {  	[sflag:s0] =	ssyncadd.remote.s32 $0x1  }
0xbc: {  	_ =	sfence.sel $0xFFFF  }
0xbd: {  	[dreg:$0x0] =	wrdreg $0xFFFFFFFF;
	(pc) =	sbr.abs _section_cstart, $3  }
0xbe: {  	[dreg:$0x1] =	wrdreg $0xFFFFFFFF  }
0xbf: {  	_ =	task.clear_ibuf [dreg:s5], $0x2FFFF;
	_ =	strace $0x9FFFFFFF  }
0xc0: {  	(tm) =	ssettm $0x7FFFFFFF  }
0xc1: {  	_ =	shalt  }
tec
execute0_lowered:
.L_overlay_start_1:
0x0: {  	(tag) =	ssettag $0x1  }
0x1: {  	s2 =	rddreg [dreg:$0x0]  }
0x2: {  	s8 =	rddreg [dreg:$0x1]  }
0x3: {  	s0 =	rddreg [dreg:$0x2]  }
0x4: {  	_ =	strace $0x80000047;
	s4 =	simm.s32 $0x1;
	s1 =	stileid.u32  }
0x5: {  	s7 =	simm.s32 $0x1;
	s9 =	simm.s32 $0x1;
	s6 =	simm.s32 $0x2  }
0x6: {  	s10 =	simm.s32 $0x3;
	s13 =	simm.s32 $0x0;
	s12 =	simm.s32 $0x0  }
.Ltmp0:
0x7: {  	s3 =	sadd.s32 $0x800, s8;
	p0 =	slt.u32 s1, $0xA;
	(pc) =	sbr.rel .LBB2_1-.Ltmp0, $4  }
0x8: {  	[sflag:s4] =	ssyncpa.u1 $0x0;
	s7 =	simm.s32 @!p0 $0x0;
	p0 =	sne.s32 s1, $0x9  }
0x9: {  	s5 =	smul.u32 $0x190, s1;
	[sflag:s6] =	ssyncpa.u1 $0x0;
	s9 =	simm.s32 @!p0 $0x0  }
0xa: {  	s8 =	sadd.s32 $0xB800, s8;
	[sflag:s10] =	ssyncpa.u1 $0x0;
	s7 =	sadd.s32 s9, s7  }
0xb: {  	vm0 =	vmmov $0xffff;
	s10 =	simm.s32 $0x0;
	s11 =	smov.u32 s5;
	s9 =	sadd.s32 $0x1, s7  }
.LBB2_4:
0xc: {  	vm1 =	veq.s32 v0, $0x80000000;
	v63 =	vand.u32 $0x1F, v0;
	v2 =	vand.u32 $0x1FF, v2  }
0xd: {  	v0 =	vsel vm1, $0xFFFFFFFF, v63;
	v2 =	vsel vm1, $0xFFFFFFFF, v2  }
0xe: {  	v3 =	vshll.u32 v0, $0x9;
	v4 =	vshll.u32 v2, $0x3  }
0xf: {  	v0 =	vshll.u32 v0, $0x7;
	v3 =	vand.u32 $0xFFFFF000, v3;
	v4 =	vand.u32 $0xFFFFFC00, v4  }
0x10: {  	v0 =	vand.u32 $0x380, v0;
	v3 =	vadd.s32 v3, v4  }
0x11: {  	v2 =	vand.u32 $0x7F, v2;
	v0 =	vor.u32 v0, v3  }
0x12: {  	v0 =	vor.u32 v2, v0;
	_ =	sdelay $0x1  }
0x13: {  	(ifvalue) =	ssetifvalue $0x7FFFFFFF;
	s15 =	sadd.s32 $0x10, s15  }
0x14: {  	[tilespmem:s15], [sflag:$0x1] =	stream.indirect_vreg.gather [hbm4b:s2+s10], $0x1, v1, vm0, $0x4038;
	[tilespmem:$0x640] =	vst v63  }
0x15: {  	(ifvalue) =	ssetifvalue $0x7FFFFFFF;
	s15 =	sadd.s32 $0x10, s15  }
0x16: {  	[tilespmem:s15], [sflag:$0x1] =	stream.indirect_vreg.gather [hbm4b:s2+s10], $0x1, v0, vm0, $0x4038;
	[tilespmem:$0x640] =	vst v63  }
0x17: {  	_ =	swait.ge [sflag:s4], $0x190  }
0x18: {  	s30 =	sshrl.u32 s13, $0x3;
	[sflag:s4] =	ssyncset.done $0x0  }
0x19: {  	s31 =	sand.u32 $0x7, s13;
	s15 =	sadd.s32 s8, s30;
	[sflag:s4] =	ssyncadd.s32 $0xFFFFFE70  }
0x1a: {  	[hbm4b:s15+s31] =	stream.linear.scatter [tilespmem:s14], [sflag:$0x3], $0x190, $0x38;
	[tilespmem:$0x640] =	vst v63  }
.LBB2_5:
0x1b: {  	s15 =	sadd.s32 $0x1900, s11  }
0x1c: {  	p1 =	sgt.s32 s15, $0x270F  }
0x1d: {  	s15 =	smov.u32 @p1 s5;
	p1 =	sne.s32 s12, s9  }
.Ltmp1:
0x1e: {  	p0 =	slt.u32 s12, $0x2;
	(pc) =	sbr.rel @!p1 .LBB2_6-.Ltmp1, $4  }
0x1f: {  	s14 =	simm.s32 @!p0 $0x3  }
0x20: {  	_ =	swait.ge @!p0 [sflag:s14], $0x190  }
0x21: {  	s16 =	sadd.s32 $0x1, s12;
	s13 =	smov.u32 s11;
	[sflag:s14] =	ssyncset.done @!p0 $0x0  }
0x22: {  	s12 =	smov.u32 s16;
	s11 =	smov.u32 s15;
	[sflag:s14] =	ssyncadd.s32 @!p0 $0xFFFFFE70  }
.LBB2_1:
0x23: {  	p0 =	sge.u32 s12, s7  }
0x24: {  	s14 =	sxor.u32 @!p0 $0x1, s12  }
0x25: {  	s14 =	smul.u32 @!p0 $0x640, s14  }
0x26: {  	s31 =	sadd.s32 $0xFFFFFFFF, s12;
	s15 =	sshrl.u32 @!p0 s11, $0x3  }
0x27: {  	s16 =	sand.u32 @!p0 $0x7, s11;
	s15 =	sadd.s32 @!p0 s3, s15;
	s14 =	sshra.s32 @!p0 s14, $0x2  }
0x28: {  	[tilespmem:s14], [sflag:$0x2] =	stream.linear.gather @!p0 [hbm4b:s15+s16], $0x190, $0x38;
	[tilespmem:$0x640] =	vst v63  }
0x29: {  	p0 =	sge.u32 s31, s7  }
.Ltmp2:
0x2a: {  	_ = 	snop;
	(pc) =	sbr.rel @p0 .LBB2_5-.Ltmp2, $1  }
0x2b: {  	_ =	sdelay $0x3  }
0x2c: {  	s14 =	sand.u32 $0x1, s12  }
0x2d: {  	_ =	swait.ge [sflag:s6], $0x190;
	p0 =	seq.s32 s14, $0x1;
	s14 =	simm.s32 $0x190  }
0x2e: {  	[sflag:s6] =	ssyncset.done $0x0;
	s14 =	simm.s32 @!p0 $0x0  }
0x2f: {  	[sflag:s6] =	ssyncadd.s32 $0xFFFFFE70;
	(ifvalue) =	ssetifvalue $0x7FFFFFFF;
	v0 =	vld.msk [tilespmem:s14+$0x0 ss:$0x1], $0xffff;
	_ =	sdelay $0x3  }
0x30: {  	s15 =	sadd.s32 $0x10, s14  }
0x31: {  	v2 =	vld.msk [tilespmem:s15+$0x0 ss:$0x1], $0xffff;
	v1 =	vshrl.u32 v0, $0x5  }
0x32: {  	vm1 =	veq.s32 v0, $0x80000000;
	v0 =	vand.u32 $0x1F, v0;
	v1 =	vand.u32 $0x1FF, v1  }
0x33: {  	v0 =	vsel vm1, $0xFFFFFFFF, v0;
	v1 =	vsel vm1, $0xFFFFFFFF, v1  }
0x34: {  	v3 =	vshll.u32 v0, $0x9;
	v4 =	vshll.u32 v1, $0x3  }
0x35: {  	v0 =	vshll.u32 v0, $0x7;
	v3 =	vand.u32 $0xFFFFF000, v3;
	v4 =	vand.u32 $0xFFFFFC00, v4  }
0x36: {  	vm1 =	veq.s32 v2, $0x80000000;
	v0 =	vand.u32 $0x380, v0;
	v3 =	vadd.s32 v3, v4  }
0x37: {  	v1 =	vand.u32 $0x7F, v1;
	v0 =	vor.u32 v0, v3;
	v3 =	vshrl.u32 v2, $0x5  }
0x38: {  	s15 =	sadd.s32 $0x10, s15;
	v2 =	vand.u32 $0x1F, v2;
	v1 =	vor.u32 v1, v0;
	v3 =	vand.u32 $0x1FF, v3  }
0x39: {  	v0 =	vld.msk [tilespmem:s15+$0x0 ss:$0x1], $0xffff;
	v2 =	vsel vm1, $0xFFFFFFFF, v2;
	v3 =	vsel vm1, $0xFFFFFFFF, v3  }
0x3a: {  	v63 =	vshll.u32 v2, $0x9;
	v5 =	vshll.u32 v3, $0x3  }
0x3b: {  	v2 =	vshll.u32 v2, $0x7;
	v4 =	vand.u32 $0xFFFFF000, v63;
	v5 =	vand.u32 $0xFFFFFC00, v5  }
0x3c: {  	s14 =	sadd.s32 $0x320, s14;
	(ifvalue) =	ssetifvalue $0x7FFFFFFF;
	v2 =	vand.u32 $0x380, v2;
	v4 =	vadd.s32 v4, v5  }
0x3d: {  	[tilespmem:s14], [sflag:$0x1] =	stream.indirect_vreg.gather [hbm4b:s2+s10], $0x1, v1, vm0, $0x4038;
	v1 =	vand.u32 $0x7F, v3;
	v3 =	vor.u32 v2, v4;
	[tilespmem:$0x640] =	vst v63  }
0x3e: {  	s16 =	simm.s32 $0x20;
	s17 =	sadd.s32 $0x10, s15;
	s15 =	smov.u32 s14;
	v2 =	vshrl.u32 v0, $0x5;
	v1 =	vor.u32 v1, v3  }
.LBB2_3:
0x3f: {  	s16 =	sadd.s32 $0x10, s16;
	vm1 =	veq.s32 v0, $0x80000000;
	v3 =	vand.u32 $0x1F, v0;
	v0 =	vld.msk [tilespmem:s17+$0x0 ss:$0x1], $0xffff;
	v2 =	vand.u32 $0x1FF, v2  }
0x40: {  	p0 =	slt.u32 s16, $0x180;
	v3 =	vsel vm1, $0xFFFFFFFF, v3;
	v2 =	vsel vm1, $0xFFFFFFFF, v2  }
.Ltmp3:
0x41: {  	v4 =	vshll.u32 v3, $0x9;
	v5 =	vshll.u32 v2, $0x3;
	(pc) =	sbr.rel @p0 .LBB2_3-.Ltmp3, $4  }
0x42: {  	s15 =	sadd.s32 $0x10, s15;
	v3 =	vshll.u32 v3, $0x7;
	v4 =	vand.u32 $0xFFFFF000, v4;
	v5 =	vand.u32 $0xFFFFFC00, v5;
	(ifvalue) =	ssetifvalue $0x7FFFFFFF  }
0x43: {  	v3 =	vand.u32 $0x380, v3;
	v4 =	vadd.s32 v4, v5;
	[tilespmem:s15], [sflag:$0x1] =	stream.indirect_vreg.gather [hbm4b:s2+s10], $0x1, v1, vm0, $0x4038;
	[tilespmem:$0x640] =	vst v63  }
0x44: {  	v1 =	vand.u32 $0x7F, v2;
	v3 =	vor.u32 v3, v4  }
0x45: {  	s17 =	sadd.s32 $0x10, s17;
	v2 =	vshrl.u32 v0, $0x5;
	v1 =	vor.u32 v1, v3  }
.Ltmp4:
0x46: {  	_ = 	snop;
	(pc) =	sbr.rel .LBB2_4-.Ltmp4, $1  }
0x47: {  	_ =	sdelay $0x3  }
.LBB2_6:
0x48: {  	_ =	sfence.sel $0x180000  }
0x49: {  	s2 =	simm.s32 $0x2;
	[bflag:$0x0] =	sbarrier.arrive $0xFFFF  }
0x4a: {  	s30 =	simm.s32 $0x3;
	[sflag:s2] =	ssyncpa.u1 $0x1  }
0x4b: {  	s31 =	simm.s32 $0x1;
	[sflag:s30] =	ssyncpa.u1 $0x1  }
0x4c: {  	[sflag:s31] =	ssyncpa.u1 $0x1  }
0x4d: {  	p0 =	sne.s32 s1, $0x0;
	_ =	strace $0x90000047  }
0x4e: {  	s0 =	sadd.s32 @!p0 $0x100000, s0;
	[bflag:$0x2] =	sbarrier.arrive $0xFFFF  }
0x4f: {  	[sflag:s0] =	ssyncadd.tile.s32 @!p0 $0x1;
	_ =	shalt  }
.Lfunc_end2:
_tile_overlayer_lowered:
.L_overlay_start_2:
0x50: {  	(tag) =	ssettag $0x2  }
0x51: {  	s0 =	rddreg [dreg:$0x0];
	s2 =	stileid.u32  }
0x52: {  	s1 =	rddreg [dreg:$0x1];
	p0 =	sne.s32 s2, $0x0  }
0x53: {  	s3 =	rddreg [dreg:$0x2];
	[bflag:$0x3] =	sbarrier.arrive $0xFFFF;
	s2 =	simm.s32 @!p0 $0x1C01  }
0x54: {  	[timem:s3], [sflag:s2] =	dma.local @!p0 [hbm:s0], s1  }
0x55: {  	s0 =	simm.s32 @!p0 $0x1  }
0x56: {  	_ =	swait.ge @!p0 [sflag:s0], s1  }
0x57: {  	s1 =	ssub.s32 @!p0 $0x0, s1;
	[sflag:s0] =	ssyncset.done @!p0 $0x0  }
0x58: {  	[sflag:s0] =	ssyncadd.s32 @!p0 s1  }
0x59: {  	[bflag:$0x3] =	sbarrier.arrive $0xFFFF  }
0x5a: {  	_ =	shalt  }

// kernel: gather_offload_async_start
scs
__scs_entry_jumppad:
0x0: {  	(pc) =	sbr.rel $0x88, $3  }
0x1: {  	(tag) =	ssettag $0x0;
	lr =	simm.s32 $0x1  }
0x2: {  	[smem:$0x3F96] =	sst lr;
	_ =	strace $0xD0000000  }
0x3: {  	_ = 	snop  }
0x4: {  	_ = 	snop  }
0x5: {  	_ = 	snop  }
0x6: {  	_ = 	snop  }
0x7: {  	_ = 	snop  }
__scs_overlays_trampoline_lowered:
0x8: {  	[smem:$0x3FA5] =	sst s0  }
0x9: {  	[smem:$0x3FA6] =	sst s1  }
0xa: {  	[smem:$0x3FA7] =	sst s2  }
0xb: {  	[smem:$0x3FA8] =	sst s3  }
0xc: {  	[smem:$0x3FA9] =	sst s4  }
0xd: {  	[smem:$0x3FAA] =	sst s5  }
0xe: {  	[smem:$0x3FAB] =	sst s6  }
0xf: {  	[smem:$0x3FAC] =	sst s7  }
0x10: {  	[smem:$0x3FAD] =	sst s8  }
0x11: {  	[smem:$0x3FAE] =	sst s9;
	s0 =	simm.s32 @!p0 $0x0  }
0x12: {  	s1 =	sld [smem:$0x3F94];
	s0 =	simm.s32 @p0 $0x1  }
0x13: {  	[smem:$0x3FAF] =	sst s0;
	s0 =	simm.s32 @!p1 $0x0  }
0x14: {  	s2 =	sld [smem:$0x3F93];
	s0 =	simm.s32 @p1 $0x1  }
0x15: {  	[smem:$0x3FB0] =	sst s0;
	s0 =	simm.s32 @!p2 $0x0  }
0x16: {  	s3 =	sld [smem:$0x3FDB];
	s0 =	simm.s32 @p2 $0x1  }
0x17: {  	s4 =	simm.s32 $0x1BF5;
	[smem:$0x3FB2] =	sst s0  }
0x18: {  	s0 =	sld [smem:$0x3F95];
	_ =	swait.ge [sflag:s4], $0x0  }
0x19: {  	s7 =	sld [smem:$0x3F96]  }
0x1a: {  	s8 =	sadd.s32 $0xFFFFE003, lr  }
0x1b: {  	s9 =	sadd.s32 $0xFFFFFEF7, lr;
	s5 =	simm.s32 $0xFFFFFFFF;
	p2 =	slt.u32 s8, $0xFFFFF086  }
0x1c: {  	p1 =	slt.u32 s9, $0xF7A;
	s5 =	simm.s32 @!p2 $0x0  }
0x1d: {  	s5 =	simm.s32 @p1 $0x1;
	p0 =	seq.s32 s7, s2  }
0x1e: {  	s7 =	smul.u32 @!p0 $0xF7A, s2;
	p2 =	seq.s32 @!p0 s5, $0x0  }
0x1f: {  	s9 =	smul.u32 $0xF7A, s1;
	s8 =	simm.s32 @!p0 $0x1BF5;
	p2 =	por !p2, p0  }
0x20: {  	[sflag:s8] =	ssyncset.s32 @!p0 $0xFFFFF086;
	s6 =	sadd.s32 @!p0 s3, s7;
	s7 =	simm.s32 @!p0 $0x108  }
0x21: {  	s3 =	sadd.s32 s3, s9;
	s6 =	sadd.s32 @!p0 $0x88, s6;
	s7 =	simm.s32 @p2 $0x1082  }
0x22: {  	[simem:s7], [sflag:s8] =	dma.local @!p0 [hbm:s6], $0xF7A  }
0x23: {  	s9 =	sor.u32 $0xD0000000, s2;
	s6 =	simm.s32 $0x108;
	_ =	swait.ge @!p0 [sflag:s8], $0x0  }
0x24: {  	s3 =	sadd.s32 $0x88, s3;
	s6 =	simm.s32 @!p1 $0x1082;
	[sflag:s4] =	ssyncset.s32 $0xFFFFF086  }
0x25: {  	[simem:s6], [sflag:s4] =	dma.local [hbm:s3], $0xF7A  }
0x26: {  	[smem:$0x3F96] =	sst s1;
	(tag) =	ssettag s2;
	_ =	strace s9  }
0x27: {  	s1 =	sld [smem:$0x3FA6]  }
0x28: {  	s2 =	sld [smem:$0x3FA7]  }
0x29: {  	s4 =	sld [smem:$0x3FA9]  }
0x2a: {  	p0 =	seq.s32 s5, $0x0;
	s5 =	sld [smem:$0x3FAA]  }
0x2b: {  	s6 =	sld [smem:$0x3FAB]  }
0x2c: {  	s7 =	sld [smem:$0x3FAC]  }
0x2d: {  	s3 =	simm.s32 $0x108;
	s8 =	sld [smem:$0x3FAD]  }
0x2e: {  	s3 =	simm.s32 @!p0 $0x1082;
	s9 =	sld [smem:$0x3FAE]  }
0x2f: {  	lr =	sadd.s32 s0, s3;
	s0 =	sld [smem:$0x3FA5]  }
0x30: {  	s3 =	sld [smem:$0x3FA8]  }
0x31: {  	[smem:$0x3FB1] =	sst s10  }
0x32: {  	s10 =	sld [smem:$0x3FAF];
	_ =	sdelay $0x3  }
0x33: {  	p0 =	seq.s32 s10, $0x1;
	s10 =	sld [smem:$0x3FB1];
	_ =	sdelay $0x3  }
0x34: {  	[smem:$0x3FB1] =	sst s10  }
0x35: {  	s10 =	sld [smem:$0x3FB0];
	_ =	sdelay $0x3  }
0x36: {  	p1 =	seq.s32 s10, $0x1;
	s10 =	sld [smem:$0x3FB1];
	_ =	sdelay $0x3  }
0x37: {  	[smem:$0x3FB1] =	sst s10  }
0x38: {  	s10 =	sld [smem:$0x3FB2]  }
0x39: {  	_ = 	snop;
	(pc) =	sbr.ind lr, $3  }
0x3a: {  	_ = 	snop  }
0x3b: {  	_ = 	snop  }
0x3c: {  	p2 =	seq.s32 s10, $0x1;
	s10 =	sld [smem:$0x3FB1]  }
0x3d: {  	_ =	shalt  }
0x3e: {  	_ =	shalt  }
0x3f: {  	_ =	shalt  }
0x40: {  	_ =	shalt  }
0x41: {  	_ =	shalt  }
0x42: {  	_ =	shalt  }
0x43: {  	_ =	shalt  }
0x44: {  	_ =	shalt  }
0x45: {  	_ =	shalt  }
0x46: {  	_ =	shalt  }
0x47: {  	_ =	shalt  }
0x48: {  	_ =	shalt  }
0x49: {  	_ =	shalt  }
0x4a: {  	_ =	shalt  }
0x4b: {  	_ =	shalt  }
0x4c: {  	_ =	shalt  }
0x4d: {  	_ =	shalt  }
0x4e: {  	_ =	shalt  }
0x4f: {  	_ =	shalt  }
0x50: {  	_ =	shalt  }
0x51: {  	_ =	shalt  }
0x52: {  	_ =	shalt  }
0x53: {  	_ =	shalt  }
0x54: {  	_ =	shalt  }
0x55: {  	_ =	shalt  }
0x56: {  	_ =	shalt  }
0x57: {  	_ =	shalt  }
0x58: {  	_ =	shalt  }
0x59: {  	_ =	shalt  }
0x5a: {  	_ =	shalt  }
0x5b: {  	_ =	shalt  }
0x5c: {  	_ =	shalt  }
0x5d: {  	_ =	shalt  }
0x5e: {  	_ =	shalt  }
0x5f: {  	_ =	shalt  }
0x60: {  	_ =	shalt  }
0x61: {  	_ =	shalt  }
0x62: {  	_ =	shalt  }
0x63: {  	_ =	shalt  }
0x64: {  	_ =	shalt  }
0x65: {  	_ =	shalt  }
0x66: {  	_ =	shalt  }
0x67: {  	_ =	shalt  }
0x68: {  	_ =	shalt  }
0x69: {  	_ =	shalt  }
0x6a: {  	_ =	shalt  }
0x6b: {  	_ =	shalt  }
0x6c: {  	_ =	shalt  }
0x6d: {  	_ =	shalt  }
0x6e: {  	_ =	shalt  }
0x6f: {  	_ =	shalt  }
0x70: {  	_ =	shalt  }
0x71: {  	_ =	shalt  }
0x72: {  	_ =	shalt  }
0x73: {  	_ =	shalt  }
0x74: {  	_ =	shalt  }
0x75: {  	_ =	shalt  }
0x76: {  	_ =	shalt  }
0x77: {  	_ =	shalt  }
0x78: {  	_ =	shalt  }
0x79: {  	_ =	shalt  }
0x7a: {  	_ =	shalt  }
0x7b: {  	_ =	shalt  }
0x7c: {  	_ =	shalt  }
0x7d: {  	_ =	shalt  }
0x7e: {  	_ =	shalt  }
0x7f: {  	_ =	shalt  }
0x80: {  	_ =	shalt  }
0x81: {  	_ =	shalt  }
0x82: {  	_ =	shalt  }
0x83: {  	_ =	shalt  }
0x84: {  	_ =	shalt  }
0x85: {  	_ =	shalt  }
0x86: {  	_ =	shalt  }
0x87: {  	_ =	shalt  }
.Lfunc_end0:
.L_simem_size_0:
called_computation_lowered:
.L_overlay_start_0:
0x88: {  	s0 =	sld [smem:$0x3FD9]  }
0x89: {  	s1 =	sld [smem:$0x3FFE];
	_ =	sdelay $0x3  }
0x8a: {  	s0 =	sadd.s32 s1, s0  }
0x8b: {  	[smem:$0x3FBD] =	sst s0  }
0x8c: {  	_ = 	snop  }
0x8d: {  	s0 =	sld [smem:$0x3FD0];
	(tm) =	ssettm $0x1  }
0x8e: {  	s16 =	sld [smem:$0x3FFB];
	_ =	sdelay $0x3  }
0x8f: {  	_ =	strace s16  }
0x90: {  	s1 =	sld [smem:$0x3FFC];
	_ =	sdelay $0x3  }
0x91: {  	_ =	strace s1  }
0x92: {  	s1 =	sld [smem:$0x3FFD];
	_ =	sdelay $0x3  }
0x93: {  	_ =	strace s1  }
0x94: {  	_ =	strace $0x8FFFFFFF  }
0x95: {  	s17 =	sld [smem:$0x3FDB];
	_ =	sdelay $0x1  }
0x96: {  	s2 =	simm.s32 $_scs_section_size  }
0x97: {  	s3 =	simm.s32 $_size__tile_overlayer_lowered;
	s4 =	simm.s32 $_tile_overlayer_lowered  }
0x98: {  	s20 =	simm.s32 $0x1BFF;
	s19 =	sshll.u32 s4, $0x1;
	s1 =	sadd.s32 s2, s17  }
0x99: {  	s5 =	simm.s32 $0x0;
	s18 =	sshll.u32 s3, $0x1;
	s3 =	sadd.s32 s19, s1  }
0x9a: {  	[timem:s5], [sflag:s20] =	dma.local [hbm:s3], s18  }
0x9b: {  	_ =	swait.ge [sflag:s20], s18  }
0x9c: {  	s2 =	ssub.s32 $0x0, s18;
	[sflag:s20] =	ssyncset.done $0x0  }
0x9d: {  	[sflag:s20] =	ssyncadd.s32 s2;
	_ =	sdelay $0x1  }
0x9e: {  	s21 =	simm.s32 $0x1B8B  }
0x9f: {  	_ =	swait.ge [sflag:s21], $0x1  }
0xa0: {  	[sflag:s21] =	ssyncset.done $0x0  }
0xa1: {  	s23 =	simm.s32 $0x1B8E;
	s22 =	sld [smem:$0x3FFE];
	[sflag:s21] =	ssyncadd.s32 $0xFFFFFFFF  }
0xa2: {  	s24 =	simm.s32 $execute0_lowered;
	[smem:$0x3FD2] =	sst s23  }
0xa3: {  	s3 =	sshll.u32 s24, $0x1;
	_ =	strace $0x80000049;
	[dreg:$0x1] =	wrdreg $0xFFFFFFFF  }
0xa4: {  	s25 =	simm.s32 $_size_execute0_lowered;
	s1 =	sadd.s32 s1, s3;
	[dreg:$0x0] =	wrdreg $0x0  }
0xa5: {  	s3 =	sshll.u32 s25, $0x1;
	[dreg:$0x2] =	wrdreg s1  }
0xa6: {  	[dreg:$0x3] =	wrdreg s3  }
0xa7: {  	[dreg:$0x4] =	wrdreg $0xC0  }
0xa8: {  	_ =	task [dreg:s5], $0x5FFFF  }
0xa9: {  	[dreg:$0x1] =	wrdreg $0xFFFFFFFF  }
0xaa: {  	[dreg:$0x0] =	wrdreg $0x60  }
0xab: {  	[dreg:$0x2] =	wrdreg s22  }
0xac: {  	[dreg:$0x3] =	wrdreg s0  }
0xad: {  	[dreg:$0x4] =	wrdreg $0x9  }
0xae: {  	_ =	task.clear_ibuf [dreg:s5], $0x5FFFF;
	_ =	strace $0x90000049  }
0xaf: {  	s26 =	simm.s32 $0x9;
	_ =	strace $0x8000004B  }
0xb0: {  	_ =	swait.ge [sflag:s26], $0x1  }
0xb1: {  	[sflag:s26] =	ssyncadd.s32 $0xFFFFFFFF  }
0xb2: {  	_ =	strace $0x9000004B  }
0xb3: {  	_ =	sfence  }
0xb4: {  	s28 =	sld [smem:$0x0];
	_ =	sdelay $0x1  }
0xb5: {  	s29 =	srdreg.scid  }
0xb6: {  	s30 =	sshll.u32 s29, $0xD;
	s31 =	sshrl.u32 s29, $0x2  }
0xb7: {  	s2 =	sand.u32 $0x4000, s30;
	s1 =	sand.u32 $0x1, s29;
	s0 =	sadd.s32 s31, s28  }
0xb8: {  	s1 =	sor.u32 s2, s1;
	s0 =	sshll.u32 s0, $0x11  }
0xb9: {  	s0 =	sor.u32 s0, s1  }
0xba: {  	s0 =	sadd.s32 $0x8F2B, s0  }
0xbb: {  	[sflag:s0] =	ssyncadd.remote.s32 $0x1  }
0xbc: {  	_ =	sfence.sel $0xFFFF  }
0xbd: {  	[dreg:$0x0] =	wrdreg $0xFFFFFFFF;
	(pc) =	sbr.abs _section_cstart, $3  }
0xbe: {  	[dreg:$0x1] =	wrdreg $0xFFFFFFFF  }
0xbf: {  	_ =	task.clear_ibuf [dreg:s5], $0x2FFFF;
	_ =	strace $0x9FFFFFFF  }
0xc0: {  	(tm) =	ssettm $0x7FFFFFFF  }
0xc1: {  	_ =	shalt  }
tec
execute0_lowered:
.L_overlay_start_1:
0x0: {  	(tag) =	ssettag $0x1  }
0x1: {  	s2 =	rddreg [dreg:$0x0]  }
0x2: {  	s3 =	rddreg [dreg:$0x1]  }
0x3: {  	s0 =	rddreg [dreg:$0x2];
	_ =	strace $0x8000004A;
	s4 =	simm.s32 $0x1  }
0x4: {  	s1 =	stileid.u32;
	s7 =	simm.s32 $0x1;
	s8 =	simm.s32 $0x1  }
0x5: {  	s6 =	simm.s32 $0x2;
	s9 =	simm.s32 $0x3;
	s10 =	simm.s32 $0x0  }
.Ltmp0:
0x6: {  	s13 =	simm.s32 $0x0;
	p0 =	slt.u32 s1, $0xA;
	(pc) =	sbr.rel .LBB2_1-.Ltmp0, $4  }
0x7: {  	[sflag:s4] =	ssyncpa.u1 $0x0;
	s7 =	simm.s32 @!p0 $0x0;
	p0 =	sne.s32 s1, $0x9  }
0x8: {  	s5 =	smul.u32 $0x190, s1;
	[sflag:s6] =	ssyncpa.u1 $0x0;
	s8 =	simm.s32 @!p0 $0x0  }
0x9: {  	s12 =	simm.s32 $0x0;
	[sflag:s9] =	ssyncpa.u1 $0x0;
	s7 =	sadd.s32 s8, s7  }
0xa: {  	vm0 =	vmmov $0xffff;
	s11 =	smov.u32 s5;
	s8 =	sadd.s32 $0x800, s2;
	s9 =	sadd.s32 $0x1, s7  }
.LBB2_4:
0xb: {  	vm1 =	veq.s32 v0, $0x80000000;
	v63 =	vand.u32 $0x1F, v0;
	v2 =	vand.u32 $0x1FF, v2  }
0xc: {  	v0 =	vsel vm1, $0xFFFFFFFF, v63;
	v2 =	vsel vm1, $0xFFFFFFFF, v2  }
0xd: {  	v3 =	vshll.u32 v0, $0x9;
	v4 =	vshll.u32 v2, $0x3  }
0xe: {  	v0 =	vshll.u32 v0, $0x7;
	v3 =	vand.u32 $0xFFFFF000, v3;
	v4 =	vand.u32 $0xFFFFFC00, v4  }
0xf: {  	v0 =	vand.u32 $0x380, v0;
	v3 =	vadd.s32 v3, v4  }
0x10: {  	v2 =	vand.u32 $0x7F, v2;
	v0 =	vor.u32 v0, v3  }
0x11: {  	v0 =	vor.u32 v2, v0;
	_ =	sdelay $0x1  }
0x12: {  	(ifvalue) =	ssetifvalue $0x7FFFFFFF;
	s15 =	sadd.s32 $0x10, s15  }
0x13: {  	[tilespmem:s15], [sflag:$0x1] =	stream.indirect_vreg.gather [hbm4b:s2+s10], $0x1, v1, vm0, $0x4038;
	[tilespmem:$0x640] =	vst v63  }
0x14: {  	(ifvalue) =	ssetifvalue $0x7FFFFFFF;
	s15 =	sadd.s32 $0x10, s15  }
0x15: {  	[tilespmem:s15], [sflag:$0x1] =	stream.indirect_vreg.gather [hbm4b:s2+s10], $0x1, v0, vm0, $0x4038;
	[tilespmem:$0x640] =	vst v63  }
0x16: {  	_ =	swait.ge [sflag:s4], $0x190  }
0x17: {  	s30 =	sshrl.u32 s13, $0x3;
	[sflag:s4] =	ssyncset.done $0x0  }
0x18: {  	s31 =	sand.u32 $0x7, s13;
	s15 =	sadd.s32 s3, s30;
	[sflag:s4] =	ssyncadd.s32 $0xFFFFFE70  }
0x19: {  	[hbm4b:s15+s31] =	stream.linear.scatter [tilespmem:s14], [sflag:$0x3], $0x190, $0x38;
	[tilespmem:$0x640] =	vst v63  }
.LBB2_5:
0x1a: {  	s15 =	sadd.s32 $0x1900, s11  }
0x1b: {  	p1 =	sgt.s32 s15, $0x270F  }
0x1c: {  	s15 =	smov.u32 @p1 s5;
	p1 =	sne.s32 s12, s9  }
.Ltmp1:
0x1d: {  	p0 =	slt.u32 s12, $0x2;
	(pc) =	sbr.rel @!p1 .LBB2_6-.Ltmp1, $4  }
0x1e: {  	s14 =	simm.s32 @!p0 $0x3  }
0x1f: {  	_ =	swait.ge @!p0 [sflag:s14], $0x190  }
0x20: {  	s16 =	sadd.s32 $0x1, s12;
	s13 =	smov.u32 s11;
	[sflag:s14] =	ssyncset.done @!p0 $0x0  }
0x21: {  	s12 =	smov.u32 s16;
	s11 =	smov.u32 s15;
	[sflag:s14] =	ssyncadd.s32 @!p0 $0xFFFFFE70  }
.LBB2_1:
0x22: {  	p0 =	sge.u32 s12, s7  }
0x23: {  	s14 =	sxor.u32 @!p0 $0x1, s12  }
0x24: {  	s14 =	smul.u32 @!p0 $0x640, s14  }
0x25: {  	s31 =	sadd.s32 $0xFFFFFFFF, s12;
	s15 =	sshrl.u32 @!p0 s11, $0x3  }
0x26: {  	s16 =	sand.u32 @!p0 $0x7, s11;
	s15 =	sadd.s32 @!p0 s8, s15;
	s14 =	sshra.s32 @!p0 s14, $0x2  }
0x27: {  	[tilespmem:s14], [sflag:$0x2] =	stream.linear.gather @!p0 [hbm4b:s15+s16], $0x190, $0x38;
	[tilespmem:$0x640] =	vst v63  }
0x28: {  	p0 =	sge.u32 s31, s7  }
.Ltmp2:
0x29: {  	_ = 	snop;
	(pc) =	sbr.rel @p0 .LBB2_5-.Ltmp2, $1  }
0x2a: {  	_ =	sdelay $0x3  }
0x2b: {  	s14 =	sand.u32 $0x1, s12  }
0x2c: {  	_ =	swait.ge [sflag:s6], $0x190;
	p0 =	seq.s32 s14, $0x1;
	s14 =	simm.s32 $0x190  }
0x2d: {  	[sflag:s6] =	ssyncset.done $0x0;
	s14 =	simm.s32 @!p0 $0x0  }
0x2e: {  	[sflag:s6] =	ssyncadd.s32 $0xFFFFFE70;
	(ifvalue) =	ssetifvalue $0x7FFFFFFF;
	v0 =	vld.msk [tilespmem:s14+$0x0 ss:$0x1], $0xffff;
	_ =	sdelay $0x3  }
0x2f: {  	s15 =	sadd.s32 $0x10, s14  }
0x30: {  	v2 =	vld.msk [tilespmem:s15+$0x0 ss:$0x1], $0xffff;
	v1 =	vshrl.u32 v0, $0x5  }
0x31: {  	vm1 =	veq.s32 v0, $0x80000000;
	v0 =	vand.u32 $0x1F, v0;
	v1 =	vand.u32 $0x1FF, v1  }
0x32: {  	v0 =	vsel vm1, $0xFFFFFFFF, v0;
	v1 =	vsel vm1, $0xFFFFFFFF, v1  }
0x33: {  	v3 =	vshll.u32 v0, $0x9;
	v4 =	vshll.u32 v1, $0x3  }
0x34: {  	v0 =	vshll.u32 v0, $0x7;
	v3 =	vand.u32 $0xFFFFF000, v3;
	v4 =	vand.u32 $0xFFFFFC00, v4  }
0x35: {  	vm1 =	veq.s32 v2, $0x80000000;
	v0 =	vand.u32 $0x380, v0;
	v3 =	vadd.s32 v3, v4  }
0x36: {  	v1 =	vand.u32 $0x7F, v1;
	v0 =	vor.u32 v0, v3;
	v3 =	vshrl.u32 v2, $0x5  }
0x37: {  	s15 =	sadd.s32 $0x10, s15;
	v2 =	vand.u32 $0x1F, v2;
	v1 =	vor.u32 v1, v0;
	v3 =	vand.u32 $0x1FF, v3  }
0x38: {  	v0 =	vld.msk [tilespmem:s15+$0x0 ss:$0x1], $0xffff;
	v2 =	vsel vm1, $0xFFFFFFFF, v2;
	v3 =	vsel vm1, $0xFFFFFFFF, v3  }
0x39: {  	v63 =	vshll.u32 v2, $0x9;
	v5 =	vshll.u32 v3, $0x3  }
0x3a: {  	v2 =	vshll.u32 v2, $0x7;
	v4 =	vand.u32 $0xFFFFF000, v63;
	v5 =	vand.u32 $0xFFFFFC00, v5  }
0x3b: {  	s14 =	sadd.s32 $0x320, s14;
	(ifvalue) =	ssetifvalue $0x7FFFFFFF;
	v2 =	vand.u32 $0x380, v2;
	v4 =	vadd.s32 v4, v5  }
0x3c: {  	[tilespmem:s14], [sflag:$0x1] =	stream.indirect_vreg.gather [hbm4b:s2+s10], $0x1, v1, vm0, $0x4038;
	v1 =	vand.u32 $0x7F, v3;
	v3 =	vor.u32 v2, v4;
	[tilespmem:$0x640] =	vst v63  }
0x3d: {  	s16 =	simm.s32 $0x20;
	s17 =	sadd.s32 $0x10, s15;
	s15 =	smov.u32 s14;
	v2 =	vshrl.u32 v0, $0x5;
	v1 =	vor.u32 v1, v3  }
.LBB2_3:
0x3e: {  	s16 =	sadd.s32 $0x10, s16;
	vm1 =	veq.s32 v0, $0x80000000;
	v3 =	vand.u32 $0x1F, v0;
	v0 =	vld.msk [tilespmem:s17+$0x0 ss:$0x1], $0xffff;
	v2 =	vand.u32 $0x1FF, v2  }
0x3f: {  	p0 =	slt.u32 s16, $0x180;
	v3 =	vsel vm1, $0xFFFFFFFF, v3;
	v2 =	vsel vm1, $0xFFFFFFFF, v2  }
.Ltmp3:
0x40: {  	v4 =	vshll.u32 v3, $0x9;
	v5 =	vshll.u32 v2, $0x3;
	(pc) =	sbr.rel @p0 .LBB2_3-.Ltmp3, $4  }
0x41: {  	s15 =	sadd.s32 $0x10, s15;
	v3 =	vshll.u32 v3, $0x7;
	v4 =	vand.u32 $0xFFFFF000, v4;
	v5 =	vand.u32 $0xFFFFFC00, v5;
	(ifvalue) =	ssetifvalue $0x7FFFFFFF  }
0x42: {  	v3 =	vand.u32 $0x380, v3;
	v4 =	vadd.s32 v4, v5;
	[tilespmem:s15], [sflag:$0x1] =	stream.indirect_vreg.gather [hbm4b:s2+s10], $0x1, v1, vm0, $0x4038;
	[tilespmem:$0x640] =	vst v63  }
0x43: {  	v1 =	vand.u32 $0x7F, v2;
	v3 =	vor.u32 v3, v4  }
0x44: {  	s17 =	sadd.s32 $0x10, s17;
	v2 =	vshrl.u32 v0, $0x5;
	v1 =	vor.u32 v1, v3  }
.Ltmp4:
0x45: {  	_ = 	snop;
	(pc) =	sbr.rel .LBB2_4-.Ltmp4, $1  }
0x46: {  	_ =	sdelay $0x3  }
.LBB2_6:
0x47: {  	_ =	sfence.sel $0x180000  }
0x48: {  	s2 =	simm.s32 $0x2;
	[bflag:$0x0] =	sbarrier.arrive $0xFFFF  }
0x49: {  	s30 =	simm.s32 $0x3;
	[sflag:s2] =	ssyncpa.u1 $0x1  }
0x4a: {  	s31 =	simm.s32 $0x1;
	[sflag:s30] =	ssyncpa.u1 $0x1  }
0x4b: {  	[sflag:s31] =	ssyncpa.u1 $0x1  }
0x4c: {  	p0 =	sne.s32 s1, $0x0;
	_ =	strace $0x9000004A  }
0x4d: {  	s0 =	sadd.s32 @!p0 $0x100000, s0;
	[bflag:$0x2] =	sbarrier.arrive $0xFFFF  }
0x4e: {  	[sflag:s0] =	ssyncadd.tile.s32 @!p0 $0x1;
	_ =	shalt  }
.Lfunc_end2:
_tile_overlayer_lowered:
.L_overlay_start_2:
0x4f: {  	(tag) =	ssettag $0x2  }
0x50: {  	s0 =	rddreg [dreg:$0x0];
	s2 =	stileid.u32  }
0x51: {  	s1 =	rddreg [dreg:$0x1];
	p0 =	sne.s32 s2, $0x0  }
0x52: {  	s3 =	rddreg [dreg:$0x2];
	[bflag:$0x3] =	sbarrier.arrive $0xFFFF;
	s2 =	simm.s32 @!p0 $0x1C01  }
0x53: {  	[timem:s3], [sflag:s2] =	dma.local @!p0 [hbm:s0], s1  }
0x54: {  	s0 =	simm.s32 @!p0 $0x1  }
0x55: {  	_ =	swait.ge @!p0 [sflag:s0], s1  }
0x56: {  	s1 =	ssub.s32 @!p0 $0x0, s1;
	[sflag:s0] =	ssyncset.done @!p0 $0x0  }
0x57: {  	[sflag:s0] =	ssyncadd.s32 @!p0 s1  }
0x58: {  	[bflag:$0x3] =	sbarrier.arrive $0xFFFF  }
0x59: {  	_ =	shalt  }

// kernel: kernel.4.cloned.1.call-start
scs
__scs_entry_jumppad:
0x0: {  	(pc) =	sbr.rel $0x88, $3  }
0x1: {  	(tag) =	ssettag $0x0;
	lr =	simm.s32 $0x1  }
0x2: {  	[smem:$0x3F96] =	sst lr;
	_ =	strace $0xD0000000  }
0x3: {  	_ = 	snop  }
0x4: {  	_ = 	snop  }
0x5: {  	_ = 	snop  }
0x6: {  	_ = 	snop  }
0x7: {  	_ = 	snop  }
__scs_overlays_trampoline_lowered:
0x8: {  	[smem:$0x3FA5] =	sst s0  }
0x9: {  	[smem:$0x3FA6] =	sst s1  }
0xa: {  	[smem:$0x3FA7] =	sst s2  }
0xb: {  	[smem:$0x3FA8] =	sst s3  }
0xc: {  	[smem:$0x3FA9] =	sst s4  }
0xd: {  	[smem:$0x3FAA] =	sst s5  }
0xe: {  	[smem:$0x3FAB] =	sst s6  }
0xf: {  	[smem:$0x3FAC] =	sst s7  }
0x10: {  	[smem:$0x3FAD] =	sst s8  }
0x11: {  	[smem:$0x3FAE] =	sst s9;
	s0 =	simm.s32 @!p0 $0x0  }
0x12: {  	s1 =	sld [smem:$0x3F94];
	s0 =	simm.s32 @p0 $0x1  }
0x13: {  	[smem:$0x3FAF] =	sst s0;
	s0 =	simm.s32 @!p1 $0x0  }
0x14: {  	s2 =	sld [smem:$0x3F93];
	s0 =	simm.s32 @p1 $0x1  }
0x15: {  	[smem:$0x3FB0] =	sst s0;
	s0 =	simm.s32 @!p2 $0x0  }
0x16: {  	s3 =	sld [smem:$0x3FDB];
	s0 =	simm.s32 @p2 $0x1  }
0x17: {  	s4 =	simm.s32 $0x1BF5;
	[smem:$0x3FB2] =	sst s0  }
0x18: {  	s0 =	sld [smem:$0x3F95];
	_ =	swait.ge [sflag:s4], $0x0  }
0x19: {  	s7 =	sld [smem:$0x3F96]  }
0x1a: {  	s8 =	sadd.s32 $0xFFFFE003, lr  }
0x1b: {  	s9 =	sadd.s32 $0xFFFFFEF7, lr;
	s5 =	simm.s32 $0xFFFFFFFF;
	p2 =	slt.u32 s8, $0xFFFFF086  }
0x1c: {  	p1 =	slt.u32 s9, $0xF7A;
	s5 =	simm.s32 @!p2 $0x0  }
0x1d: {  	s5 =	simm.s32 @p1 $0x1;
	p0 =	seq.s32 s7, s2  }
0x1e: {  	s7 =	smul.u32 @!p0 $0xF7A, s2;
	p2 =	seq.s32 @!p0 s5, $0x0  }
0x1f: {  	s9 =	smul.u32 $0xF7A, s1;
	s8 =	simm.s32 @!p0 $0x1BF5;
	p2 =	por !p2, p0  }
0x20: {  	[sflag:s8] =	ssyncset.s32 @!p0 $0xFFFFF086;
	s6 =	sadd.s32 @!p0 s3, s7;
	s7 =	simm.s32 @!p0 $0x108  }
0x21: {  	s3 =	sadd.s32 s3, s9;
	s6 =	sadd.s32 @!p0 $0x88, s6;
	s7 =	simm.s32 @p2 $0x1082  }
0x22: {  	[simem:s7], [sflag:s8] =	dma.local @!p0 [hbm:s6], $0xF7A  }
0x23: {  	s9 =	sor.u32 $0xD0000000, s2;
	s6 =	simm.s32 $0x108;
	_ =	swait.ge @!p0 [sflag:s8], $0x0  }
0x24: {  	s3 =	sadd.s32 $0x88, s3;
	s6 =	simm.s32 @!p1 $0x1082;
	[sflag:s4] =	ssyncset.s32 $0xFFFFF086  }
0x25: {  	[simem:s6], [sflag:s4] =	dma.local [hbm:s3], $0xF7A  }
0x26: {  	[smem:$0x3F96] =	sst s1;
	(tag) =	ssettag s2;
	_ =	strace s9  }
0x27: {  	s1 =	sld [smem:$0x3FA6]  }
0x28: {  	s2 =	sld [smem:$0x3FA7]  }
0x29: {  	s4 =	sld [smem:$0x3FA9]  }
0x2a: {  	p0 =	seq.s32 s5, $0x0;
	s5 =	sld [smem:$0x3FAA]  }
0x2b: {  	s6 =	sld [smem:$0x3FAB]  }
0x2c: {  	s7 =	sld [smem:$0x3FAC]  }
0x2d: {  	s3 =	simm.s32 $0x108;
	s8 =	sld [smem:$0x3FAD]  }
0x2e: {  	s3 =	simm.s32 @!p0 $0x1082;
	s9 =	sld [smem:$0x3FAE]  }
0x2f: {  	lr =	sadd.s32 s0, s3;
	s0 =	sld [smem:$0x3FA5]  }
0x30: {  	s3 =	sld [smem:$0x3FA8]  }
0x31: {  	[smem:$0x3FB1] =	sst s10  }
0x32: {  	s10 =	sld [smem:$0x3FAF];
	_ =	sdelay $0x3  }
0x33: {  	p0 =	seq.s32 s10, $0x1;
	s10 =	sld [smem:$0x3FB1];
	_ =	sdelay $0x3  }
0x34: {  	[smem:$0x3FB1] =	sst s10  }
0x35: {  	s10 =	sld [smem:$0x3FB0];
	_ =	sdelay $0x3  }
0x36: {  	p1 =	seq.s32 s10, $0x1;
	s10 =	sld [smem:$0x3FB1];
	_ =	sdelay $0x3  }
0x37: {  	[smem:$0x3FB1] =	sst s10  }
0x38: {  	s10 =	sld [smem:$0x3FB2]  }
0x39: {  	_ = 	snop;
	(pc) =	sbr.ind lr, $3  }
0x3a: {  	_ = 	snop  }
0x3b: {  	_ = 	snop  }
0x3c: {  	p2 =	seq.s32 s10, $0x1;
	s10 =	sld [smem:$0x3FB1]  }
0x3d: {  	_ =	shalt  }
0x3e: {  	_ =	shalt  }
0x3f: {  	_ =	shalt  }
0x40: {  	_ =	shalt  }
0x41: {  	_ =	shalt  }
0x42: {  	_ =	shalt  }
0x43: {  	_ =	shalt  }
0x44: {  	_ =	shalt  }
0x45: {  	_ =	shalt  }
0x46: {  	_ =	shalt  }
0x47: {  	_ =	shalt  }
0x48: {  	_ =	shalt  }
0x49: {  	_ =	shalt  }
0x4a: {  	_ =	shalt  }
0x4b: {  	_ =	shalt  }
0x4c: {  	_ =	shalt  }
0x4d: {  	_ =	shalt  }
0x4e: {  	_ =	shalt  }
0x4f: {  	_ =	shalt  }
0x50: {  	_ =	shalt  }
0x51: {  	_ =	shalt  }
0x52: {  	_ =	shalt  }
0x53: {  	_ =	shalt  }
0x54: {  	_ =	shalt  }
0x55: {  	_ =	shalt  }
0x56: {  	_ =	shalt  }
0x57: {  	_ =	shalt  }
0x58: {  	_ =	shalt  }
0x59: {  	_ =	shalt  }
0x5a: {  	_ =	shalt  }
0x5b: {  	_ =	shalt  }
0x5c: {  	_ =	shalt  }
0x5d: {  	_ =	shalt  }
0x5e: {  	_ =	shalt  }
0x5f: {  	_ =	shalt  }
0x60: {  	_ =	shalt  }
0x61: {  	_ =	shalt  }
0x62: {  	_ =	shalt  }
0x63: {  	_ =	shalt  }
0x64: {  	_ =	shalt  }
0x65: {  	_ =	shalt  }
0x66: {  	_ =	shalt  }
0x67: {  	_ =	shalt  }
0x68: {  	_ =	shalt  }
0x69: {  	_ =	shalt  }
0x6a: {  	_ =	shalt  }
0x6b: {  	_ =	shalt  }
0x6c: {  	_ =	shalt  }
0x6d: {  	_ =	shalt  }
0x6e: {  	_ =	shalt  }
0x6f: {  	_ =	shalt  }
0x70: {  	_ =	shalt  }
0x71: {  	_ =	shalt  }
0x72: {  	_ =	shalt  }
0x73: {  	_ =	shalt  }
0x74: {  	_ =	shalt  }
0x75: {  	_ =	shalt  }
0x76: {  	_ =	shalt  }
0x77: {  	_ =	shalt  }
0x78: {  	_ =	shalt  }
0x79: {  	_ =	shalt  }
0x7a: {  	_ =	shalt  }
0x7b: {  	_ =	shalt  }
0x7c: {  	_ =	shalt  }
0x7d: {  	_ =	shalt  }
0x7e: {  	_ =	shalt  }
0x7f: {  	_ =	shalt  }
0x80: {  	_ =	shalt  }
0x81: {  	_ =	shalt  }
0x82: {  	_ =	shalt  }
0x83: {  	_ =	shalt  }
0x84: {  	_ =	shalt  }
0x85: {  	_ =	shalt  }
0x86: {  	_ =	shalt  }
0x87: {  	_ =	shalt  }
.Lfunc_end0:
.L_simem_size_0:
called_computation.2_lowered:
.L_overlay_start_0:
0x88: {  	s2 =	sld [smem:$0x3FD9]  }
0x89: {  	s3 =	sld [smem:$0x3FFE];
	_ =	sdelay $0x1  }
0x8a: {  	s1 =	srdreg.scid  }
0x8b: {  	s0 =	sand.u32 $0x1, s1  }
0x8c: {  	s17 =	sshll.u32 s0, $0xA;
	s2 =	sadd.s32 s3, s2  }
0x8d: {  	s2 =	sadd.s32 s2, s17  }
0x8e: {  	[smem:$0x3FBD] =	sst s2  }
0x8f: {  	_ = 	snop  }
0x90: {  	s2 =	sld [smem:$0x3FC9]  }
0x91: {  	s18 =	sld [smem:$0x3FD0];
	(tm) =	ssettm $0x1  }
0x92: {  	s4 =	sld [smem:$0x3FFB];
	_ =	sdelay $0x3  }
0x93: {  	_ =	strace s4  }
0x94: {  	s4 =	sld [smem:$0x3FFC];
	_ =	sdelay $0x3  }
0x95: {  	_ =	strace s4  }
0x96: {  	s4 =	sld [smem:$0x3FFD];
	_ =	sdelay $0x3  }
0x97: {  	_ =	strace s4  }
0x98: {  	_ =	strace $0x8FFFFFFF  }
0x99: {  	s19 =	sld [smem:$0x3FDB];
	_ =	sdelay $0x1  }
0x9a: {  	s5 =	simm.s32 $_scs_section_size  }
0x9b: {  	s6 =	simm.s32 $_size__tile_overlayer_lowered;
	s7 =	simm.s32 $_tile_overlayer_lowered  }
0x9c: {  	s22 =	simm.s32 $0x1BFF;
	s21 =	sshll.u32 s7, $0x1;
	s4 =	sadd.s32 s5, s19  }
0x9d: {  	s8 =	simm.s32 $0x0;
	s20 =	sshll.u32 s6, $0x1;
	s6 =	sadd.s32 s21, s4  }
0x9e: {  	[timem:s8], [sflag:s22] =	dma.local [hbm:s6], s20  }
0x9f: {  	_ =	swait.ge [sflag:s22], s20  }
0xa0: {  	s5 =	ssub.s32 $0x0, s20;
	[sflag:s22] =	ssyncset.done $0x0  }
0xa1: {  	[sflag:s22] =	ssyncadd.s32 s5;
	_ =	sdelay $0x1  }
0xa2: {  	s23 =	simm.s32 $0x1B8B  }
0xa3: {  	_ =	swait.ge [sflag:s23], $0x1  }
0xa4: {  	[sflag:s23] =	ssyncset.done $0x0  }
0xa5: {  	s25 =	simm.s32 $0x1B8E;
	s24 =	sld [smem:$0x3FFE];
	[sflag:s23] =	ssyncadd.s32 $0xFFFFFFFF  }
0xa6: {  	s26 =	simm.s32 $execute0_lowered;
	[smem:$0x3FD2] =	sst s25  }
0xa7: {  	s6 =	sshll.u32 s26, $0x1;
	_ =	strace $0x8000004C;
	[dreg:$0x1] =	wrdreg $0xFFFFFFFF  }
0xa8: {  	s28 =	simm.s32 $_size_execute0_lowered;
	s4 =	sadd.s32 s4, s6;
	[dreg:$0x0] =	wrdreg $0x0  }
0xa9: {  	s6 =	sshll.u32 s28, $0x1;
	[dreg:$0x2] =	wrdreg s4  }
0xaa: {  	[dreg:$0x3] =	wrdreg s6  }
0xab: {  	[dreg:$0x4] =	wrdreg $0xC0  }
0xac: {  	_ =	task [dreg:s8], $0x5FFFF  }
0xad: {  	[dreg:$0x1] =	wrdreg $0xFFFFFFFF  }
0xae: {  	[dreg:$0x0] =	wrdreg $0x60  }
0xaf: {  	[dreg:$0x2] =	wrdreg s2  }
0xb0: {  	[dreg:$0x3] =	wrdreg s24  }
0xb1: {  	[dreg:$0x4] =	wrdreg s18  }
0xb2: {  	[dreg:$0x5] =	wrdreg $0x9  }
0xb3: {  	_ =	task.clear_ibuf [dreg:s8], $0x6FFFF;
	_ =	strace $0x9000004C  }
0xb4: {  	s29 =	simm.s32 $0x9;
	_ =	strace $0x8000004E  }
0xb5: {  	_ =	swait.ge [sflag:s29], $0x1  }
0xb6: {  	[sflag:s29] =	ssyncadd.s32 $0xFFFFFFFF  }
0xb7: {  	_ =	strace $0x9000004E  }
0xb8: {  	_ =	sfence  }
0xb9: {  	s30 =	sld [smem:$0x0];
	_ =	sdelay $0x2  }
0xba: {  	s31 =	sshll.u32 s1, $0xD;
	s1 =	sshrl.u32 s1, $0x2  }
0xbb: {  	s3 =	sand.u32 $0x4000, s31;
	s1 =	sadd.s32 s1, s30  }
0xbc: {  	s0 =	sor.u32 s3, s0;
	s1 =	sshll.u32 s1, $0x11  }
0xbd: {  	s0 =	sor.u32 s1, s0  }
0xbe: {  	s0 =	sadd.s32 $0x8F2B, s0  }
0xbf: {  	[sflag:s0] =	ssyncadd.remote.s32 $0x1  }
0xc0: {  	_ =	sfence.sel $0xFFFF  }
0xc1: {  	[dreg:$0x0] =	wrdreg $0xFFFFFFFF;
	(pc) =	sbr.abs _section_cstart, $3  }
0xc2: {  	[dreg:$0x1] =	wrdreg $0xFFFFFFFF  }
0xc3: {  	_ =	task.clear_ibuf [dreg:s8], $0x2FFFF;
	_ =	strace $0x9FFFFFFF  }
0xc4: {  	(tm) =	ssettm $0x7FFFFFFF  }
0xc5: {  	_ =	shalt  }
tec
execute0_lowered:
.L_overlay_start_1:
0x0: {  	(tag) =	ssettag $0x1  }
0x1: {  	s0 =	rddreg [dreg:$0x0]  }
0x2: {  	s8 =	rddreg [dreg:$0x1]  }
0x3: {  	s1 =	rddreg [dreg:$0x2]  }
0x4: {  	s2 =	srdreg.scid;
	s4 =	stileid.u32  }
0x5: {  	s15 =	simm.s32 $0x2780;
	s21 =	simm.s32 $0x2;
	s22 =	simm.s32 $0xA200  }
0x6: {  	s23 =	simm.s32 $0xF880;
	s24 =	simm.s32 $0x1;
	s25 =	simm.s32 $0x14F00  }
0x7: {  	s28 =	simm.s32 $0x0;
	s2 =	sand.u32 $0x1, s2;
	s3 =	sshll.u32 s4, $0x8  }
0x8: {  	s4 =	sshrl.u32 s4, $0x2;
	s9 =	sadd.s32 $0xB800, s8;
	s29 =	sadd.s32 $0x600, s8  }
0x9: {  	s30 =	sadd.s32 $0xC00, s8;
	s5 =	sshll.u32 s2, $0x7;
	s6 =	sand.u32 $0x300, s3  }
0xa: {  	s3 =	simm.s32 $0x0;
	s26 =	sshll.u32 s4, $0xA;
	s7 =	smul.u32 $0x13C00, s4  }
0xb: {  	s4 =	sadd.s32 $0xE00, s8;
	s2 =	ssub.s32 $0x2, s2;
	[smem:$0x7FF] =	sst s3  }
0xc: {  	s5 =	sor.u32 s5, s6;
	_ =	strace $0x8000004D;
	[dreg:$0x4] =	wrdreg s9  }
0xd: {  	s31 =	sshrl.u32 s2, $0x1;
	s6 =	sor.u32 s26, s5;
	[dreg:$0x5] =	wrdreg s29  }
.Ltmp0:
0xe: {  	s5 =	sor.u32 s7, s5;
	[dreg:$0x6] =	wrdreg s30;
	(pc) =	sbr.rel .LBB2_1-.Ltmp0, $4  }
0xf: {  	s2 =	ssub.s32 s2, s31;
	s26 =	simm.s32 $0x3;
	s6 =	sshrl.u32 s6, $0x3  }
0x10: {  	s5 =	sshrl.u32 s5, $0x3;
	s12 =	smax.u32 s2, $0x1;
	s6 =	sadd.s32 s6, s8  }
0x11: {  	s8 =	sadd.s32 $0xB600, s8;
	s9 =	sadd.s32 s0, s5;
	s11 =	sadd.s32 s1, s5  }
0x12: {  	s0 =	simm.s32 $0x80;
	s1 =	simm.s32 $0x400;
	s10 =	sadd.s32 $0xBE00, s6  }
.LBB2_30:
0x13: {  	_ =	sdelay $0x1  }
0x14: {  	s28 =	sadd.s32 $0x1, s28  }
0x15: {  	p0 =	sne.s32 s28, s12  }
.Ltmp1:
0x16: {  	[tilespmem:v0+s25+$0x0] =	vst.idx.msk $0xffff, v3;
	s0 =	simm.s32 $0x80;
	s1 =	simm.s32 $0x400;
	(pc) =	sbr.rel @!p0 .LBB2_31-.Ltmp1, $4  }
0x17: {  	[hbm4b:s11+s0] =	stream.strided.scatter [tilespmem:s25], [sflag:$0x3], $0x2780, s1, s0, $0x38;
	[tilespmem:$0x17680] =	vst v63  }
0x18: {  	_ =	swait.ge [sflag:s26], $0x2780  }
0x19: {  	[sflag:s26] =	ssyncset.done $0x0  }
0x1a: {  	[sflag:s26] =	ssyncadd.s32 $0xFFFFD880  }
.LBB2_1:
0x1b: {  	[tilespmem:s3], [sflag:$0x2] =	stream.strided.gather [hbm4b:s9+s0], $0x2780, s1, s0, $0x38;
	[tilespmem:$0x17680] =	vst v63  }
0x1c: {  	_ = 	snop  }
0x1d: {  	[tilespmem:s15], [sflag:$0x2] =	stream.linear.gather [hbm4b:s10+s3], $0x80, $0x38;
	[tilespmem:$0x17680] =	vst v63  }
0x1e: {  	s7 =	rddreg [dreg:$0x1];
	s13 =	simm.s32 $0x2800  }
0x1f: {  	[tilespmem:s13], [sflag:$0x2] =	stream.linear.gather [hbm4b:s7+s3], $0x2780, $0x38;
	[tilespmem:$0x17680] =	vst v63  }
0x20: {  	s14 =	rddreg [dreg:$0x4];
	s16 =	simm.s32 $0x4F80  }
0x21: {  	[tilespmem:s16], [sflag:$0x2] =	stream.linear.gather [hbm4b:s14+s3], $0x2780, $0x38;
	[tilespmem:$0x17680] =	vst v63  }
0x22: {  	s17 =	rddreg [dreg:$0x5];
	s18 =	simm.s32 $0x7700  }
0x23: {  	[tilespmem:s18], [sflag:$0x2] =	stream.linear.gather [hbm4b:s17+s3], $0x2780, $0x38;
	[tilespmem:$0x17680] =	vst v63  }
0x24: {  	s19 =	rddreg [dreg:$0x6];
	s20 =	simm.s32 $0x9E80  }
0x25: {  	[tilespmem:s20], [sflag:$0x2] =	stream.linear.gather [hbm4b:s19+s3], $0x300, $0x38;
	[tilespmem:$0x17680] =	vst v63  }
0x26: {  	s30 =	simm.s32 $0xA180  }
0x27: {  	[tilespmem:s30], [sflag:$0x2] =	stream.linear.gather [hbm4b:s8+s3], $0x80, $0x38;
	[tilespmem:$0x17680] =	vst v63  }
0x28: {  	_ =	swait.ge [sflag:s21], $0x2780  }
0x29: {  	[sflag:s21] =	ssyncset.done $0x0  }
0x2a: {  	[sflag:s21] =	ssyncadd.s32 $0xFFFFD880  }
0x2b: {  	_ =	swait.ge [sflag:s21], $0x80  }
0x2c: {  	[sflag:s21] =	ssyncset.done $0x0  }
0x2d: {  	[sflag:s21] =	ssyncadd.s32 $0xFFFFFF80  }
0x2e: {  	_ =	swait.ge [sflag:s21], $0x2780  }
0x2f: {  	[sflag:s21] =	ssyncset.done $0x0  }
0x30: {  	[sflag:s21] =	ssyncadd.s32 $0xFFFFD880  }
0x31: {  	_ =	swait.ge [sflag:s21], $0x2780  }
0x32: {  	[sflag:s21] =	ssyncset.done $0x0  }
0x33: {  	[sflag:s21] =	ssyncadd.s32 $0xFFFFD880  }
0x34: {  	_ =	swait.ge [sflag:s21], $0x2780  }
0x35: {  	[sflag:s21] =	ssyncset.done $0x0  }
0x36: {  	[sflag:s21] =	ssyncadd.s32 $0xFFFFD880  }
0x37: {  	_ =	swait.ge [sflag:s21], $0x300  }
0x38: {  	[sflag:s21] =	ssyncset.done $0x0  }
0x39: {  	[sflag:s21] =	ssyncadd.s32 $0xFFFFFD00  }
0x3a: {  	_ =	swait.ge [sflag:s21], $0x80  }
0x3b: {  	[sflag:s21] =	ssyncset.done $0x0  }
0x3c: {  	[sflag:s21] =	ssyncadd.s32 $0xFFFFFF80  }
0x3d: {  	v0 =	vld [tilespmem:$0xA180];
	_ =	sdelay $0x4  }
0x3e: {  	(v2sf) =	vpush v0, $0x0;
	_ =	sdelay $0xd  }
.Ltmp2:
0x3f: {  	_ = 	snop;
	(pc) =	sbr.rel .LBB2_2-.Ltmp2, $4  }
0x40: {  	s31 =	spop (v2sf)  }
0x41: {  	s0 =	sshrl.u32 s31, $0x3  }
0x42: {  	s29 =	simm.s32 $0x0;
	s0 =	sadd.s32 s4, s0  }
0x43: {  	[tilespmem:s22], [sflag:$0x1] =	stream.linear.gather [hbm4b:s0+s3], $0x5630, $0x38;
	[tilespmem:$0x17680] =	vst v63  }
.LBB2_20:
0x44: {  	s29 =	sadd.s32 $0x1, s29  }
0x45: {  	p0 =	sne.s32 s29, $0xC  }
.Ltmp3:
0x46: {  	_ = 	snop;
	(pc) =	sbr.rel @!p0 .LBB2_21-.Ltmp3, $2  }
0x47: {  	_ =	sdelay $0x2  }
0x48: {  	[tilespmem:v0+s25+$0x0] =	vst.idx.msk $0xffff, v3  }
.LBB2_2:
0x49: {  	s30 =	sshll.u32 s29, $0x1  }
0x4a: {  	v0 =	vld [tilespmem:s30+$0xA181];
	_ =	sdelay $0x4  }
0x4b: {  	(v2sf) =	vpush v0, $0x0;
	_ =	sdelay $0xe  }
0x4c: {  	s0 =	spop (v2sf)  }
0x4d: {  	s0 =	sshrl.u32 s0, $0x3  }
0x4e: {  	s31 =	simm.s32 $0x0;
	s1 =	smul.u32 $0xC8, s29;
	s0 =	sadd.s32 s4, s0  }
0x4f: {  	[tilespmem:s23], [sflag:$0x2] =	stream.linear.gather [hbm4b:s0+s31], $0x5630, $0x38;
	[tilespmem:$0x17680] =	vst v63  }
.Ltmp4:
0x50: {  	_ = 	snop;
	(pc) =	sbr.rel .LBB2_3-.Ltmp4, $4  }
0x51: {  	s0 =	smul.u32 $0x320, s29;
	_ =	swait.ge [sflag:s24], $0x5630  }
0x52: {  	s16 =	sshra.s32 s1, $0x2;
	[sflag:s24] =	ssyncset.done $0x0  }
0x53: {  	s2 =	sadd.s32 $0x9E80, s16;
	s1 =	sand.u32 $0x60, s0;
	[sflag:s24] =	ssyncadd.s32 $0xFFFFA9D0  }
0x54: {  	v2 =	vmov s2;
	v1 =	vmov s0;
	s17 =	sor.u32 $0x10, s1;
	v0 =	vld.msk [tilespmem:s30+$0xA180 ss:$0x0], $0xffff  }
.LBB2_4:
0x55: {  	v17 =	vimm.f32 $0.0e+00;
	v19 =	vimm.f32 $0.0e+00  }
0x56: {  	v14 =	vimm.f32 $0.0e+00;
	v13 =	vimm.f32 $0.0e+00;
	v15 =	vimm.f32 $0.0e+00  }
0x57: {  	v16 =	vimm.f32 $0.0e+00;
	v11 =	vimm.f32 $0.0e+00;
	v12 =	vimm.f32 $0.0e+00  }
.LBB2_5:
0x58: {  	_ =	sdelay $0x3  }
0x59: {  	[tilespmem:v3+s25+$0x0] =	vst.idx.msk $0xffff, v17  }
0x5a: {  	s31 =	sadd.s32 $0x1, s31;
	[tilespmem:v4+s25+$0x0] =	vst.idx.msk $0xffff, v19  }
0x5b: {  	p0 =	seq.s32 s31, $0x3;
	[tilespmem:v5+s25+$0x0] =	vst.idx.msk $0xffff, v14  }
.Ltmp5:
0x5c: {  	[tilespmem:v6+s25+$0x0] =	vst.idx.msk $0xffff, v13;
	(pc) =	sbr.rel @p0 .LBB2_6-.Ltmp5, $4  }
0x5d: {  	[tilespmem:v7+s25+$0x0] =	vst.idx.msk $0xffff, v15  }
0x5e: {  	[tilespmem:v8+s25+$0x0] =	vst.idx.msk $0xffff, v16  }
0x5f: {  	[tilespmem:v9+s25+$0x0] =	vst.idx.msk $0xffff, v11  }
0x60: {  	[tilespmem:v10+s25+$0x0] =	vst.idx.msk $0xffff, v12  }
.LBB2_3:
0x61: {  	_ =	sdelay $0x1  }
0x62: {  	s6 =	sshll.u32 s31, $0x3  }
0x63: {  	s6 =	sand.u32 $0x3FFFFFF8, s6  }
0x64: {  	v3 =	vld.idx.msk [tilespmem:v2+s6+$0x7 ss:$0x1], $0xffff;
	_ =	sdelay $0x1  }
0x65: {  	s2 =	sshll.u32 s31, $0x7  }
0x66: {  	v22 =	vld.idx.msk [tilespmem:v1+s2+$0x2820 ss:$0x1], $0xffff  }
0x67: {  	v23 =	vld.idx.msk [tilespmem:v1+s2+$0x2830 ss:$0x1], $0xffff  }
0x68: {  	v24 =	vld.idx.msk [tilespmem:v1+s2+$0x2840 ss:$0x1], $0xffff;
	(v2sf) =	vpush v3, $0x0  }
0x69: {  	v25 =	vld.idx.msk [tilespmem:v1+s2+$0x2850 ss:$0x1], $0xffff  }
0x6a: {  	v26 =	vld.idx.msk [tilespmem:v1+s2+$0x2860 ss:$0x1], $0xffff  }
0x6b: {  	v27 =	vld.idx.msk [tilespmem:v1+s2+$0x2870 ss:$0x1], $0xffff  }
0x6c: {  	v15 =	vld.idx.msk [tilespmem:v1+s2+$0x4FA0 ss:$0x1], $0xffff  }
0x6d: {  	v11 =	vld.idx.msk [tilespmem:v1+s2+$0x4FB0 ss:$0x1], $0xffff  }
0x6e: {  	v16 =	vld.idx.msk [tilespmem:v1+s2+$0x4FC0 ss:$0x1], $0xffff  }
0x6f: {  	v14 =	vld.idx.msk [tilespmem:v1+s2+$0x4FD0 ss:$0x1], $0xffff  }
0x70: {  	v13 =	vld.idx.msk [tilespmem:v1+s2+$0x4FE0 ss:$0x1], $0xffff  }
0x71: {  	v12 =	vld.idx.msk [tilespmem:v1+s2+$0x4FF0 ss:$0x1], $0xffff  }
0x72: {  	v5 =	vld.idx.msk [tilespmem:v1+s2+$0x7720 ss:$0x1], $0xffff  }
0x73: {  	v6 =	vld.idx.msk [tilespmem:v1+s2+$0x7730 ss:$0x1], $0xffff  }
0x74: {  	v7 =	vld.idx.msk [tilespmem:v1+s2+$0x7740 ss:$0x1], $0xffff  }
0x75: {  	s5 =	sadd.s32 s0, s2;
	v8 =	vld.idx.msk [tilespmem:v1+s2+$0x7750 ss:$0x1], $0xffff  }
0x76: {  	v9 =	vld.idx.msk [tilespmem:v1+s2+$0x7760 ss:$0x1], $0xffff;
	s5 =	sand.u32 $0x7F80, s5  }
0x77: {  	v10 =	vld.idx.msk [tilespmem:v1+s2+$0x7770 ss:$0x1], $0xffff;
	s20 =	sor.u32 s1, s5;
	s18 =	spop (v2sf)  }
0x78: {  	s5 =	sor.u32 s17, s5;
	v19 =	vld [tilespmem:s20+$0x4F80];
	p0 =	slt.s32 s18, $0x1  }
.Ltmp6:
0x79: {  	v17 =	vld [tilespmem:s5+$0x4F80];
	(pc) =	sbr.rel @p0 .LBB2_4-.Ltmp6, $4  }
0x7a: {  	v3 =	vld [tilespmem:s20+$0x7700]  }
0x7b: {  	v4 =	vld [tilespmem:s5+$0x7700]  }
0x7c: {  	v18 =	vld [tilespmem:s20+$0x2800]  }
0x7d: {  	v21 =	vld [tilespmem:s5+$0x2800]  }
0x7e: {  	v23 =	vsub.s32 v23, v0;
	s20 =	simm.s32 $0x0  }
0x7f: {  	v22 =	vsub.s32 v22, v0;
	v30 =	vadd.s32 s20, v23  }
0x80: {  	v25 =	vsub.s32 v25, v0;
	v29 =	vadd.s32 s20, v22  }
0x81: {  	v33 =	vadd.s32 s20, v25;
	v20 =	vsub.s32 v18, v0  }
0x82: {  	v28 =	vadd.s32 s20, v20;
	_ =	sdelay $0x1  }
0x83: {  	v24 =	vsub.s32 v24, v0;
	v51 =	vld.idx.msk [tilespmem:v30+s22+$0x0], $0xffff  }
0x84: {  	v26 =	vsub.s32 v26, v0;
	v31 =	vadd.s32 s20, v24;
	v29 =	vld.idx.msk [tilespmem:v29+s22+$0x0], $0xffff  }
0x85: {  	v34 =	vadd.s32 s20, v26;
	v21 =	vsub.s32 v21, v0;
	v33 =	vld.idx.msk [tilespmem:v33+s22+$0x0], $0xffff  }
0x86: {  	v27 =	vsub.s32 v27, v0;
	v32 =	vadd.s32 s20, v21;
	v28 =	vld.idx.msk [tilespmem:v28+s22+$0x0], $0xffff  }
0x87: {  	v30 =	vadd.s32 s20, v27  }
0x88: {  	v38 =	vshra.s32 v51, $0xE  }
0x89: {  	v31 =	vld.idx.msk [tilespmem:v31+s22+$0x0], $0xffff;
	v37 =	vand.u32 $0x3FFF, v29;
	v29 =	vshra.s32 v29, $0xE  }
0x8a: {  	v34 =	vld.idx.msk [tilespmem:v34+s22+$0x0], $0xffff;
	v63 =	vand.u32 $0x3FFF, v33  }
0x8b: {  	v32 =	vld.idx.msk [tilespmem:v32+s22+$0x0], $0xffff;
	v35 =	vand.u32 $0x3FFF, v28  }
0x8c: {  	v36 =	vshra.s32 v28, $0xE;
	v28 =	vld.idx.msk [tilespmem:v30+s22+$0x0], $0xffff  }
0x8d: {  	v41 =	vld.idx.msk [tilespmem:v38+s15+$0x0], $0xffff  }
0x8e: {  	v30 =	vand.u32 $0x3FFF, v31;
	v44 =	vld.idx.msk [tilespmem:v29+s15+$0x0], $0xffff  }
0x8f: {  	p1 =	seq.s32 s18, $0x1;
	v31 =	vshra.s32 v31, $0xE;
	v38 =	vld.idx.msk [tilespmem:v63+s3+$0x0], $0xffff  }
.Ltmp7:
0x90: {  	v42 =	vld.idx.msk [tilespmem:v35+s3+$0x0], $0xffff;
	(pc) =	sbr.rel @p1 .LBB2_33-.Ltmp7, $4  }
0x91: {  	v45 =	vld.idx.msk [tilespmem:v36+s15+$0x0], $0xffff  }
0x92: {  	v36 =	vld.idx.msk [tilespmem:v37+s3+$0x0], $0xffff  }
0x93: {  	v18 =	vimm.f32 $0.0e+00;
	v48 =	vshra.s32 v33, $0xE;
	v47 =	vand.u32 $0x3FFF, v34;
	v40 =	vld.idx.msk [tilespmem:v30+s3+$0x0], $0xffff  }
0x94: {  	s19 =	simm.s32 $0x1;
	p0 =	por $0x0, $0x0;
	v49 =	vshra.s32 v34, $0xE;
	v50 =	vand.u32 $0x3FFF, v32;
	v46 =	vshra.s32 v32, $0xE;
	v43 =	vld.idx.msk [tilespmem:v31+s15+$0x0], $0xffff  }
0x95: {  	_ =	sdelay $0x3  }
0x96: {  	v29 =	vadd.s32 s19, v20;
	v32 =	vld.idx.msk [tilespmem:v50+s3+$0x0], $0xffff  }
0x97: {  	v30 =	vadd.s32 s19, v21;
	v33 =	vld.idx.msk [tilespmem:v48+s15+$0x0], $0xffff  }
0x98: {  	v31 =	vadd.s32 s19, v22;
	v34 =	vld.idx.msk [tilespmem:v46+s15+$0x0], $0xffff  }
0x99: {  	v35 =	vadd.s32 s19, v23;
	v39 =	vld.idx.msk [tilespmem:v47+s3+$0x0], $0xffff  }
0x9a: {  	v63 =	vadd.s32 s19, v24;
	v47 =	vld.idx.msk [tilespmem:v49+s15+$0x0], $0xffff  }
0x9b: {  	v57 =	vadd.s32 s19, v25;
	v56 =	vld.idx.msk [tilespmem:v29+s22+$0x0], $0xffff  }
0x9c: {  	v58 =	vand.u32 $0x3FFF, v28;
	v52 =	vld.idx.msk [tilespmem:v30+s22+$0x0], $0xffff  }
0x9d: {  	v59 =	vshra.s32 v28, $0xE;
	v50 =	vld.idx.msk [tilespmem:v31+s22+$0x0], $0xffff  }
0x9e: {  	vm0 =	vgt.s32 v19, s20;
	vm11 =	vgt.s32 v17, s20;
	v60 =	vand.u32 $0x3FFF, v51;
	v37 =	vld.idx.msk [tilespmem:v35+s22+$0x0], $0xffff  }
0x9f: {  	vm1 =	vgt.s32 v16, s20;
	v30 =	vadd.s32 s19, v26;
	v29 =	vmul.f32 v45, v42;
	v45 =	vld.idx.msk [tilespmem:v63+s22+$0x0], $0xffff  }
0xa0: {  	vm2 =	vgt.s32 v15, s20;
	v28 =	vmul.f32 v43, v40;
	v31 =	vadd.s32 s19, v27;
	v43 =	vld.idx.msk [tilespmem:v57+s22+$0x0], $0xffff  }
0xa1: {  	vm12 =	vgt.s32 v14, s20;
	vm13 =	vgt.s32 v13, s20;
	v35 =	vld.idx.msk [tilespmem:v58+s3+$0x0], $0xffff;
	v61 =	vand.u32 $0x3FFF, v56  }
0xa2: {  	vm14 =	vgt.s32 v12, s20;
	vm15 =	vgt.s32 v11, s20;
	v53 =	vld.idx.msk [tilespmem:v59+s15+$0x0], $0xffff;
	v62 =	vshra.s32 v56, $0xE  }
0xa3: {  	v36 =	vmul.f32 v44, v36;
	v33 =	vmul.f32 v33, v38;
	v54 =	vld.idx.msk [tilespmem:v60+s3+$0x0], $0xffff;
	v63 =	vand.u32 $0x3FFF, v50  }
0xa4: {  	v32 =	vmul.f32 v34, v32;
	v59 =	vmul.f32 v47, v39;
	v49 =	vld.idx.msk [tilespmem:v30+s22+$0x0], $0xffff;
	v57 =	vshra.s32 v37, $0xE  }
0xa5: {  	v39 =	vimm.f32 $0.0e+00;
	v30 =	vnsel vm1, $0x0, v28;
	v28 =	vld.idx.msk [tilespmem:v31+s22+$0x0], $0xffff;
	v58 =	vand.u32 $0x3FFF, v45  }
0xa6: {  	v29 =	vnsel vm0, $0x0, v29;
	v33 =	vnsel vm12, $0x0, v33;
	v60 =	vshra.s32 v45, $0xE;
	v42 =	vld.idx.msk [tilespmem:v61+s3+$0x0], $0xffff  }
0xa7: {  	v32 =	vnsel vm11, $0x0, v32;
	v29 =	vmax.f32 v18, v29;
	v55 =	vand.u32 $0x3FFF, v43;
	v45 =	vld.idx.msk [tilespmem:v62+s15+$0x0], $0xffff  }
0xa8: {  	p1 =	seq.s32 s18, $0x2;
	v33 =	vmax.f32 v18, v33;
	v31 =	vnsel vm2, $0x0, v36;
	v61 =	vshra.s32 v50, $0xE;
	v36 =	vld.idx.msk [tilespmem:v63+s3+$0x0], $0xffff  }
.Ltmp8:
0xa9: {  	v34 =	vmax.f32 v18, v32;
	v35 =	vmul.f32 v53, v35;
	v50 =	vand.u32 $0x3FFF, v52;
	v51 =	vld.idx.msk [tilespmem:v57+s15+$0x0], $0xffff;
	(pc) =	sbr.rel @p1 .LBB2_35-.Ltmp8, $4  }
0xaa: {  	v48 =	vshra.s32 v43, $0xE;
	v46 =	vshra.s32 v52, $0xE;
	v30 =	vmax.f32 v18, v30;
	v40 =	vld.idx.msk [tilespmem:v58+s3+$0x0], $0xffff  }
0xab: {  	v31 =	vmax.f32 v18, v31;
	v35 =	vnsel vm14, $0x0, v35;
	v43 =	vld.idx.msk [tilespmem:v60+s15+$0x0], $0xffff;
	v63 =	vmul.f32 v41, v54  }
0xac: {  	v35 =	vmax.f32 v18, v35;
	v62 =	vnsel vm13, $0x0, v59;
	v47 =	vand.u32 $0x3FFF, v49;
	v38 =	vld.idx.msk [tilespmem:v55+s3+$0x0], $0xffff  }
0xad: {  	s2 =	simm.s32 $0x2;
	p0 =	por $0x1, $0x1;
	v49 =	vshra.s32 v49, $0xE;
	v32 =	vmax.f32 v18, v62;
	v52 =	vnsel vm15, $0x0, v63;
	v44 =	vld.idx.msk [tilespmem:v61+s15+$0x0], $0xffff  }
.LBB2_36:
0xae: {  	v41 =	vadd.s32 s2, v20;
	v42 =	vmul.f32 v45, v42;
	v45 =	vld.idx.msk [tilespmem:v50+s3+$0x0], $0xffff;
	v39 =	vmax.f32 v39, v52;
	s5 =	smov.u32 s2;
	s2 =	sadd.s32 $0x1, s2  }
0xaf: {  	vm0 =	vgt.s32 v19, s19;
	v52 =	vmov v51;
	v50 =	vadd.s32 s5, v21;
	p1 =	seq.s32 s18, s2;
	v48 =	vld.idx.msk [tilespmem:v48+s15+$0x0], $0xffff  }
0xb0: {  	v51 =	vadd.s32 s5, v22;
	v42 =	vnsel vm0, $0x0, v42;
	v46 =	vld.idx.msk [tilespmem:v46+s15+$0x0], $0xffff;
	vm0 =	vgt.s32 v17, s19  }
0xb1: {  	v53 =	vadd.s32 s5, v23;
	v40 =	vmul.f32 v43, v40;
	v29 =	vmax.f32 v29, v42;
	v42 =	vld.idx.msk [tilespmem:v47+s3+$0x0], $0xffff  }
0xb2: {  	vm1 =	vgt.s32 v16, s19;
	v43 =	vadd.s32 s5, v24;
	v36 =	vmul.f32 v44, v36;
	v44 =	vld.idx.msk [tilespmem:v49+s15+$0x0], $0xffff  }
0xb3: {  	vm2 =	vgt.s32 v15, s19;
	v47 =	vadd.s32 s5, v25;
	v40 =	vnsel vm1, $0x0, v40;
	v41 =	vld.idx.msk [tilespmem:v41+s22+$0x0], $0xffff  }
0xb4: {  	v36 =	vnsel vm2, $0x0, v36;
	v30 =	vmax.f32 v30, v40;
	v49 =	vld.idx.msk [tilespmem:v50+s22+$0x0], $0xffff;
	v50 =	vadd.s32 s5, v26  }
0xb5: {  	v31 =	vmax.f32 v31, v36;
	v36 =	vmul.f32 v48, v38;
	v40 =	vld.idx.msk [tilespmem:v51+s22+$0x0], $0xffff;
	v51 =	vadd.s32 s5, v27  }
0xb6: {  	vm1 =	vgt.s32 v14, s19;
	v45 =	vmul.f32 v46, v45;
	v46 =	vand.u32 $0x3FFF, v28;
	v38 =	vld.idx.msk [tilespmem:v53+s22+$0x0], $0xffff  }
0xb7: {  	v48 =	vand.u32 $0x3FFF, v37;
	v37 =	vshra.s32 v28, $0xE;
	v36 =	vnsel vm1, $0x0, v36;
	v43 =	vld.idx.msk [tilespmem:v43+s22+$0x0], $0xffff  }
0xb8: {  	v28 =	vnsel vm0, $0x0, v45;
	v33 =	vmax.f32 v33, v36;
	v36 =	vmul.f32 v44, v42;
	v47 =	vld.idx.msk [tilespmem:v47+s22+$0x0], $0xffff  }
0xb9: {  	vm0 =	vgt.s32 v13, s19;
	v42 =	vand.u32 $0x3FFF, v41;
	v34 =	vmax.f32 v34, v28;
	v53 =	vld.idx.msk [tilespmem:v50+s22+$0x0], $0xffff  }
0xba: {  	v41 =	vshra.s32 v41, $0xE;
	v36 =	vnsel vm0, $0x0, v36;
	v28 =	vld.idx.msk [tilespmem:v51+s22+$0x0], $0xffff  }
0xbb: {  	v44 =	vand.u32 $0x3FFF, v40;
	v32 =	vmax.f32 v32, v36;
	v46 =	vld.idx.msk [tilespmem:v46+s3+$0x0], $0xffff  }
0xbc: {  	v51 =	vshra.s32 v38, $0xE;
	v54 =	vld.idx.msk [tilespmem:v37+s15+$0x0], $0xffff;
	v37 =	vmov v38  }
0xbd: {  	v38 =	vand.u32 $0x3FFF, v43;
	v55 =	vld.idx.msk [tilespmem:v48+s3+$0x0], $0xffff  }
0xbe: {  	v43 =	vshra.s32 v43, $0xE;
	v42 =	vld.idx.msk [tilespmem:v42+s3+$0x0], $0xffff  }
0xbf: {  	v45 =	vld.idx.msk [tilespmem:v41+s15+$0x0], $0xffff;
	v41 =	vshra.s32 v40, $0xE  }
0xc0: {  	v56 =	vand.u32 $0x3FFF, v47;
	v36 =	vld.idx.msk [tilespmem:v44+s3+$0x0], $0xffff  }
.Ltmp9:
0xc1: {  	v50 =	vand.u32 $0x3FFF, v49;
	v51 =	vld.idx.msk [tilespmem:v51+s15+$0x0], $0xffff;
	(pc) =	sbr.rel @!p1 .LBB2_36-.Ltmp9, $4  }
0xc2: {  	v48 =	vshra.s32 v47, $0xE;
	v40 =	vld.idx.msk [tilespmem:v38+s3+$0x0], $0xffff;
	v38 =	vmul.f32 v54, v46  }
0xc3: {  	vm0 =	vgt.s32 v12, s19;
	v46 =	vshra.s32 v49, $0xE;
	v52 =	vmul.f32 v52, v55;
	v43 =	vld.idx.msk [tilespmem:v43+s15+$0x0], $0xffff  }
0xc4: {  	vm1 =	vgt.s32 v11, s19;
	s19 =	smov.u32 s5;
	v47 =	vand.u32 $0x3FFF, v53;
	v44 =	vld.idx.msk [tilespmem:v41+s15+$0x0], $0xffff;
	v41 =	vnsel vm0, $0x0, v38  }
0xc5: {  	v49 =	vshra.s32 v53, $0xE;
	v52 =	vnsel vm1, $0x0, v52;
	v38 =	vld.idx.msk [tilespmem:v56+s3+$0x0], $0xffff;
	v35 =	vmax.f32 v35, v41  }
0xc6: {  	s20 =	smov.u32 s19;
	v41 =	vmov v51;
	v51 =	vmov v37  }
.LBB2_38:
0xc7: {  	_ =	sdelay $0x3  }
0xc8: {  	v20 =	vld.idx.msk [tilespmem:v50+s3+$0x0], $0xffff;
	v21 =	vand.u32 $0x3FFF, v28  }
0xc9: {  	v22 =	vld.idx.msk [tilespmem:v48+s15+$0x0], $0xffff;
	v23 =	vshra.s32 v28, $0xE  }
0xca: {  	v24 =	vld.idx.msk [tilespmem:v46+s15+$0x0], $0xffff;
	v25 =	vand.u32 $0x3FFF, v51  }
0xcb: {  	v27 =	vld.idx.msk [tilespmem:v47+s3+$0x0], $0xffff  }
0xcc: {  	vm0 =	vgt.s32 v19, s20;
	v19 =	vld.idx.msk [tilespmem:v49+s15+$0x0], $0xffff  }
0xcd: {  	v26 =	vmul.f32 v45, v42;
	v28 =	vmax.f32 @p0 v39, v52;
	vm11 =	vgt.s32 v17, s20;
	v21 =	vld.idx.msk [tilespmem:v21+s3+$0x0], $0xffff  }
0xce: {  	vm1 =	vgt.s32 v16, s20;
	vm2 =	vgt.s32 v15, s20;
	vm12 =	vgt.s32 v14, s20;
	v23 =	vld.idx.msk [tilespmem:v23+s15+$0x0], $0xffff  }
0xcf: {  	vm13 =	vgt.s32 v13, s20;
	vm14 =	vgt.s32 v12, s20;
	v59 =	vmul.f32 v43, v40;
	v25 =	vld.idx.msk [tilespmem:v25+s3+$0x0], $0xffff  }
0xd0: {  	vm15 =	vgt.s32 v11, s20;
	v18 =	vpsel p0, v28, v18;
	v60 =	vmul.f32 v44, v36  }
0xd1: {  	v26 =	vnsel vm0, $0x0, v26;
	v15 =	vnsel vm1, $0x0, v59;
	v20 =	vmul.f32 v24, v20  }
0xd2: {  	v17 =	vmax.f32 v29, v26;
	v61 =	vnsel vm2, $0x0, v60;
	v15 =	vmax.f32 v30, v15  }
.Ltmp10:
0xd3: {  	v16 =	vmul.f32 v22, v38;
	v62 =	vmul.f32 v19, v27;
	v20 =	vnsel vm11, $0x0, v20;
	(pc) =	sbr.rel .LBB2_5-.Ltmp10, $4  }
0xd4: {  	v19 =	vmax.f32 v34, v20;
	v13 =	vmul.f32 v23, v21;
	v20 =	vmul.f32 v41, v25  }
0xd5: {  	v14 =	vmax.f32 v31, v61;
	v16 =	vnsel vm12, $0x0, v16;
	v63 =	vnsel vm13, $0x0, v62  }
0xd6: {  	v16 =	vmax.f32 v33, v16;
	v12 =	vnsel vm14, $0x0, v13;
	v13 =	vnsel vm15, $0x0, v20  }
0xd7: {  	v11 =	vmax.f32 v32, v63;
	v12 =	vmax.f32 v35, v12;
	v13 =	vmax.f32 v18, v13  }
.LBB2_33:
.Ltmp11:
0xd8: {  	(pc) =	sbr.rel .LBB2_38-.Ltmp11, $4  }
0xd9: {  	_ = 	snop  }
0xda: {  	v39 =	vimm.f32 $0.0e+00;
	v29 =	vimm.f32 $0.0e+00  }
0xdb: {  	v30 =	vimm.f32 $0.0e+00;
	v31 =	vimm.f32 $0.0e+00;
	v33 =	vimm.f32 $0.0e+00  }
0xdc: {  	v34 =	vimm.f32 $0.0e+00;
	v32 =	vimm.f32 $0.0e+00;
	v35 =	vimm.f32 $0.0e+00  }
.LBB2_35:
.Ltmp12:
0xdd: {  	(pc) =	sbr.rel .LBB2_38-.Ltmp12, $2  }
0xde: {  	_ =	sdelay $0x2  }
0xdf: {  	v39 =	vimm.f32 $0.0e+00;
	s20 =	simm.s32 $0x1;
	v41 =	vmov v51;
	v51 =	vmov v37  }
.LBB2_6:
0xe0: {  	v1 =	vld [tilespmem:s16+$0x9E98];
	_ =	sdelay $0x4  }
0xe1: {  	(v2sf) =	vpush v1, $0x0;
	_ =	sdelay $0xd  }
0xe2: {  	s0 =	sand.u32 $0x3F80, s0  }
0xe3: {  	s2 =	sor.u32 s1, s0;
	s0 =	spop (v2sf)  }
0xe4: {  	s31 =	sshra.s32 s0, $0x1F  }
0xe5: {  	s1 =	sshrl.u32 s31, $0x1E  }
0xe6: {  	s1 =	sadd.s32 s1, s0  }
0xe7: {  	s1 =	sand.u32 $0xFFFFFFFC, s1  }
0xe8: {  	v2 =	vld [tilespmem:s2+$0x2980];
	p0 =	slt.s32 s1, $0x1  }
.Ltmp13:
0xe9: {  	_ = 	snop;
	(pc) =	sbr.rel @p0 .LBB2_7-.Ltmp13, $3  }
0xea: {  	_ =	sdelay $0x1  }
0xeb: {  	v1 =	vld [tilespmem:s2+$0x5100]  }
0xec: {  	v2 =	vsub.s32 v2, v0;
	v0 =	vld [tilespmem:s2+$0x7880]  }
0xed: {  	s13 =	simm.s32 $0x0  }
0xee: {  	s5 =	simm.s32 $0x3;
	v4 =	vadd.s32 s13, v2  }
0xef: {  	s6 =	simm.s32 $0x2;
	v6 =	vadd.s32 s5, v2  }
0xf0: {  	s7 =	simm.s32 $0x1;
	v7 =	vadd.s32 s6, v2  }
0xf1: {  	p2 =	sgt.s32 s1, $0x4;
	v8 =	vadd.s32 s7, v2  }
.Ltmp14:
0xf2: {  	_ = 	snop;
	(pc) =	sbr.rel @!p2 .LBB2_40-.Ltmp14, $4  }
0xf3: {  	v5 =	vld.idx.msk [tilespmem:v4+s22+$0x0], $0xffff  }
0xf4: {  	v4 =	vld.idx.msk [tilespmem:v6+s22+$0x0], $0xffff  }
0xf5: {  	v7 =	vld.idx.msk [tilespmem:v7+s22+$0x0], $0xffff  }
0xf6: {  	v3 =	vimm.f32 $0.0e+00;
	s2 =	simm.s32 $0x4;
	p0 =	por $0x0, $0x0;
	p1 =	por $0x0, $0x0;
	v10 =	vld.idx.msk [tilespmem:v8+s22+$0x0], $0xffff  }
0xf7: {  	v6 =	vadd.s32 s2, v2;
	s20 =	simm.s32 $0x7  }
0xf8: {  	s31 =	simm.s32 $0x6;
	v8 =	vadd.s32 s20, v2  }
0xf9: {  	s14 =	simm.s32 $0x5;
	v9 =	vadd.s32 s31, v2  }
0xfa: {  	v12 =	vadd.s32 s14, v2  }
0xfb: {  	v13 =	vand.u32 $0x3FFF, v5  }
0xfc: {  	v17 =	vand.u32 $0x3FFF, v4;
	v16 =	vld.idx.msk [tilespmem:v6+s22+$0x0], $0xffff  }
0xfd: {  	p2 =	sgt.s32 s1, $0x8;
	v6 =	vshra.s32 v5, $0xE;
	v11 =	vld.idx.msk [tilespmem:v8+s22+$0x0], $0xffff  }
.Ltmp15:
0xfe: {  	v14 =	vld.idx.msk [tilespmem:v9+s22+$0x0], $0xffff;
	(pc) =	sbr.rel @!p2 .LBB2_42-.Ltmp15, $4  }
0xff: {  	v15 =	vld.idx.msk [tilespmem:v12+s22+$0x0], $0xffff  }
0x100: {  	v5 =	vld.idx.msk [tilespmem:v13+s3+$0x0], $0xffff  }
0x101: {  	v8 =	vand.u32 $0x3FFF, v7;
	v13 =	vshra.s32 v4, $0xE;
	v4 =	vld.idx.msk [tilespmem:v17+s3+$0x0], $0xffff  }
0x102: {  	s16 =	simm.s32 $0x8;
	p0 =	por $0x1, $0x1;
	v9 =	vand.u32 $0x3FFF, v10;
	v7 =	vshra.s32 v7, $0xE;
	v12 =	vshra.s32 v10, $0xE;
	v6 =	vld.idx.msk [tilespmem:v6+s15+$0x0], $0xffff  }
0x103: {  	_ =	sdelay $0x3  }
0x104: {  	v10 =	vadd.s32 s16, v2;
	v18 =	vld.idx.msk [tilespmem:v8+s3+$0x0], $0xffff  }
0x105: {  	s17 =	simm.s32 $0xB;
	v20 =	vld.idx.msk [tilespmem:v9+s3+$0x0], $0xffff;
	v22 =	vand.u32 $0x3FFF, v16  }
0x106: {  	s18 =	simm.s32 $0xA;
	v12 =	vld.idx.msk [tilespmem:v12+s15+$0x0], $0xffff;
	v8 =	vadd.s32 s17, v2  }
0x107: {  	s19 =	simm.s32 $0x9;
	v21 =	vld.idx.msk [tilespmem:v7+s15+$0x0], $0xffff;
	v9 =	vadd.s32 s18, v2  }
0x108: {  	v13 =	vld.idx.msk [tilespmem:v13+s15+$0x0], $0xffff;
	v19 =	vadd.s32 s19, v2  }
0x109: {  	v23 =	vshra.s32 v16, $0xE;
	v24 =	vand.u32 $0x3FFF, v11;
	v10 =	vld.idx.msk [tilespmem:v10+s22+$0x0], $0xffff  }
0x10a: {  	vm1 =	vgt.s32 v1, s13;
	vm2 =	vgt.s32 v1, s6;
	p2 =	sgt.s32 s1, $0xC;
	v6 =	vmul.f32 v6, v5;
	v5 =	vld.idx.msk [tilespmem:v22+s3+$0x0], $0xffff  }
.Ltmp16:
0x10b: {  	vm0 =	vgt.s32 v1, s5;
	vm3 =	vgt.s32 v1, s7;
	v16 =	vld.idx.msk [tilespmem:v8+s22+$0x0], $0xffff;
	v8 =	vand.u32 $0x3FFF, v14;
	(pc) =	sbr.rel @!p2 .LBB2_44-.Ltmp16, $4  }
0x10c: {  	v7 =	vshra.s32 v14, $0xE;
	v17 =	vld.idx.msk [tilespmem:v9+s22+$0x0], $0xffff;
	v9 =	vand.u32 $0x3FFF, v15;
	v14 =	vmul.f32 v12, v20  }
0x10d: {  	v21 =	vmul.f32 v21, v18;
	v19 =	vld.idx.msk [tilespmem:v19+s22+$0x0], $0xffff;
	v12 =	vshra.s32 v15, $0xE;
	v15 =	vnsel vm1, $0x0, v6  }
0x10e: {  	v18 =	vmul.f32 v13, v4;
	v4 =	vld.idx.msk [tilespmem:v24+s3+$0x0], $0xffff;
	v15 =	vmax.f32 v3, v15;
	v14 =	vnsel vm3, $0x0, v14  }
0x10f: {  	s5 =	simm.s32 $0xC;
	p1 =	por $0x1, $0x1;
	v13 =	vshra.s32 v11, $0xE;
	v6 =	vld.idx.msk [tilespmem:v23+s15+$0x0], $0xffff;
	v21 =	vnsel vm2, $0x0, v21;
	v20 =	vmax.f32 v15, v14  }
.LBB2_45:
0x110: {  	v11 =	vadd.s32 s5, v2;
	s6 =	sadd.s32 $0x3, s5;
	v14 =	vld.idx.msk [tilespmem:v8+s3+$0x0], $0xffff;
	v8 =	vmax.f32 v20, v21;
	v15 =	vnsel vm0, $0x0, v18;
	v20 =	vmovc v16  }
0x111: {  	s7 =	sadd.s32 $0x2, s5;
	v21 =	vmov v17;
	v16 =	vadd.s32 s6, v2;
	v18 =	vld.idx.msk [tilespmem:v9+s3+$0x0], $0xffff;
	v15 =	vmax.f32 v8, v15  }
0x112: {  	s13 =	sadd.s32 $0x1, s5;
	v8 =	vadd.s32 s7, v2;
	v22 =	vmov v19;
	v12 =	vld.idx.msk [tilespmem:v12+s15+$0x0], $0xffff  }
0x113: {  	v9 =	vadd.s32 s13, v2;
	v23 =	vld.idx.msk [tilespmem:v7+s15+$0x0], $0xffff  }
0x114: {  	v24 =	vand.u32 $0x3FFF, v10;
	vm2 =	vgt.s32 v1, s2;
	s2 =	smov.u32 s16;
	v13 =	vld.idx.msk [tilespmem:v13+s15+$0x0], $0xffff  }
0x115: {  	v25 =	vshra.s32 v10, $0xE;
	s16 =	smov.u32 s5;
	vm0 =	vgt.s32 v1, s20;
	s20 =	smov.u32 s17;
	s5 =	sadd.s32 $0x4, s5;
	v10 =	vld.idx.msk [tilespmem:v11+s22+$0x0], $0xffff  }
0x116: {  	vm1 =	vgt.s32 v1, s31;
	s31 =	smov.u32 s18;
	s17 =	smov.u32 s6;
	p2 =	slt.s32 s5, s1;
	v11 =	vand.u32 $0x3FFF, v20;
	v16 =	vld.idx.msk [tilespmem:v16+s22+$0x0], $0xffff  }
.Ltmp17:
0x117: {  	vm3 =	vgt.s32 v1, s14;
	s14 =	smov.u32 s19;
	s18 =	smov.u32 s7;
	v6 =	vmul.f32 v6, v5;
	v17 =	vld.idx.msk [tilespmem:v8+s22+$0x0], $0xffff;
	v8 =	vand.u32 $0x3FFF, v21;
	(pc) =	sbr.rel @p2 .LBB2_45-.Ltmp17, $4  }
0x118: {  	s19 =	smov.u32 s13;
	v7 =	vshra.s32 v21, $0xE;
	v18 =	vmul.f32 v12, v18;
	v19 =	vld.idx.msk [tilespmem:v9+s22+$0x0], $0xffff;
	v9 =	vand.u32 $0x3FFF, v22  }
0x119: {  	v12 =	vshra.s32 v22, $0xE;
	v21 =	vnsel vm2, $0x0, v6;
	v14 =	vmul.f32 v23, v14;
	v5 =	vld.idx.msk [tilespmem:v24+s3+$0x0], $0xffff  }
0x11a: {  	v15 =	vmax.f32 v15, v21;
	v21 =	vnsel vm3, $0x0, v18;
	v18 =	vmul.f32 v13, v4;
	v6 =	vld.idx.msk [tilespmem:v25+s15+$0x0], $0xffff  }
0x11b: {  	v13 =	vshra.s32 v20, $0xE;
	v20 =	vmax.f32 v15, v21;
	v21 =	vnsel vm1, $0x0, v14;
	v4 =	vld.idx.msk [tilespmem:v11+s3+$0x0], $0xffff  }
0x11c: {  	s13 =	smov.u32 s2;
	s6 =	smov.u32 s31  }
0x11d: {  	s5 =	smov.u32 s20;
	s7 =	smov.u32 s14;
	s2 =	smov.u32 s16  }
0x11e: {  	v11 =	vmovc v16;
	v14 =	vmov v17;
	v16 =	vmov v10;
	s20 =	smov.u32 s17;
	s31 =	smov.u32 s18;
	s14 =	smov.u32 s19;
	v15 =	vmov v19  }
.LBB2_47:
0x11f: {  	_ =	sdelay $0x3  }
0x120: {  	v8 =	vld.idx.msk @p0 [tilespmem:v8+s3+$0x0], $0xffff;
	v10 =	vand.u32 $0x3FFF, v16  }
0x121: {  	v9 =	vld.idx.msk @p0 [tilespmem:v9+s3+$0x0], $0xffff;
	v54 =	vshra.s32 v16, $0xE  }
0x122: {  	v12 =	vld.idx.msk @p0 [tilespmem:v12+s15+$0x0], $0xffff;
	v17 =	vand.u32 $0x3FFF, v11  }
0x123: {  	v7 =	vld.idx.msk @p0 [tilespmem:v7+s15+$0x0], $0xffff;
	v19 =	vand.u32 $0x3FFF, v14  }
0x124: {  	v13 =	vld.idx.msk @p0 [tilespmem:v13+s15+$0x0], $0xffff;
	v22 =	vand.u32 $0x3FFF, v15  }
0x125: {  	v20 =	vmax.f32 @p1 v20, v21;
	v18 =	vnsel @p1 vm0, $0x0, v18;
	v55 =	vshra.s32 v15, $0xE;
	v10 =	vld.idx.msk [tilespmem:v10+s3+$0x0], $0xffff  }
0x126: {  	v5 =	vmul.f32 @p0 v6, v5;
	v56 =	vshra.s32 v14, $0xE;
	vm0 =	vgt.s32 @p0 v1, s13;
	v57 =	vld.idx.msk [tilespmem:v54+s15+$0x0], $0xffff  }
0x127: {  	v58 =	vshra.s32 v11, $0xE;
	vm1 =	vgt.s32 @p0 v1, s7;
	v18 =	vmax.f32 @p1 v20, v18;
	v59 =	vld.idx.msk [tilespmem:v17+s3+$0x0], $0xffff  }
0x128: {  	v5 =	vnsel @p0 vm0, $0x0, v5;
	v16 =	vpsel p1, v18, v3;
	v9 =	vmul.f32 @p0 v12, v9;
	v60 =	vld.idx.msk [tilespmem:v19+s3+$0x0], $0xffff  }
0x129: {  	vm0 =	vgt.s32 @p0 v1, s6;
	v7 =	vmul.f32 @p0 v7, v8;
	v61 =	vld.idx.msk [tilespmem:v22+s3+$0x0], $0xffff;
	v4 =	vmul.f32 @p0 v13, v4  }
0x12a: {  	v5 =	vmax.f32 @p0 v16, v5;
	v62 =	vld.idx.msk [tilespmem:v55+s15+$0x0], $0xffff;
	v8 =	vnsel @p0 vm1, $0x0, v9;
	vm1 =	vgt.s32 @p0 v1, s5  }
0x12b: {  	v6 =	vld.idx.msk [tilespmem:v56+s15+$0x0], $0xffff;
	v7 =	vnsel @p0 vm0, $0x0, v7;
	v4 =	vpsel p0, v4, v0;
	v5 =	vmax.f32 @p0 v5, v8  }
0x12c: {  	v11 =	vld.idx.msk [tilespmem:v58+s15+$0x0], $0xffff;
	v7 =	vpsel p0, v7, v0;
	vm0 =	vmmov @p0 vm1;
	v5 =	vpsel p0, v5, v0  }
0x12d: {  	v4 =	vnsel @p0 vm0, $0x0, v4;
	v5 =	vmax.f32 @p0 v5, v7  }
0x12e: {  	vm13 =	vgt.s32 v1, s2;
	v4 =	vmax.f32 @p0 v5, v4;
	v5 =	vmul.f32 v57, v10  }
0x12f: {  	vm14 =	vgt.s32 v1, s31;
	vm2 =	vgt.s32 v1, s14;
	v63 =	vmul.f32 v62, v61  }
.Ltmp18:
0x130: {  	v6 =	vmul.f32 v6, v60;
	v3 =	vpsel p0, v4, v3;
	v5 =	vnsel vm13, $0x0, v5;
	(pc) =	sbr.rel .LBB2_8-.Ltmp18, $4  }
0x131: {  	v4 =	vnsel vm2, $0x0, v63;
	v3 =	vmax.f32 v3, v5;
	v5 =	vmul.f32 v11, v59  }
0x132: {  	vm15 =	vgt.s32 v1, s20;
	v3 =	vmax.f32 v3, v4;
	v4 =	vnsel vm14, $0x0, v6  }
0x133: {  	v3 =	vmax.f32 v3, v4;
	v4 =	vnsel vm15, $0x0, v5  }
0x134: {  	v3 =	vmax.f32 v3, v4  }
.LBB2_7:
0x135: {  	v3 =	vimm.f32 $0.0e+00  }
.LBB2_8:
0x136: {  	p0 =	sge.s32 s1, s0  }
.Ltmp19:
0x137: {  	_ = 	snop;
	(pc) =	sbr.rel @p0 .LBB2_11-.Ltmp19, $1  }
0x138: {  	_ =	sdelay $0x3  }
0x139: {  	s1 =	ssub.s32 s0, s1  }
0x13a: {  	s1 =	ssub.s32 $0x0, s1  }
.LBB2_10:
0x13b: {  	s2 =	sadd.s32 s1, s0  }
0x13c: {  	v4 =	vadd.s32 s2, v2;
	_ =	sdelay $0x4  }
0x13d: {  	v4 =	vld.idx.msk [tilespmem:v4+s22+$0x0], $0xffff;
	_ =	sdelay $0x4  }
0x13e: {  	v5 =	vand.u32 $0x3FFF, v4  }
0x13f: {  	v4 =	vshra.s32 v4, $0xE;
	_ =	sdelay $0x3  }
0x140: {  	v5 =	vld.idx.msk [tilespmem:v5+s3+$0x0], $0xffff  }
0x141: {  	v4 =	vld.idx.msk [tilespmem:v4+s15+$0x0], $0xffff;
	_ =	sdelay $0x1  }
0x142: {  	s1 =	sadd.s32 $0x1, s1  }
0x143: {  	p0 =	seq.s32 s1, $0x0  }
.Ltmp20:
0x144: {  	_ = 	snop;
	(pc) =	sbr.rel @!p0 .LBB2_10-.Ltmp20, $4  }
0x145: {  	v4 =	vmul.f32 v4, v5  }
0x146: {  	vm0 =	vgt.s32 v1, s2  }
0x147: {  	v4 =	vnsel vm0, $0x0, v4  }
0x148: {  	v3 =	vmax.f32 v3, v4  }
.LBB2_11:
0x149: {  	_ =	sdelay $0x3  }
0x14a: {  	[tilespmem:v0+s25+$0x0] =	vst.idx.msk $0xffff, v3  }
0x14b: {  	v0 =	vld [tilespmem:s30+$0xA182];
	_ =	sdelay $0x4  }
0x14c: {  	(v2sf) =	vpush v0, $0x0;
	_ =	sdelay $0xe  }
0x14d: {  	s0 =	spop (v2sf)  }
0x14e: {  	s1 =	sor.u32 $0x1, s30;
	s0 =	sshrl.u32 s0, $0x3  }
0x14f: {  	s31 =	smul.u32 $0x64, s1;
	s2 =	sadd.s32 s4, s0;
	s0 =	simm.s32 $0x0  }
0x150: {  	[tilespmem:s22], [sflag:$0x1] =	stream.linear.gather [hbm4b:s2+s0], $0x5630, $0x38;
	[tilespmem:$0x17680] =	vst v63  }
.Ltmp21:
0x151: {  	_ = 	snop;
	(pc) =	sbr.rel .LBB2_12-.Ltmp21, $4  }
0x152: {  	_ =	swait.ge [sflag:s21], $0x5630  }
0x153: {  	s1 =	smul.u32 $0x190, s1;
	s16 =	sshra.s32 s31, $0x2;
	[sflag:s21] =	ssyncset.done $0x0  }
0x154: {  	s2 =	sadd.s32 $0x9E80, s16;
	[sflag:s21] =	ssyncadd.s32 $0xFFFFA9D0  }
0x155: {  	v1 =	vmov s1;
	v2 =	vmov s2;
	v0 =	vld.msk [tilespmem:s30+$0xA181 ss:$0x0], $0xffff;
	s30 =	sand.u32 $0x70, s1  }
.LBB2_13:
0x156: {  	v17 =	vimm.f32 $0.0e+00;
	v19 =	vimm.f32 $0.0e+00  }
0x157: {  	v14 =	vimm.f32 $0.0e+00;
	v13 =	vimm.f32 $0.0e+00;
	v15 =	vimm.f32 $0.0e+00  }
0x158: {  	v16 =	vimm.f32 $0.0e+00;
	v11 =	vimm.f32 $0.0e+00;
	v12 =	vimm.f32 $0.0e+00  }
.LBB2_14:
0x159: {  	_ =	sdelay $0x3  }
0x15a: {  	[tilespmem:v3+s25+$0x0] =	vst.idx.msk $0xffff, v17  }
0x15b: {  	s0 =	sadd.s32 $0x1, s0;
	[tilespmem:v4+s25+$0x0] =	vst.idx.msk $0xffff, v19  }
0x15c: {  	p0 =	seq.s32 s0, $0x3;
	[tilespmem:v5+s25+$0x0] =	vst.idx.msk $0xffff, v14  }
.Ltmp22:
0x15d: {  	[tilespmem:v6+s25+$0x0] =	vst.idx.msk $0xffff, v13;
	(pc) =	sbr.rel @p0 .LBB2_15-.Ltmp22, $4  }
0x15e: {  	[tilespmem:v7+s25+$0x0] =	vst.idx.msk $0xffff, v15  }
0x15f: {  	[tilespmem:v8+s25+$0x0] =	vst.idx.msk $0xffff, v16  }
0x160: {  	[tilespmem:v9+s25+$0x0] =	vst.idx.msk $0xffff, v11  }
0x161: {  	[tilespmem:v10+s25+$0x0] =	vst.idx.msk $0xffff, v12  }
.LBB2_12:
0x162: {  	_ =	sdelay $0x1  }
0x163: {  	s6 =	sshll.u32 s0, $0x3  }
0x164: {  	s6 =	sand.u32 $0x3FFFFFF8, s6  }
0x165: {  	v3 =	vld.idx.msk [tilespmem:v2+s6+$0x7 ss:$0x1], $0xffff;
	_ =	sdelay $0x1  }
0x166: {  	s2 =	sshll.u32 s0, $0x7  }
0x167: {  	v21 =	vld.idx.msk [tilespmem:v1+s2+$0x2810 ss:$0x1], $0xffff  }
0x168: {  	v22 =	vld.idx.msk [tilespmem:v1+s2+$0x2820 ss:$0x1], $0xffff  }
0x169: {  	v23 =	vld.idx.msk [tilespmem:v1+s2+$0x2830 ss:$0x1], $0xffff;
	(v2sf) =	vpush v3, $0x0  }
0x16a: {  	v24 =	vld.idx.msk [tilespmem:v1+s2+$0x2840 ss:$0x1], $0xffff  }
0x16b: {  	v25 =	vld.idx.msk [tilespmem:v1+s2+$0x2850 ss:$0x1], $0xffff  }
0x16c: {  	v26 =	vld.idx.msk [tilespmem:v1+s2+$0x2860 ss:$0x1], $0xffff  }
0x16d: {  	v27 =	vld.idx.msk [tilespmem:v1+s2+$0x2870 ss:$0x1], $0xffff  }
0x16e: {  	v17 =	vld.idx.msk [tilespmem:v1+s2+$0x4F90 ss:$0x1], $0xffff  }
0x16f: {  	v15 =	vld.idx.msk [tilespmem:v1+s2+$0x4FA0 ss:$0x1], $0xffff  }
0x170: {  	v11 =	vld.idx.msk [tilespmem:v1+s2+$0x4FB0 ss:$0x1], $0xffff  }
0x171: {  	v16 =	vld.idx.msk [tilespmem:v1+s2+$0x4FC0 ss:$0x1], $0xffff  }
0x172: {  	v14 =	vld.idx.msk [tilespmem:v1+s2+$0x4FD0 ss:$0x1], $0xffff  }
0x173: {  	v13 =	vld.idx.msk [tilespmem:v1+s2+$0x4FE0 ss:$0x1], $0xffff  }
0x174: {  	v12 =	vld.idx.msk [tilespmem:v1+s2+$0x4FF0 ss:$0x1], $0xffff  }
0x175: {  	v4 =	vld.idx.msk [tilespmem:v1+s2+$0x7710 ss:$0x1], $0xffff  }
0x176: {  	v5 =	vld.idx.msk [tilespmem:v1+s2+$0x7720 ss:$0x1], $0xffff  }
0x177: {  	s5 =	sadd.s32 s1, s2;
	v6 =	vld.idx.msk [tilespmem:v1+s2+$0x7730 ss:$0x1], $0xffff  }
0x178: {  	v7 =	vld.idx.msk [tilespmem:v1+s2+$0x7740 ss:$0x1], $0xffff;
	s5 =	sand.u32 $0x7F80, s5;
	s17 =	spop (v2sf)  }
0x179: {  	v8 =	vld.idx.msk [tilespmem:v1+s2+$0x7750 ss:$0x1], $0xffff;
	s5 =	sor.u32 s30, s5;
	p0 =	slt.s32 s17, $0x1  }
.Ltmp23:
0x17a: {  	v19 =	vld [tilespmem:s5+$0x4F80];
	(pc) =	sbr.rel @p0 .LBB2_13-.Ltmp23, $4  }
0x17b: {  	v3 =	vld [tilespmem:s5+$0x7700]  }
0x17c: {  	v9 =	vld.idx.msk [tilespmem:v1+s2+$0x7760 ss:$0x1], $0xffff  }
0x17d: {  	v10 =	vld.idx.msk [tilespmem:v1+s2+$0x7770 ss:$0x1], $0xffff  }
0x17e: {  	v18 =	vld [tilespmem:s5+$0x2800]  }
0x17f: {  	_ = 	snop  }
0x180: {  	v23 =	vsub.s32 v23, v0;
	s19 =	simm.s32 $0x0  }
0x181: {  	v22 =	vsub.s32 v22, v0;
	v30 =	vadd.s32 s19, v23  }
0x182: {  	v25 =	vsub.s32 v25, v0;
	v29 =	vadd.s32 s19, v22  }
0x183: {  	v33 =	vadd.s32 s19, v25;
	v20 =	vsub.s32 v18, v0  }
0x184: {  	v28 =	vadd.s32 s19, v20;
	_ =	sdelay $0x1  }
0x185: {  	v24 =	vsub.s32 v24, v0;
	v51 =	vld.idx.msk [tilespmem:v30+s23+$0x0], $0xffff  }
0x186: {  	v21 =	vsub.s32 v21, v0;
	v31 =	vadd.s32 s19, v24;
	v29 =	vld.idx.msk [tilespmem:v29+s23+$0x0], $0xffff  }
0x187: {  	v26 =	vsub.s32 v26, v0;
	v32 =	vadd.s32 s19, v21;
	v33 =	vld.idx.msk [tilespmem:v33+s23+$0x0], $0xffff  }
0x188: {  	v27 =	vsub.s32 v27, v0;
	v34 =	vadd.s32 s19, v26;
	v28 =	vld.idx.msk [tilespmem:v28+s23+$0x0], $0xffff  }
0x189: {  	v30 =	vadd.s32 s19, v27  }
0x18a: {  	v38 =	vshra.s32 v51, $0xE  }
0x18b: {  	v31 =	vld.idx.msk [tilespmem:v31+s23+$0x0], $0xffff;
	v37 =	vand.u32 $0x3FFF, v29;
	v29 =	vshra.s32 v29, $0xE  }
0x18c: {  	v32 =	vld.idx.msk [tilespmem:v32+s23+$0x0], $0xffff;
	v63 =	vand.u32 $0x3FFF, v33  }
0x18d: {  	v34 =	vld.idx.msk [tilespmem:v34+s23+$0x0], $0xffff;
	v35 =	vand.u32 $0x3FFF, v28  }
0x18e: {  	v36 =	vshra.s32 v28, $0xE;
	v28 =	vld.idx.msk [tilespmem:v30+s23+$0x0], $0xffff  }
0x18f: {  	v41 =	vld.idx.msk [tilespmem:v38+s15+$0x0], $0xffff  }
0x190: {  	v30 =	vand.u32 $0x3FFF, v31;
	v44 =	vld.idx.msk [tilespmem:v29+s15+$0x0], $0xffff  }
0x191: {  	p1 =	seq.s32 s17, $0x1;
	v31 =	vshra.s32 v31, $0xE;
	v38 =	vld.idx.msk [tilespmem:v63+s3+$0x0], $0xffff  }
.Ltmp24:
0x192: {  	v42 =	vld.idx.msk [tilespmem:v35+s3+$0x0], $0xffff;
	(pc) =	sbr.rel @p1 .LBB2_49-.Ltmp24, $4  }
0x193: {  	v45 =	vld.idx.msk [tilespmem:v36+s15+$0x0], $0xffff  }
0x194: {  	v36 =	vld.idx.msk [tilespmem:v37+s3+$0x0], $0xffff  }
0x195: {  	v18 =	vimm.f32 $0.0e+00;
	v50 =	vand.u32 $0x3FFF, v32;
	v48 =	vshra.s32 v33, $0xE;
	v40 =	vld.idx.msk [tilespmem:v30+s3+$0x0], $0xffff  }
0x196: {  	s18 =	simm.s32 $0x1;
	p0 =	por $0x0, $0x0;
	v46 =	vshra.s32 v32, $0xE;
	v47 =	vand.u32 $0x3FFF, v34;
	v49 =	vshra.s32 v34, $0xE;
	v43 =	vld.idx.msk [tilespmem:v31+s15+$0x0], $0xffff  }
0x197: {  	_ =	sdelay $0x3  }
0x198: {  	v29 =	vadd.s32 s18, v20;
	v32 =	vld.idx.msk [tilespmem:v50+s3+$0x0], $0xffff  }
0x199: {  	v30 =	vadd.s32 s18, v21;
	v33 =	vld.idx.msk [tilespmem:v48+s15+$0x0], $0xffff  }
0x19a: {  	v31 =	vadd.s32 s18, v22;
	v34 =	vld.idx.msk [tilespmem:v46+s15+$0x0], $0xffff  }
0x19b: {  	v35 =	vadd.s32 s18, v23;
	v39 =	vld.idx.msk [tilespmem:v47+s3+$0x0], $0xffff  }
0x19c: {  	v63 =	vadd.s32 s18, v24;
	v47 =	vld.idx.msk [tilespmem:v49+s15+$0x0], $0xffff  }
0x19d: {  	v57 =	vadd.s32 s18, v25;
	v56 =	vld.idx.msk [tilespmem:v29+s23+$0x0], $0xffff  }
0x19e: {  	v58 =	vand.u32 $0x3FFF, v28;
	v52 =	vld.idx.msk [tilespmem:v30+s23+$0x0], $0xffff  }
0x19f: {  	v59 =	vshra.s32 v28, $0xE;
	v50 =	vld.idx.msk [tilespmem:v31+s23+$0x0], $0xffff  }
0x1a0: {  	vm0 =	vgt.s32 v19, s19;
	vm11 =	vgt.s32 v17, s19;
	v60 =	vand.u32 $0x3FFF, v51;
	v37 =	vld.idx.msk [tilespmem:v35+s23+$0x0], $0xffff  }
0x1a1: {  	vm1 =	vgt.s32 v16, s19;
	v30 =	vadd.s32 s18, v26;
	v29 =	vmul.f32 v45, v42;
	v45 =	vld.idx.msk [tilespmem:v63+s23+$0x0], $0xffff  }
0x1a2: {  	vm2 =	vgt.s32 v15, s19;
	v28 =	vmul.f32 v43, v40;
	v31 =	vadd.s32 s18, v27;
	v43 =	vld.idx.msk [tilespmem:v57+s23+$0x0], $0xffff  }
0x1a3: {  	vm12 =	vgt.s32 v14, s19;
	vm13 =	vgt.s32 v13, s19;
	v35 =	vld.idx.msk [tilespmem:v58+s3+$0x0], $0xffff;
	v61 =	vand.u32 $0x3FFF, v56  }
0x1a4: {  	vm14 =	vgt.s32 v12, s19;
	vm15 =	vgt.s32 v11, s19;
	v53 =	vld.idx.msk [tilespmem:v59+s15+$0x0], $0xffff;
	v62 =	vshra.s32 v56, $0xE  }
0x1a5: {  	v36 =	vmul.f32 v44, v36;
	v33 =	vmul.f32 v33, v38;
	v54 =	vld.idx.msk [tilespmem:v60+s3+$0x0], $0xffff;
	v63 =	vand.u32 $0x3FFF, v50  }
0x1a6: {  	v32 =	vmul.f32 v34, v32;
	v59 =	vmul.f32 v47, v39;
	v49 =	vld.idx.msk [tilespmem:v30+s23+$0x0], $0xffff;
	v57 =	vshra.s32 v37, $0xE  }
0x1a7: {  	v39 =	vimm.f32 $0.0e+00;
	v30 =	vnsel vm1, $0x0, v28;
	v28 =	vld.idx.msk [tilespmem:v31+s23+$0x0], $0xffff;
	v58 =	vand.u32 $0x3FFF, v45  }
0x1a8: {  	v29 =	vnsel vm0, $0x0, v29;
	v33 =	vnsel vm12, $0x0, v33;
	v60 =	vshra.s32 v45, $0xE;
	v42 =	vld.idx.msk [tilespmem:v61+s3+$0x0], $0xffff  }
0x1a9: {  	v32 =	vnsel vm11, $0x0, v32;
	v29 =	vmax.f32 v18, v29;
	v55 =	vand.u32 $0x3FFF, v43;
	v45 =	vld.idx.msk [tilespmem:v62+s15+$0x0], $0xffff  }
0x1aa: {  	p1 =	seq.s32 s17, $0x2;
	v33 =	vmax.f32 v18, v33;
	v31 =	vnsel vm2, $0x0, v36;
	v61 =	vshra.s32 v50, $0xE;
	v36 =	vld.idx.msk [tilespmem:v63+s3+$0x0], $0xffff  }
.Ltmp25:
0x1ab: {  	v34 =	vmax.f32 v18, v32;
	v35 =	vmul.f32 v53, v35;
	v50 =	vand.u32 $0x3FFF, v52;
	v51 =	vld.idx.msk [tilespmem:v57+s15+$0x0], $0xffff;
	(pc) =	sbr.rel @p1 .LBB2_51-.Ltmp25, $4  }
0x1ac: {  	v48 =	vshra.s32 v43, $0xE;
	v46 =	vshra.s32 v52, $0xE;
	v30 =	vmax.f32 v18, v30;
	v40 =	vld.idx.msk [tilespmem:v58+s3+$0x0], $0xffff  }
0x1ad: {  	v31 =	vmax.f32 v18, v31;
	v35 =	vnsel vm14, $0x0, v35;
	v43 =	vld.idx.msk [tilespmem:v60+s15+$0x0], $0xffff;
	v63 =	vmul.f32 v41, v54  }
0x1ae: {  	v35 =	vmax.f32 v18, v35;
	v62 =	vnsel vm13, $0x0, v59;
	v47 =	vand.u32 $0x3FFF, v49;
	v38 =	vld.idx.msk [tilespmem:v55+s3+$0x0], $0xffff  }
0x1af: {  	s2 =	simm.s32 $0x2;
	p0 =	por $0x1, $0x1;
	v49 =	vshra.s32 v49, $0xE;
	v32 =	vmax.f32 v18, v62;
	v52 =	vnsel vm15, $0x0, v63;
	v44 =	vld.idx.msk [tilespmem:v61+s15+$0x0], $0xffff  }
.LBB2_52:
0x1b0: {  	v41 =	vadd.s32 s2, v20;
	v42 =	vmul.f32 v45, v42;
	v45 =	vld.idx.msk [tilespmem:v50+s3+$0x0], $0xffff;
	v39 =	vmax.f32 v39, v52;
	s5 =	smov.u32 s2;
	s2 =	sadd.s32 $0x1, s2  }
0x1b1: {  	vm0 =	vgt.s32 v19, s18;
	v52 =	vmov v51;
	v50 =	vadd.s32 s5, v21;
	p1 =	seq.s32 s17, s2;
	v48 =	vld.idx.msk [tilespmem:v48+s15+$0x0], $0xffff  }
0x1b2: {  	v51 =	vadd.s32 s5, v22;
	v42 =	vnsel vm0, $0x0, v42;
	v46 =	vld.idx.msk [tilespmem:v46+s15+$0x0], $0xffff;
	vm0 =	vgt.s32 v17, s18  }
0x1b3: {  	v53 =	vadd.s32 s5, v23;
	v40 =	vmul.f32 v43, v40;
	v29 =	vmax.f32 v29, v42;
	v42 =	vld.idx.msk [tilespmem:v47+s3+$0x0], $0xffff  }
0x1b4: {  	vm1 =	vgt.s32 v16, s18;
	v43 =	vadd.s32 s5, v24;
	v36 =	vmul.f32 v44, v36;
	v44 =	vld.idx.msk [tilespmem:v49+s15+$0x0], $0xffff  }
0x1b5: {  	vm2 =	vgt.s32 v15, s18;
	v47 =	vadd.s32 s5, v25;
	v40 =	vnsel vm1, $0x0, v40;
	v41 =	vld.idx.msk [tilespmem:v41+s23+$0x0], $0xffff  }
0x1b6: {  	v36 =	vnsel vm2, $0x0, v36;
	v30 =	vmax.f32 v30, v40;
	v49 =	vld.idx.msk [tilespmem:v50+s23+$0x0], $0xffff;
	v50 =	vadd.s32 s5, v26  }
0x1b7: {  	v31 =	vmax.f32 v31, v36;
	v36 =	vmul.f32 v48, v38;
	v40 =	vld.idx.msk [tilespmem:v51+s23+$0x0], $0xffff;
	v51 =	vadd.s32 s5, v27  }
0x1b8: {  	vm1 =	vgt.s32 v14, s18;
	v45 =	vmul.f32 v46, v45;
	v46 =	vand.u32 $0x3FFF, v28;
	v38 =	vld.idx.msk [tilespmem:v53+s23+$0x0], $0xffff  }
0x1b9: {  	v48 =	vand.u32 $0x3FFF, v37;
	v37 =	vshra.s32 v28, $0xE;
	v36 =	vnsel vm1, $0x0, v36;
	v43 =	vld.idx.msk [tilespmem:v43+s23+$0x0], $0xffff  }
0x1ba: {  	v28 =	vnsel vm0, $0x0, v45;
	v33 =	vmax.f32 v33, v36;
	v36 =	vmul.f32 v44, v42;
	v47 =	vld.idx.msk [tilespmem:v47+s23+$0x0], $0xffff  }
0x1bb: {  	vm0 =	vgt.s32 v13, s18;
	v42 =	vand.u32 $0x3FFF, v41;
	v34 =	vmax.f32 v34, v28;
	v53 =	vld.idx.msk [tilespmem:v50+s23+$0x0], $0xffff  }
0x1bc: {  	v41 =	vshra.s32 v41, $0xE;
	v36 =	vnsel vm0, $0x0, v36;
	v28 =	vld.idx.msk [tilespmem:v51+s23+$0x0], $0xffff  }
0x1bd: {  	v44 =	vand.u32 $0x3FFF, v40;
	v32 =	vmax.f32 v32, v36;
	v46 =	vld.idx.msk [tilespmem:v46+s3+$0x0], $0xffff  }
0x1be: {  	v51 =	vshra.s32 v38, $0xE;
	v54 =	vld.idx.msk [tilespmem:v37+s15+$0x0], $0xffff;
	v37 =	vmov v38  }
0x1bf: {  	v38 =	vand.u32 $0x3FFF, v43;
	v55 =	vld.idx.msk [tilespmem:v48+s3+$0x0], $0xffff  }
0x1c0: {  	v43 =	vshra.s32 v43, $0xE;
	v42 =	vld.idx.msk [tilespmem:v42+s3+$0x0], $0xffff  }
0x1c1: {  	v45 =	vld.idx.msk [tilespmem:v41+s15+$0x0], $0xffff;
	v41 =	vshra.s32 v40, $0xE  }
0x1c2: {  	v56 =	vand.u32 $0x3FFF, v47;
	v36 =	vld.idx.msk [tilespmem:v44+s3+$0x0], $0xffff  }
.Ltmp26:
0x1c3: {  	v50 =	vand.u32 $0x3FFF, v49;
	v51 =	vld.idx.msk [tilespmem:v51+s15+$0x0], $0xffff;
	(pc) =	sbr.rel @!p1 .LBB2_52-.Ltmp26, $4  }
0x1c4: {  	v48 =	vshra.s32 v47, $0xE;
	v40 =	vld.idx.msk [tilespmem:v38+s3+$0x0], $0xffff;
	v38 =	vmul.f32 v54, v46  }
0x1c5: {  	vm0 =	vgt.s32 v12, s18;
	v46 =	vshra.s32 v49, $0xE;
	v52 =	vmul.f32 v52, v55;
	v43 =	vld.idx.msk [tilespmem:v43+s15+$0x0], $0xffff  }
0x1c6: {  	vm1 =	vgt.s32 v11, s18;
	s18 =	smov.u32 s5;
	v47 =	vand.u32 $0x3FFF, v53;
	v44 =	vld.idx.msk [tilespmem:v41+s15+$0x0], $0xffff;
	v41 =	vnsel vm0, $0x0, v38  }
0x1c7: {  	v49 =	vshra.s32 v53, $0xE;
	v52 =	vnsel vm1, $0x0, v52;
	v38 =	vld.idx.msk [tilespmem:v56+s3+$0x0], $0xffff;
	v35 =	vmax.f32 v35, v41  }
0x1c8: {  	s19 =	smov.u32 s18;
	v41 =	vmov v51;
	v51 =	vmov v37  }
.LBB2_54:
0x1c9: {  	_ =	sdelay $0x3  }
0x1ca: {  	v20 =	vld.idx.msk [tilespmem:v50+s3+$0x0], $0xffff;
	v21 =	vand.u32 $0x3FFF, v28  }
0x1cb: {  	v22 =	vld.idx.msk [tilespmem:v48+s15+$0x0], $0xffff;
	v23 =	vshra.s32 v28, $0xE  }
0x1cc: {  	v24 =	vld.idx.msk [tilespmem:v46+s15+$0x0], $0xffff;
	v25 =	vand.u32 $0x3FFF, v51  }
0x1cd: {  	v27 =	vld.idx.msk [tilespmem:v47+s3+$0x0], $0xffff  }
0x1ce: {  	vm0 =	vgt.s32 v19, s19;
	v19 =	vld.idx.msk [tilespmem:v49+s15+$0x0], $0xffff  }
0x1cf: {  	v26 =	vmul.f32 v45, v42;
	v28 =	vmax.f32 @p0 v39, v52;
	vm11 =	vgt.s32 v17, s19;
	v21 =	vld.idx.msk [tilespmem:v21+s3+$0x0], $0xffff  }
0x1d0: {  	vm1 =	vgt.s32 v16, s19;
	vm2 =	vgt.s32 v15, s19;
	vm12 =	vgt.s32 v14, s19;
	v23 =	vld.idx.msk [tilespmem:v23+s15+$0x0], $0xffff  }
0x1d1: {  	vm13 =	vgt.s32 v13, s19;
	vm14 =	vgt.s32 v12, s19;
	v59 =	vmul.f32 v43, v40;
	v25 =	vld.idx.msk [tilespmem:v25+s3+$0x0], $0xffff  }
0x1d2: {  	vm15 =	vgt.s32 v11, s19;
	v18 =	vpsel p0, v28, v18;
	v60 =	vmul.f32 v44, v36  }
0x1d3: {  	v26 =	vnsel vm0, $0x0, v26;
	v15 =	vnsel vm1, $0x0, v59;
	v20 =	vmul.f32 v24, v20  }
0x1d4: {  	v17 =	vmax.f32 v29, v26;
	v61 =	vnsel vm2, $0x0, v60;
	v15 =	vmax.f32 v30, v15  }
.Ltmp27:
0x1d5: {  	v16 =	vmul.f32 v22, v38;
	v62 =	vmul.f32 v19, v27;
	v20 =	vnsel vm11, $0x0, v20;
	(pc) =	sbr.rel .LBB2_14-.Ltmp27, $4  }
0x1d6: {  	v19 =	vmax.f32 v34, v20;
	v13 =	vmul.f32 v23, v21;
	v20 =	vmul.f32 v41, v25  }
0x1d7: {  	v14 =	vmax.f32 v31, v61;
	v16 =	vnsel vm12, $0x0, v16;
	v63 =	vnsel vm13, $0x0, v62  }
0x1d8: {  	v16 =	vmax.f32 v33, v16;
	v12 =	vnsel vm14, $0x0, v13;
	v13 =	vnsel vm15, $0x0, v20  }
0x1d9: {  	v11 =	vmax.f32 v32, v63;
	v12 =	vmax.f32 v35, v12;
	v13 =	vmax.f32 v18, v13  }
.LBB2_49:
.Ltmp28:
0x1da: {  	(pc) =	sbr.rel .LBB2_54-.Ltmp28, $4  }
0x1db: {  	_ = 	snop  }
0x1dc: {  	v39 =	vimm.f32 $0.0e+00;
	v29 =	vimm.f32 $0.0e+00  }
0x1dd: {  	v30 =	vimm.f32 $0.0e+00;
	v31 =	vimm.f32 $0.0e+00;
	v33 =	vimm.f32 $0.0e+00  }
0x1de: {  	v34 =	vimm.f32 $0.0e+00;
	v32 =	vimm.f32 $0.0e+00;
	v35 =	vimm.f32 $0.0e+00  }
.LBB2_51:
.Ltmp29:
0x1df: {  	(pc) =	sbr.rel .LBB2_54-.Ltmp29, $2  }
0x1e0: {  	_ =	sdelay $0x2  }
0x1e1: {  	v39 =	vimm.f32 $0.0e+00;
	s19 =	simm.s32 $0x1;
	v41 =	vmov v51;
	v51 =	vmov v37  }
.LBB2_15:
0x1e2: {  	v1 =	vld [tilespmem:s16+$0x9E98];
	_ =	sdelay $0x4  }
0x1e3: {  	(v2sf) =	vpush v1, $0x0;
	_ =	sdelay $0xd  }
0x1e4: {  	s0 =	sand.u32 $0x3F80, s1  }
0x1e5: {  	s2 =	sor.u32 s30, s0;
	s0 =	spop (v2sf)  }
0x1e6: {  	s31 =	sshra.s32 s0, $0x1F  }
0x1e7: {  	s1 =	sshrl.u32 s31, $0x1E  }
0x1e8: {  	s1 =	sadd.s32 s1, s0  }
0x1e9: {  	s1 =	sand.u32 $0xFFFFFFFC, s1  }
0x1ea: {  	v2 =	vld [tilespmem:s2+$0x2980];
	p0 =	slt.s32 s1, $0x1  }
.Ltmp30:
0x1eb: {  	_ = 	snop;
	(pc) =	sbr.rel @p0 .LBB2_16-.Ltmp30, $3  }
0x1ec: {  	_ =	sdelay $0x1  }
0x1ed: {  	v1 =	vld [tilespmem:s2+$0x5100]  }
0x1ee: {  	v2 =	vsub.s32 v2, v0;
	v0 =	vld [tilespmem:s2+$0x7880]  }
0x1ef: {  	s2 =	simm.s32 $0x0  }
0x1f0: {  	s20 =	simm.s32 $0x3;
	v4 =	vadd.s32 s2, v2  }
0x1f1: {  	s30 =	simm.s32 $0x2;
	v6 =	vadd.s32 s20, v2  }
0x1f2: {  	s14 =	simm.s32 $0x1;
	v7 =	vadd.s32 s30, v2  }
0x1f3: {  	p2 =	sgt.s32 s1, $0x4;
	v8 =	vadd.s32 s14, v2  }
.Ltmp31:
0x1f4: {  	_ = 	snop;
	(pc) =	sbr.rel @!p2 .LBB2_56-.Ltmp31, $4  }
0x1f5: {  	v5 =	vld.idx.msk [tilespmem:v4+s23+$0x0], $0xffff  }
0x1f6: {  	v4 =	vld.idx.msk [tilespmem:v6+s23+$0x0], $0xffff  }
0x1f7: {  	v7 =	vld.idx.msk [tilespmem:v7+s23+$0x0], $0xffff  }
0x1f8: {  	v3 =	vimm.f32 $0.0e+00;
	s16 =	simm.s32 $0x4;
	p0 =	por $0x0, $0x0;
	p1 =	por $0x0, $0x0;
	v10 =	vld.idx.msk [tilespmem:v8+s23+$0x0], $0xffff  }
0x1f9: {  	v6 =	vadd.s32 s16, v2;
	s17 =	simm.s32 $0x7  }
0x1fa: {  	s18 =	simm.s32 $0x6;
	v8 =	vadd.s32 s17, v2  }
0x1fb: {  	s19 =	simm.s32 $0x5;
	v9 =	vadd.s32 s18, v2  }
0x1fc: {  	v12 =	vadd.s32 s19, v2  }
0x1fd: {  	v13 =	vand.u32 $0x3FFF, v5  }
0x1fe: {  	v17 =	vand.u32 $0x3FFF, v4;
	v16 =	vld.idx.msk [tilespmem:v6+s23+$0x0], $0xffff  }
0x1ff: {  	p2 =	sgt.s32 s1, $0x8;
	v6 =	vshra.s32 v5, $0xE;
	v11 =	vld.idx.msk [tilespmem:v8+s23+$0x0], $0xffff  }
.Ltmp32:
0x200: {  	v14 =	vld.idx.msk [tilespmem:v9+s23+$0x0], $0xffff;
	(pc) =	sbr.rel @!p2 .LBB2_58-.Ltmp32, $4  }
0x201: {  	v15 =	vld.idx.msk [tilespmem:v12+s23+$0x0], $0xffff  }
0x202: {  	v5 =	vld.idx.msk [tilespmem:v13+s3+$0x0], $0xffff  }
0x203: {  	v8 =	vand.u32 $0x3FFF, v7;
	v13 =	vshra.s32 v4, $0xE;
	v4 =	vld.idx.msk [tilespmem:v17+s3+$0x0], $0xffff  }
0x204: {  	s13 =	simm.s32 $0x8;
	p0 =	por $0x1, $0x1;
	v9 =	vand.u32 $0x3FFF, v10;
	v7 =	vshra.s32 v7, $0xE;
	v12 =	vshra.s32 v10, $0xE;
	v6 =	vld.idx.msk [tilespmem:v6+s15+$0x0], $0xffff  }
0x205: {  	_ =	sdelay $0x3  }
0x206: {  	v10 =	vadd.s32 s13, v2;
	v18 =	vld.idx.msk [tilespmem:v8+s3+$0x0], $0xffff  }
0x207: {  	s5 =	simm.s32 $0xB;
	v20 =	vld.idx.msk [tilespmem:v9+s3+$0x0], $0xffff;
	v22 =	vand.u32 $0x3FFF, v16  }
0x208: {  	s6 =	simm.s32 $0xA;
	v12 =	vld.idx.msk [tilespmem:v12+s15+$0x0], $0xffff;
	v8 =	vadd.s32 s5, v2  }
0x209: {  	s7 =	simm.s32 $0x9;
	v21 =	vld.idx.msk [tilespmem:v7+s15+$0x0], $0xffff;
	v9 =	vadd.s32 s6, v2  }
0x20a: {  	v13 =	vld.idx.msk [tilespmem:v13+s15+$0x0], $0xffff;
	v19 =	vadd.s32 s7, v2  }
0x20b: {  	v23 =	vshra.s32 v16, $0xE;
	v24 =	vand.u32 $0x3FFF, v11;
	v10 =	vld.idx.msk [tilespmem:v10+s23+$0x0], $0xffff  }
0x20c: {  	vm1 =	vgt.s32 v1, s2;
	vm2 =	vgt.s32 v1, s30;
	p2 =	sgt.s32 s1, $0xC;
	v6 =	vmul.f32 v6, v5;
	v5 =	vld.idx.msk [tilespmem:v22+s3+$0x0], $0xffff  }
.Ltmp33:
0x20d: {  	vm0 =	vgt.s32 v1, s20;
	vm3 =	vgt.s32 v1, s14;
	v16 =	vld.idx.msk [tilespmem:v8+s23+$0x0], $0xffff;
	v8 =	vand.u32 $0x3FFF, v14;
	(pc) =	sbr.rel @!p2 .LBB2_60-.Ltmp33, $4  }
0x20e: {  	v7 =	vshra.s32 v14, $0xE;
	v17 =	vld.idx.msk [tilespmem:v9+s23+$0x0], $0xffff;
	v9 =	vand.u32 $0x3FFF, v15;
	v14 =	vmul.f32 v12, v20  }
0x20f: {  	v21 =	vmul.f32 v21, v18;
	v19 =	vld.idx.msk [tilespmem:v19+s23+$0x0], $0xffff;
	v12 =	vshra.s32 v15, $0xE;
	v15 =	vnsel vm1, $0x0, v6  }
0x210: {  	v18 =	vmul.f32 v13, v4;
	v4 =	vld.idx.msk [tilespmem:v24+s3+$0x0], $0xffff;
	v15 =	vmax.f32 v3, v15;
	v14 =	vnsel vm3, $0x0, v14  }
0x211: {  	s2 =	simm.s32 $0xC;
	p1 =	por $0x1, $0x1;
	v13 =	vshra.s32 v11, $0xE;
	v6 =	vld.idx.msk [tilespmem:v23+s15+$0x0], $0xffff;
	v21 =	vnsel vm2, $0x0, v21;
	v20 =	vmax.f32 v15, v14  }
.LBB2_61:
0x212: {  	v11 =	vadd.s32 s2, v2;
	s14 =	sadd.s32 $0x3, s2;
	v14 =	vld.idx.msk [tilespmem:v8+s3+$0x0], $0xffff;
	v8 =	vmax.f32 v20, v21;
	v15 =	vnsel vm0, $0x0, v18;
	v20 =	vmovc v16  }
0x213: {  	s20 =	sadd.s32 $0x2, s2;
	v21 =	vmov v17;
	v16 =	vadd.s32 s14, v2;
	v18 =	vld.idx.msk [tilespmem:v9+s3+$0x0], $0xffff;
	v15 =	vmax.f32 v8, v15  }
0x214: {  	s30 =	sadd.s32 $0x1, s2;
	v8 =	vadd.s32 s20, v2;
	v22 =	vmov v19;
	v12 =	vld.idx.msk [tilespmem:v12+s15+$0x0], $0xffff  }
0x215: {  	v9 =	vadd.s32 s30, v2;
	v23 =	vld.idx.msk [tilespmem:v7+s15+$0x0], $0xffff  }
0x216: {  	v24 =	vand.u32 $0x3FFF, v10;
	vm2 =	vgt.s32 v1, s16;
	s16 =	smov.u32 s13;
	v13 =	vld.idx.msk [tilespmem:v13+s15+$0x0], $0xffff  }
0x217: {  	v25 =	vshra.s32 v10, $0xE;
	s13 =	smov.u32 s2;
	vm0 =	vgt.s32 v1, s17;
	s17 =	smov.u32 s5;
	s2 =	sadd.s32 $0x4, s2;
	v10 =	vld.idx.msk [tilespmem:v11+s23+$0x0], $0xffff  }
0x218: {  	vm1 =	vgt.s32 v1, s18;
	s18 =	smov.u32 s6;
	s5 =	smov.u32 s14;
	p2 =	slt.s32 s2, s1;
	v11 =	vand.u32 $0x3FFF, v20;
	v16 =	vld.idx.msk [tilespmem:v16+s23+$0x0], $0xffff  }
.Ltmp34:
0x219: {  	vm3 =	vgt.s32 v1, s19;
	s19 =	smov.u32 s7;
	s6 =	smov.u32 s20;
	v6 =	vmul.f32 v6, v5;
	v17 =	vld.idx.msk [tilespmem:v8+s23+$0x0], $0xffff;
	v8 =	vand.u32 $0x3FFF, v21;
	(pc) =	sbr.rel @p2 .LBB2_61-.Ltmp34, $4  }
0x21a: {  	s7 =	smov.u32 s30;
	v7 =	vshra.s32 v21, $0xE;
	v18 =	vmul.f32 v12, v18;
	v19 =	vld.idx.msk [tilespmem:v9+s23+$0x0], $0xffff;
	v9 =	vand.u32 $0x3FFF, v22  }
0x21b: {  	v12 =	vshra.s32 v22, $0xE;
	v21 =	vnsel vm2, $0x0, v6;
	v14 =	vmul.f32 v23, v14;
	v5 =	vld.idx.msk [tilespmem:v24+s3+$0x0], $0xffff  }
0x21c: {  	v15 =	vmax.f32 v15, v21;
	v21 =	vnsel vm3, $0x0, v18;
	v18 =	vmul.f32 v13, v4;
	v6 =	vld.idx.msk [tilespmem:v25+s15+$0x0], $0xffff  }
0x21d: {  	v13 =	vshra.s32 v20, $0xE;
	v20 =	vmax.f32 v15, v21;
	v21 =	vnsel vm1, $0x0, v14;
	v4 =	vld.idx.msk [tilespmem:v11+s3+$0x0], $0xffff  }
0x21e: {  	s2 =	smov.u32 s16;
	s30 =	smov.u32 s18  }
0x21f: {  	s20 =	smov.u32 s17;
	s14 =	smov.u32 s19;
	s16 =	smov.u32 s13  }
0x220: {  	v11 =	vmovc v16;
	v14 =	vmov v17;
	v16 =	vmov v10;
	s17 =	smov.u32 s5;
	s18 =	smov.u32 s6;
	s19 =	smov.u32 s7;
	v15 =	vmov v19  }
.LBB2_63:
0x221: {  	_ =	sdelay $0x3  }
0x222: {  	v8 =	vld.idx.msk @p0 [tilespmem:v8+s3+$0x0], $0xffff;
	v10 =	vand.u32 $0x3FFF, v16  }
0x223: {  	v9 =	vld.idx.msk @p0 [tilespmem:v9+s3+$0x0], $0xffff;
	v54 =	vshra.s32 v16, $0xE  }
0x224: {  	v12 =	vld.idx.msk @p0 [tilespmem:v12+s15+$0x0], $0xffff;
	v17 =	vand.u32 $0x3FFF, v11  }
0x225: {  	v7 =	vld.idx.msk @p0 [tilespmem:v7+s15+$0x0], $0xffff;
	v19 =	vand.u32 $0x3FFF, v14  }
0x226: {  	v13 =	vld.idx.msk @p0 [tilespmem:v13+s15+$0x0], $0xffff;
	v22 =	vand.u32 $0x3FFF, v15  }
0x227: {  	v20 =	vmax.f32 @p1 v20, v21;
	v18 =	vnsel @p1 vm0, $0x0, v18;
	v55 =	vshra.s32 v15, $0xE;
	v10 =	vld.idx.msk [tilespmem:v10+s3+$0x0], $0xffff  }
0x228: {  	v5 =	vmul.f32 @p0 v6, v5;
	v56 =	vshra.s32 v14, $0xE;
	vm0 =	vgt.s32 @p0 v1, s2;
	v57 =	vld.idx.msk [tilespmem:v54+s15+$0x0], $0xffff  }
0x229: {  	v58 =	vshra.s32 v11, $0xE;
	vm1 =	vgt.s32 @p0 v1, s14;
	v18 =	vmax.f32 @p1 v20, v18;
	v59 =	vld.idx.msk [tilespmem:v17+s3+$0x0], $0xffff  }
0x22a: {  	v5 =	vnsel @p0 vm0, $0x0, v5;
	v16 =	vpsel p1, v18, v3;
	v9 =	vmul.f32 @p0 v12, v9;
	v60 =	vld.idx.msk [tilespmem:v19+s3+$0x0], $0xffff  }
0x22b: {  	vm0 =	vgt.s32 @p0 v1, s30;
	v7 =	vmul.f32 @p0 v7, v8;
	v61 =	vld.idx.msk [tilespmem:v22+s3+$0x0], $0xffff;
	v4 =	vmul.f32 @p0 v13, v4  }
0x22c: {  	v5 =	vmax.f32 @p0 v16, v5;
	v62 =	vld.idx.msk [tilespmem:v55+s15+$0x0], $0xffff;
	v8 =	vnsel @p0 vm1, $0x0, v9;
	vm1 =	vgt.s32 @p0 v1, s20  }
0x22d: {  	v6 =	vld.idx.msk [tilespmem:v56+s15+$0x0], $0xffff;
	v7 =	vnsel @p0 vm0, $0x0, v7;
	v4 =	vpsel p0, v4, v0;
	v5 =	vmax.f32 @p0 v5, v8  }
0x22e: {  	v11 =	vld.idx.msk [tilespmem:v58+s15+$0x0], $0xffff;
	v7 =	vpsel p0, v7, v0;
	vm0 =	vmmov @p0 vm1;
	v5 =	vpsel p0, v5, v0  }
0x22f: {  	v4 =	vnsel @p0 vm0, $0x0, v4;
	v5 =	vmax.f32 @p0 v5, v7  }
0x230: {  	vm13 =	vgt.s32 v1, s16;
	v4 =	vmax.f32 @p0 v5, v4;
	v5 =	vmul.f32 v57, v10  }
0x231: {  	vm14 =	vgt.s32 v1, s18;
	vm2 =	vgt.s32 v1, s19;
	v63 =	vmul.f32 v62, v61  }
.Ltmp35:
0x232: {  	v6 =	vmul.f32 v6, v60;
	v3 =	vpsel p0, v4, v3;
	v5 =	vnsel vm13, $0x0, v5;
	(pc) =	sbr.rel .LBB2_17-.Ltmp35, $4  }
0x233: {  	v4 =	vnsel vm2, $0x0, v63;
	v3 =	vmax.f32 v3, v5;
	v5 =	vmul.f32 v11, v59  }
0x234: {  	vm15 =	vgt.s32 v1, s17;
	v3 =	vmax.f32 v3, v4;
	v4 =	vnsel vm14, $0x0, v6  }
0x235: {  	v3 =	vmax.f32 v3, v4;
	v4 =	vnsel vm15, $0x0, v5  }
0x236: {  	v3 =	vmax.f32 v3, v4  }
.LBB2_16:
0x237: {  	v3 =	vimm.f32 $0.0e+00  }
.LBB2_17:
0x238: {  	p0 =	sge.s32 s1, s0  }
.Ltmp36:
0x239: {  	_ = 	snop;
	(pc) =	sbr.rel @p0 .LBB2_20-.Ltmp36, $1  }
0x23a: {  	_ =	sdelay $0x3  }
0x23b: {  	s1 =	ssub.s32 s0, s1  }
0x23c: {  	s1 =	ssub.s32 $0x0, s1  }
.LBB2_19:
0x23d: {  	s2 =	sadd.s32 s1, s0  }
0x23e: {  	v4 =	vadd.s32 s2, v2;
	_ =	sdelay $0x4  }
0x23f: {  	v4 =	vld.idx.msk [tilespmem:v4+s23+$0x0], $0xffff;
	_ =	sdelay $0x4  }
0x240: {  	v5 =	vand.u32 $0x3FFF, v4  }
0x241: {  	v4 =	vshra.s32 v4, $0xE;
	_ =	sdelay $0x3  }
0x242: {  	v5 =	vld.idx.msk [tilespmem:v5+s3+$0x0], $0xffff  }
0x243: {  	v4 =	vld.idx.msk [tilespmem:v4+s15+$0x0], $0xffff;
	_ =	sdelay $0x1  }
0x244: {  	s1 =	sadd.s32 $0x1, s1  }
0x245: {  	p0 =	seq.s32 s1, $0x0  }
.Ltmp37:
0x246: {  	_ = 	snop;
	(pc) =	sbr.rel @!p0 .LBB2_19-.Ltmp37, $4  }
0x247: {  	v4 =	vmul.f32 v4, v5  }
0x248: {  	vm0 =	vgt.s32 v1, s2  }
0x249: {  	v4 =	vnsel vm0, $0x0, v4  }
0x24a: {  	v3 =	vmax.f32 v3, v4  }
.Ltmp38:
0x24b: {  	_ = 	snop;
	(pc) =	sbr.rel .LBB2_20-.Ltmp38, $1  }
0x24c: {  	_ =	sdelay $0x3  }
.LBB2_40:
.Ltmp39:
0x24d: {  	_ = 	snop;
	(pc) =	sbr.rel .LBB2_47-.Ltmp39, $3  }
0x24e: {  	_ =	sdelay $0x1  }
0x24f: {  	s2 =	simm.s32 $0x0  }
0x250: {  	s20 =	simm.s32 $0x3;
	s31 =	simm.s32 $0x2;
	s14 =	simm.s32 $0x1;
	v16 =	vmovc v5;
	v11 =	vmov v4;
	v14 =	vmov v7;
	v15 =	vmov v10  }
.LBB2_56:
.Ltmp40:
0x251: {  	_ = 	snop;
	(pc) =	sbr.rel .LBB2_63-.Ltmp40, $3  }
0x252: {  	_ =	sdelay $0x1  }
0x253: {  	s16 =	simm.s32 $0x0  }
0x254: {  	s17 =	simm.s32 $0x3;
	s18 =	simm.s32 $0x2;
	s19 =	simm.s32 $0x1;
	v16 =	vmovc v5;
	v11 =	vmov v4;
	v14 =	vmov v7;
	v15 =	vmov v10  }
.LBB2_42:
.Ltmp41:
0x255: {  	(pc) =	sbr.rel .LBB2_47-.Ltmp41, $2  }
0x256: {  	_ =	sdelay $0x2  }
0x257: {  	_ = 	snop  }
.LBB2_58:
.Ltmp42:
0x258: {  	(pc) =	sbr.rel .LBB2_63-.Ltmp42, $2  }
0x259: {  	_ =	sdelay $0x2  }
0x25a: {  	_ = 	snop  }
.LBB2_44:
.Ltmp43:
0x25b: {  	(pc) =	sbr.rel .LBB2_47-.Ltmp43, $4  }
0x25c: {  	_ = 	snop  }
0x25d: {  	s13 =	simm.s32 $0x4;
	s2 =	simm.s32 $0x8  }
0x25e: {  	s6 =	simm.s32 $0x6;
	s5 =	simm.s32 $0x7;
	s20 =	simm.s32 $0xB  }
0x25f: {  	v11 =	vmovc v16;
	v16 =	vmov v10;
	s31 =	simm.s32 $0xA;
	s7 =	simm.s32 $0x5;
	s14 =	simm.s32 $0x9;
	v14 =	vmov v17;
	v15 =	vmov v19  }
.LBB2_60:
.Ltmp44:
0x260: {  	(pc) =	sbr.rel .LBB2_63-.Ltmp44, $4  }
0x261: {  	_ = 	snop  }
0x262: {  	s2 =	simm.s32 $0x4;
	s16 =	simm.s32 $0x8  }
0x263: {  	s30 =	simm.s32 $0x6;
	s20 =	simm.s32 $0x7;
	s17 =	simm.s32 $0xB  }
0x264: {  	v11 =	vmovc v16;
	v16 =	vmov v10;
	s18 =	simm.s32 $0xA;
	s14 =	simm.s32 $0x5;
	s19 =	simm.s32 $0x9;
	v14 =	vmov v17;
	v15 =	vmov v19  }
.LBB2_21:
.Ltmp45:
0x265: {  	(pc) =	sbr.rel .LBB2_22-.Ltmp45, $4  }
0x266: {  	_ =	swait.ge [sflag:s24], $0x5630  }
0x267: {  	[sflag:s24] =	ssyncset.done $0x0  }
0x268: {  	[sflag:s24] =	ssyncadd.s32 $0xFFFFA9D0  }
0x269: {  	s0 =	simm.s32 $0x0;
	v0 =	vld.msk [tilespmem:$0xA198 ss:$0x0], $0xffff  }
.LBB2_23:
0x26a: {  	v15 =	vimm.f32 $0.0e+00;
	v17 =	vimm.f32 $0.0e+00  }
0x26b: {  	v12 =	vimm.f32 $0.0e+00;
	v11 =	vimm.f32 $0.0e+00;
	v13 =	vimm.f32 $0.0e+00  }
0x26c: {  	v14 =	vimm.f32 $0.0e+00;
	v9 =	vimm.f32 $0.0e+00;
	v10 =	vimm.f32 $0.0e+00  }
.LBB2_24:
0x26d: {  	_ =	sdelay $0x3  }
0x26e: {  	[tilespmem:v1+s25+$0x0] =	vst.idx.msk $0xffff, v15  }
0x26f: {  	s0 =	sadd.s32 $0x1, s0;
	[tilespmem:v2+s25+$0x0] =	vst.idx.msk $0xffff, v17  }
0x270: {  	p0 =	seq.s32 s0, $0x3;
	[tilespmem:v3+s25+$0x0] =	vst.idx.msk $0xffff, v12  }
.Ltmp46:
0x271: {  	[tilespmem:v4+s25+$0x0] =	vst.idx.msk $0xffff, v11;
	(pc) =	sbr.rel @p0 .LBB2_25-.Ltmp46, $4  }
0x272: {  	[tilespmem:v5+s25+$0x0] =	vst.idx.msk $0xffff, v13  }
0x273: {  	[tilespmem:v6+s25+$0x0] =	vst.idx.msk $0xffff, v14  }
0x274: {  	[tilespmem:v7+s25+$0x0] =	vst.idx.msk $0xffff, v9  }
0x275: {  	[tilespmem:v8+s25+$0x0] =	vst.idx.msk $0xffff, v10  }
.LBB2_22:
0x276: {  	s1 =	sshll.u32 s0, $0x3  }
0x277: {  	s1 =	sand.u32 $0x3FFFFFF8, s1  }
0x278: {  	v1 =	vld [tilespmem:s1+$0xA0DF];
	_ =	sdelay $0x1  }
0x279: {  	s2 =	sshll.u32 s0, $0x7  }
0x27a: {  	v16 =	vld [tilespmem:s2+$0x4D80]  }
0x27b: {  	v19 =	vld [tilespmem:s2+$0x4D90]  }
0x27c: {  	v20 =	vld [tilespmem:s2+$0x4DA0];
	(v2sf) =	vpush v1, $0x0  }
0x27d: {  	v21 =	vld [tilespmem:s2+$0x4DB0]  }
0x27e: {  	v22 =	vld [tilespmem:s2+$0x4DC0]  }
0x27f: {  	v23 =	vld [tilespmem:s2+$0x4DD0]  }
0x280: {  	v24 =	vld [tilespmem:s2+$0x4DE0]  }
0x281: {  	v25 =	vld [tilespmem:s2+$0x4DF0]  }
0x282: {  	v17 =	vld [tilespmem:s2+$0x7500]  }
0x283: {  	v15 =	vld [tilespmem:s2+$0x7510]  }
0x284: {  	v13 =	vld [tilespmem:s2+$0x7520]  }
0x285: {  	v9 =	vld [tilespmem:s2+$0x7530]  }
0x286: {  	v14 =	vld [tilespmem:s2+$0x7540]  }
0x287: {  	v12 =	vld [tilespmem:s2+$0x7550]  }
0x288: {  	v11 =	vld [tilespmem:s2+$0x7560]  }
0x289: {  	v10 =	vld [tilespmem:s2+$0x7570]  }
0x28a: {  	v2 =	vld [tilespmem:s2+$0x9C90]  }
0x28b: {  	v3 =	vld [tilespmem:s2+$0x9CA0];
	s1 =	spop (v2sf)  }
0x28c: {  	v4 =	vld [tilespmem:s2+$0x9CB0];
	p0 =	slt.s32 s1, $0x1  }
.Ltmp47:
0x28d: {  	v5 =	vld [tilespmem:s2+$0x9CC0];
	(pc) =	sbr.rel @p0 .LBB2_23-.Ltmp47, $4  }
0x28e: {  	v1 =	vld [tilespmem:s2+$0x9C80]  }
0x28f: {  	v6 =	vld [tilespmem:s2+$0x9CD0]  }
0x290: {  	v7 =	vld [tilespmem:s2+$0x9CE0]  }
0x291: {  	v8 =	vld [tilespmem:s2+$0x9CF0]  }
0x292: {  	v18 =	vsub.s32 v16, v0;
	s17 =	simm.s32 $0x0  }
0x293: {  	v26 =	vadd.s32 s17, v18  }
0x294: {  	v20 =	vsub.s32 v20, v0  }
0x295: {  	v21 =	vsub.s32 v21, v0;
	v27 =	vadd.s32 s17, v20  }
0x296: {  	v22 =	vsub.s32 v22, v0;
	v28 =	vadd.s32 s17, v21  }
0x297: {  	v29 =	vadd.s32 s17, v22  }
0x298: {  	v19 =	vsub.s32 v19, v0;
	v26 =	vld.idx.msk [tilespmem:v26+s22+$0x0], $0xffff  }
0x299: {  	v23 =	vsub.s32 v23, v0;
	v30 =	vadd.s32 s17, v19  }
0x29a: {  	v24 =	vsub.s32 v24, v0;
	v31 =	vadd.s32 s17, v23;
	v27 =	vld.idx.msk [tilespmem:v27+s22+$0x0], $0xffff  }
0x29b: {  	v25 =	vsub.s32 v25, v0;
	v32 =	vadd.s32 s17, v24;
	v49 =	vld.idx.msk [tilespmem:v28+s22+$0x0], $0xffff  }
0x29c: {  	v61 =	vadd.s32 s17, v25;
	v29 =	vld.idx.msk [tilespmem:v29+s22+$0x0], $0xffff  }
0x29d: {  	v33 =	vand.u32 $0x3FFF, v26  }
0x29e: {  	v30 =	vld.idx.msk [tilespmem:v30+s22+$0x0], $0xffff;
	v34 =	vshra.s32 v26, $0xE  }
0x29f: {  	v31 =	vld.idx.msk [tilespmem:v31+s22+$0x0], $0xffff;
	v35 =	vand.u32 $0x3FFF, v27  }
0x2a0: {  	v32 =	vld.idx.msk [tilespmem:v32+s22+$0x0], $0xffff;
	v36 =	vshra.s32 v49, $0xE  }
0x2a1: {  	v26 =	vld.idx.msk [tilespmem:v61+s22+$0x0], $0xffff;
	v62 =	vand.u32 $0x3FFF, v29  }
0x2a2: {  	v29 =	vshra.s32 v29, $0xE;
	v40 =	vld.idx.msk [tilespmem:v33+s3+$0x0], $0xffff  }
0x2a3: {  	v27 =	vshra.s32 v27, $0xE;
	v43 =	vld.idx.msk [tilespmem:v34+s15+$0x0], $0xffff  }
0x2a4: {  	p1 =	seq.s32 s1, $0x1;
	v63 =	vand.u32 $0x3FFF, v31;
	v34 =	vld.idx.msk [tilespmem:v35+s3+$0x0], $0xffff  }
.Ltmp48:
0x2a5: {  	v39 =	vld.idx.msk [tilespmem:v36+s15+$0x0], $0xffff;
	(pc) =	sbr.rel @p1 .LBB2_65-.Ltmp48, $4  }
0x2a6: {  	v38 =	vld.idx.msk [tilespmem:v62+s3+$0x0], $0xffff  }
0x2a7: {  	v41 =	vld.idx.msk [tilespmem:v29+s15+$0x0], $0xffff  }
0x2a8: {  	v16 =	vimm.f32 $0.0e+00;
	v48 =	vand.u32 $0x3FFF, v30;
	v46 =	vshra.s32 v31, $0xE;
	v42 =	vld.idx.msk [tilespmem:v27+s15+$0x0], $0xffff  }
0x2a9: {  	s16 =	simm.s32 $0x1;
	p0 =	por $0x0, $0x0;
	v44 =	vshra.s32 v30, $0xE;
	v45 =	vand.u32 $0x3FFF, v32;
	v47 =	vshra.s32 v32, $0xE;
	v36 =	vld.idx.msk [tilespmem:v63+s3+$0x0], $0xffff  }
0x2aa: {  	_ =	sdelay $0x3  }
0x2ab: {  	v27 =	vadd.s32 s16, v18;
	v30 =	vld.idx.msk [tilespmem:v48+s3+$0x0], $0xffff  }
0x2ac: {  	v28 =	vadd.s32 s16, v19;
	v31 =	vld.idx.msk [tilespmem:v46+s15+$0x0], $0xffff  }
0x2ad: {  	v29 =	vadd.s32 s16, v20;
	v32 =	vld.idx.msk [tilespmem:v44+s15+$0x0], $0xffff  }
0x2ae: {  	v33 =	vadd.s32 s16, v21;
	v37 =	vld.idx.msk [tilespmem:v45+s3+$0x0], $0xffff  }
0x2af: {  	v56 =	vadd.s32 s16, v22;
	v45 =	vld.idx.msk [tilespmem:v47+s15+$0x0], $0xffff  }
0x2b0: {  	v58 =	vadd.s32 s16, v23;
	v57 =	vld.idx.msk [tilespmem:v27+s22+$0x0], $0xffff  }
0x2b1: {  	v59 =	vand.u32 $0x3FFF, v26;
	v50 =	vld.idx.msk [tilespmem:v28+s22+$0x0], $0xffff  }
0x2b2: {  	v60 =	vshra.s32 v26, $0xE;
	v48 =	vld.idx.msk [tilespmem:v29+s22+$0x0], $0xffff  }
0x2b3: {  	vm0 =	vgt.s32 v17, s17;
	vm11 =	vgt.s32 v15, s17;
	v61 =	vand.u32 $0x3FFF, v49;
	v35 =	vld.idx.msk [tilespmem:v33+s22+$0x0], $0xffff  }
0x2b4: {  	vm1 =	vgt.s32 v14, s17;
	v28 =	vadd.s32 s16, v24;
	v27 =	vmul.f32 v43, v40;
	v43 =	vld.idx.msk [tilespmem:v56+s22+$0x0], $0xffff  }
0x2b5: {  	vm2 =	vgt.s32 v13, s17;
	v26 =	vmul.f32 v41, v38;
	v29 =	vadd.s32 s16, v25;
	v41 =	vld.idx.msk [tilespmem:v58+s22+$0x0], $0xffff  }
0x2b6: {  	vm12 =	vgt.s32 v12, s17;
	vm13 =	vgt.s32 v11, s17;
	v33 =	vld.idx.msk [tilespmem:v59+s3+$0x0], $0xffff;
	v62 =	vand.u32 $0x3FFF, v57  }
0x2b7: {  	vm14 =	vgt.s32 v10, s17;
	vm15 =	vgt.s32 v9, s17;
	v51 =	vld.idx.msk [tilespmem:v60+s15+$0x0], $0xffff;
	v63 =	vshra.s32 v57, $0xE  }
0x2b8: {  	v34 =	vmul.f32 v42, v34;
	v31 =	vmul.f32 v31, v36;
	v52 =	vld.idx.msk [tilespmem:v61+s3+$0x0], $0xffff;
	v56 =	vand.u32 $0x3FFF, v48  }
0x2b9: {  	v30 =	vmul.f32 v32, v30;
	v59 =	vmul.f32 v45, v37;
	v47 =	vld.idx.msk [tilespmem:v28+s22+$0x0], $0xffff;
	v57 =	vshra.s32 v35, $0xE  }
0x2ba: {  	v37 =	vimm.f32 $0.0e+00;
	v28 =	vnsel vm1, $0x0, v26;
	v26 =	vld.idx.msk [tilespmem:v29+s22+$0x0], $0xffff;
	v58 =	vand.u32 $0x3FFF, v43  }
0x2bb: {  	v27 =	vnsel vm0, $0x0, v27;
	v31 =	vnsel vm12, $0x0, v31;
	v60 =	vshra.s32 v43, $0xE;
	v40 =	vld.idx.msk [tilespmem:v62+s3+$0x0], $0xffff  }
0x2bc: {  	v30 =	vnsel vm11, $0x0, v30;
	v27 =	vmax.f32 v16, v27;
	v61 =	vshra.s32 v48, $0xE;
	v43 =	vld.idx.msk [tilespmem:v63+s15+$0x0], $0xffff  }
0x2bd: {  	p1 =	seq.s32 s1, $0x2;
	v31 =	vmax.f32 v16, v31;
	v29 =	vnsel vm2, $0x0, v34;
	v53 =	vand.u32 $0x3FFF, v41;
	v34 =	vld.idx.msk [tilespmem:v56+s3+$0x0], $0xffff  }
.Ltmp49:
0x2be: {  	v32 =	vmax.f32 v16, v30;
	v48 =	vand.u32 $0x3FFF, v50;
	v33 =	vmul.f32 v51, v33;
	v49 =	vld.idx.msk [tilespmem:v57+s15+$0x0], $0xffff;
	(pc) =	sbr.rel @p1 .LBB2_67-.Ltmp49, $4  }
0x2bf: {  	v46 =	vshra.s32 v41, $0xE;
	v44 =	vshra.s32 v50, $0xE;
	v28 =	vmax.f32 v16, v28;
	v38 =	vld.idx.msk [tilespmem:v58+s3+$0x0], $0xffff  }
0x2c0: {  	v29 =	vmax.f32 v16, v29;
	v33 =	vnsel vm14, $0x0, v33;
	v41 =	vld.idx.msk [tilespmem:v60+s15+$0x0], $0xffff;
	v63 =	vmul.f32 v39, v52  }
0x2c1: {  	v33 =	vmax.f32 v16, v33;
	v62 =	vnsel vm13, $0x0, v59;
	v45 =	vand.u32 $0x3FFF, v47;
	v42 =	vld.idx.msk [tilespmem:v61+s15+$0x0], $0xffff  }
0x2c2: {  	s2 =	simm.s32 $0x2;
	p0 =	por $0x1, $0x1;
	v47 =	vshra.s32 v47, $0xE;
	v36 =	vld.idx.msk [tilespmem:v53+s3+$0x0], $0xffff;
	v30 =	vmax.f32 v16, v62;
	v50 =	vnsel vm15, $0x0, v63  }
.LBB2_68:
0x2c3: {  	v39 =	vadd.s32 s2, v18;
	v40 =	vmul.f32 v43, v40;
	v43 =	vld.idx.msk [tilespmem:v48+s3+$0x0], $0xffff;
	v37 =	vmax.f32 v37, v50;
	s5 =	smov.u32 s2;
	s2 =	sadd.s32 $0x1, s2  }
0x2c4: {  	vm0 =	vgt.s32 v17, s16;
	v50 =	vmov v49;
	v48 =	vadd.s32 s5, v19;
	p1 =	seq.s32 s1, s2;
	v46 =	vld.idx.msk [tilespmem:v46+s15+$0x0], $0xffff  }
0x2c5: {  	v49 =	vadd.s32 s5, v20;
	v40 =	vnsel vm0, $0x0, v40;
	v44 =	vld.idx.msk [tilespmem:v44+s15+$0x0], $0xffff;
	vm0 =	vgt.s32 v15, s16  }
0x2c6: {  	v51 =	vadd.s32 s5, v21;
	v38 =	vmul.f32 v41, v38;
	v27 =	vmax.f32 v27, v40;
	v40 =	vld.idx.msk [tilespmem:v45+s3+$0x0], $0xffff  }
0x2c7: {  	vm1 =	vgt.s32 v14, s16;
	v41 =	vadd.s32 s5, v22;
	v34 =	vmul.f32 v42, v34;
	v42 =	vld.idx.msk [tilespmem:v47+s15+$0x0], $0xffff  }
0x2c8: {  	vm2 =	vgt.s32 v13, s16;
	v45 =	vadd.s32 s5, v23;
	v38 =	vnsel vm1, $0x0, v38;
	v39 =	vld.idx.msk [tilespmem:v39+s22+$0x0], $0xffff  }
0x2c9: {  	v34 =	vnsel vm2, $0x0, v34;
	v28 =	vmax.f32 v28, v38;
	v47 =	vld.idx.msk [tilespmem:v48+s22+$0x0], $0xffff;
	v48 =	vadd.s32 s5, v24  }
0x2ca: {  	v29 =	vmax.f32 v29, v34;
	v34 =	vmul.f32 v46, v36;
	v38 =	vld.idx.msk [tilespmem:v49+s22+$0x0], $0xffff;
	v49 =	vadd.s32 s5, v25  }
0x2cb: {  	vm1 =	vgt.s32 v12, s16;
	v43 =	vmul.f32 v44, v43;
	v44 =	vand.u32 $0x3FFF, v26;
	v36 =	vld.idx.msk [tilespmem:v51+s22+$0x0], $0xffff  }
0x2cc: {  	v46 =	vand.u32 $0x3FFF, v35;
	v35 =	vshra.s32 v26, $0xE;
	v34 =	vnsel vm1, $0x0, v34;
	v41 =	vld.idx.msk [tilespmem:v41+s22+$0x0], $0xffff  }
0x2cd: {  	v26 =	vnsel vm0, $0x0, v43;
	v31 =	vmax.f32 v31, v34;
	v34 =	vmul.f32 v42, v40;
	v45 =	vld.idx.msk [tilespmem:v45+s22+$0x0], $0xffff  }
0x2ce: {  	vm0 =	vgt.s32 v11, s16;
	v40 =	vand.u32 $0x3FFF, v39;
	v32 =	vmax.f32 v32, v26;
	v51 =	vld.idx.msk [tilespmem:v48+s22+$0x0], $0xffff  }
0x2cf: {  	v39 =	vshra.s32 v39, $0xE;
	v34 =	vnsel vm0, $0x0, v34;
	v26 =	vld.idx.msk [tilespmem:v49+s22+$0x0], $0xffff  }
0x2d0: {  	v42 =	vand.u32 $0x3FFF, v38;
	v30 =	vmax.f32 v30, v34;
	v44 =	vld.idx.msk [tilespmem:v44+s3+$0x0], $0xffff  }
0x2d1: {  	v49 =	vshra.s32 v36, $0xE;
	v52 =	vld.idx.msk [tilespmem:v35+s15+$0x0], $0xffff;
	v35 =	vmov v36  }
0x2d2: {  	v36 =	vand.u32 $0x3FFF, v41;
	v53 =	vld.idx.msk [tilespmem:v46+s3+$0x0], $0xffff  }
0x2d3: {  	v41 =	vshra.s32 v41, $0xE;
	v40 =	vld.idx.msk [tilespmem:v40+s3+$0x0], $0xffff  }
0x2d4: {  	v43 =	vld.idx.msk [tilespmem:v39+s15+$0x0], $0xffff;
	v39 =	vshra.s32 v38, $0xE  }
0x2d5: {  	v54 =	vand.u32 $0x3FFF, v45;
	v34 =	vld.idx.msk [tilespmem:v42+s3+$0x0], $0xffff  }
.Ltmp50:
0x2d6: {  	v48 =	vand.u32 $0x3FFF, v47;
	v49 =	vld.idx.msk [tilespmem:v49+s15+$0x0], $0xffff;
	(pc) =	sbr.rel @!p1 .LBB2_68-.Ltmp50, $4  }
0x2d7: {  	v46 =	vshra.s32 v45, $0xE;
	v38 =	vld.idx.msk [tilespmem:v36+s3+$0x0], $0xffff;
	v36 =	vmul.f32 v52, v44  }
0x2d8: {  	vm0 =	vgt.s32 v10, s16;
	v44 =	vshra.s32 v47, $0xE;
	v50 =	vmul.f32 v50, v53;
	v41 =	vld.idx.msk [tilespmem:v41+s15+$0x0], $0xffff  }
0x2d9: {  	vm1 =	vgt.s32 v9, s16;
	s16 =	smov.u32 s5;
	v45 =	vand.u32 $0x3FFF, v51;
	v42 =	vld.idx.msk [tilespmem:v39+s15+$0x0], $0xffff;
	v39 =	vnsel vm0, $0x0, v36  }
0x2da: {  	v47 =	vshra.s32 v51, $0xE;
	v50 =	vnsel vm1, $0x0, v50;
	v36 =	vld.idx.msk [tilespmem:v54+s3+$0x0], $0xffff;
	v33 =	vmax.f32 v33, v39  }
0x2db: {  	s17 =	smov.u32 s16;
	v39 =	vmov v49;
	v49 =	vmov v35  }
.LBB2_70:
0x2dc: {  	_ =	sdelay $0x3  }
0x2dd: {  	v18 =	vld.idx.msk [tilespmem:v48+s3+$0x0], $0xffff;
	v19 =	vand.u32 $0x3FFF, v26  }
0x2de: {  	v20 =	vld.idx.msk [tilespmem:v46+s15+$0x0], $0xffff;
	v21 =	vshra.s32 v26, $0xE  }
0x2df: {  	v22 =	vld.idx.msk [tilespmem:v44+s15+$0x0], $0xffff;
	v23 =	vand.u32 $0x3FFF, v49  }
0x2e0: {  	v25 =	vld.idx.msk [tilespmem:v45+s3+$0x0], $0xffff  }
0x2e1: {  	vm0 =	vgt.s32 v17, s17;
	v17 =	vld.idx.msk [tilespmem:v47+s15+$0x0], $0xffff  }
0x2e2: {  	v24 =	vmul.f32 v43, v40;
	v26 =	vmax.f32 @p0 v37, v50;
	vm11 =	vgt.s32 v15, s17;
	v19 =	vld.idx.msk [tilespmem:v19+s3+$0x0], $0xffff  }
0x2e3: {  	vm1 =	vgt.s32 v14, s17;
	vm2 =	vgt.s32 v13, s17;
	vm12 =	vgt.s32 v12, s17;
	v21 =	vld.idx.msk [tilespmem:v21+s15+$0x0], $0xffff  }
0x2e4: {  	vm13 =	vgt.s32 v11, s17;
	vm14 =	vgt.s32 v10, s17;
	vm15 =	vgt.s32 v9, s17;
	v23 =	vld.idx.msk [tilespmem:v23+s3+$0x0], $0xffff  }
0x2e5: {  	v60 =	vmul.f32 v41, v38;
	v16 =	vpsel p0, v26, v16;
	v61 =	vmul.f32 v42, v34  }
0x2e6: {  	v24 =	vnsel vm0, $0x0, v24;
	v14 =	vmul.f32 v20, v36;
	v18 =	vmul.f32 v22, v18  }
0x2e7: {  	v15 =	vmax.f32 v27, v24;
	v13 =	vnsel vm1, $0x0, v60;
	v62 =	vnsel vm2, $0x0, v61  }
.Ltmp51:
0x2e8: {  	v63 =	vmul.f32 v17, v25;
	v14 =	vnsel vm12, $0x0, v14;
	v18 =	vnsel vm11, $0x0, v18;
	(pc) =	sbr.rel .LBB2_24-.Ltmp51, $4  }
0x2e9: {  	v17 =	vmax.f32 v32, v18;
	v11 =	vmul.f32 v21, v19;
	v18 =	vmul.f32 v39, v23  }
0x2ea: {  	v13 =	vmax.f32 v28, v13;
	v12 =	vmax.f32 v29, v62;
	v14 =	vmax.f32 v31, v14  }
0x2eb: {  	v19 =	vnsel vm13, $0x0, v63;
	v10 =	vnsel vm14, $0x0, v11;
	v11 =	vnsel vm15, $0x0, v18  }
0x2ec: {  	v9 =	vmax.f32 v30, v19;
	v10 =	vmax.f32 v33, v10;
	v11 =	vmax.f32 v16, v11  }
.LBB2_65:
.Ltmp52:
0x2ed: {  	(pc) =	sbr.rel .LBB2_70-.Ltmp52, $4  }
0x2ee: {  	_ = 	snop  }
0x2ef: {  	v37 =	vimm.f32 $0.0e+00;
	v27 =	vimm.f32 $0.0e+00  }
0x2f0: {  	v28 =	vimm.f32 $0.0e+00;
	v29 =	vimm.f32 $0.0e+00;
	v31 =	vimm.f32 $0.0e+00  }
0x2f1: {  	v32 =	vimm.f32 $0.0e+00;
	v30 =	vimm.f32 $0.0e+00;
	v33 =	vimm.f32 $0.0e+00  }
.LBB2_67:
.Ltmp53:
0x2f2: {  	(pc) =	sbr.rel .LBB2_70-.Ltmp53, $2  }
0x2f3: {  	_ =	sdelay $0x2  }
0x2f4: {  	v37 =	vimm.f32 $0.0e+00;
	s17 =	simm.s32 $0x1;
	v39 =	vmov v49;
	v49 =	vmov v35  }
.LBB2_25:
0x2f5: {  	v1 =	vld [tilespmem:$0xA0F0];
	_ =	sdelay $0x4  }
0x2f6: {  	(v2sf) =	vpush v1, $0x0;
	_ =	sdelay $0xe  }
0x2f7: {  	s0 =	spop (v2sf)  }
0x2f8: {  	s1 =	sshra.s32 s0, $0x1F  }
0x2f9: {  	s1 =	sshrl.u32 s1, $0x1E  }
0x2fa: {  	s1 =	sadd.s32 s1, s0  }
0x2fb: {  	s1 =	sand.u32 $0xFFFFFFFC, s1  }
0x2fc: {  	v2 =	vld [tilespmem:$0x4F00];
	p0 =	slt.s32 s1, $0x1  }
.Ltmp54:
0x2fd: {  	_ = 	snop;
	(pc) =	sbr.rel @p0 .LBB2_26-.Ltmp54, $3  }
0x2fe: {  	_ =	sdelay $0x1  }
0x2ff: {  	v1 =	vld [tilespmem:$0x7680]  }
0x300: {  	v2 =	vsub.s32 v2, v0;
	v0 =	vld [tilespmem:$0x9E00]  }
0x301: {  	s2 =	simm.s32 $0x0  }
0x302: {  	s20 =	simm.s32 $0x3;
	v4 =	vadd.s32 s2, v2  }
0x303: {  	s29 =	simm.s32 $0x2;
	v6 =	vadd.s32 s20, v2  }
0x304: {  	s14 =	simm.s32 $0x1;
	v7 =	vadd.s32 s29, v2  }
0x305: {  	p2 =	sgt.s32 s1, $0x4;
	v8 =	vadd.s32 s14, v2  }
.Ltmp55:
0x306: {  	_ = 	snop;
	(pc) =	sbr.rel @!p2 .LBB2_72-.Ltmp55, $4  }
0x307: {  	v5 =	vld.idx.msk [tilespmem:v4+s22+$0x0], $0xffff  }
0x308: {  	v4 =	vld.idx.msk [tilespmem:v6+s22+$0x0], $0xffff  }
0x309: {  	v7 =	vld.idx.msk [tilespmem:v7+s22+$0x0], $0xffff  }
0x30a: {  	v3 =	vimm.f32 $0.0e+00;
	s16 =	simm.s32 $0x4;
	p0 =	por $0x0, $0x0;
	p1 =	por $0x0, $0x0;
	v10 =	vld.idx.msk [tilespmem:v8+s22+$0x0], $0xffff  }
0x30b: {  	v6 =	vadd.s32 s16, v2;
	s17 =	simm.s32 $0x7  }
0x30c: {  	s18 =	simm.s32 $0x6;
	v8 =	vadd.s32 s17, v2  }
0x30d: {  	s19 =	simm.s32 $0x5;
	v9 =	vadd.s32 s18, v2  }
0x30e: {  	v12 =	vadd.s32 s19, v2  }
0x30f: {  	v13 =	vand.u32 $0x3FFF, v5  }
0x310: {  	v17 =	vand.u32 $0x3FFF, v4;
	v16 =	vld.idx.msk [tilespmem:v6+s22+$0x0], $0xffff  }
0x311: {  	p2 =	sgt.s32 s1, $0x8;
	v6 =	vshra.s32 v5, $0xE;
	v11 =	vld.idx.msk [tilespmem:v8+s22+$0x0], $0xffff  }
.Ltmp56:
0x312: {  	v14 =	vld.idx.msk [tilespmem:v9+s22+$0x0], $0xffff;
	(pc) =	sbr.rel @!p2 .LBB2_74-.Ltmp56, $4  }
0x313: {  	v15 =	vld.idx.msk [tilespmem:v12+s22+$0x0], $0xffff  }
0x314: {  	v5 =	vld.idx.msk [tilespmem:v13+s3+$0x0], $0xffff  }
0x315: {  	v8 =	vand.u32 $0x3FFF, v7;
	v13 =	vshra.s32 v4, $0xE;
	v4 =	vld.idx.msk [tilespmem:v17+s3+$0x0], $0xffff  }
0x316: {  	s13 =	simm.s32 $0x8;
	p0 =	por $0x1, $0x1;
	v9 =	vand.u32 $0x3FFF, v10;
	v7 =	vshra.s32 v7, $0xE;
	v12 =	vshra.s32 v10, $0xE;
	v6 =	vld.idx.msk [tilespmem:v6+s15+$0x0], $0xffff  }
0x317: {  	_ =	sdelay $0x3  }
0x318: {  	v10 =	vadd.s32 s13, v2;
	v18 =	vld.idx.msk [tilespmem:v8+s3+$0x0], $0xffff  }
0x319: {  	s5 =	simm.s32 $0xB;
	v20 =	vld.idx.msk [tilespmem:v9+s3+$0x0], $0xffff;
	v22 =	vand.u32 $0x3FFF, v16  }
0x31a: {  	s6 =	simm.s32 $0xA;
	v12 =	vld.idx.msk [tilespmem:v12+s15+$0x0], $0xffff;
	v8 =	vadd.s32 s5, v2  }
0x31b: {  	s7 =	simm.s32 $0x9;
	v21 =	vld.idx.msk [tilespmem:v7+s15+$0x0], $0xffff;
	v9 =	vadd.s32 s6, v2  }
0x31c: {  	v13 =	vld.idx.msk [tilespmem:v13+s15+$0x0], $0xffff;
	v19 =	vadd.s32 s7, v2  }
0x31d: {  	v23 =	vshra.s32 v16, $0xE;
	v24 =	vand.u32 $0x3FFF, v11;
	v10 =	vld.idx.msk [tilespmem:v10+s22+$0x0], $0xffff  }
0x31e: {  	vm1 =	vgt.s32 v1, s2;
	vm2 =	vgt.s32 v1, s29;
	p2 =	sgt.s32 s1, $0xC;
	v6 =	vmul.f32 v6, v5;
	v5 =	vld.idx.msk [tilespmem:v22+s3+$0x0], $0xffff  }
.Ltmp57:
0x31f: {  	vm0 =	vgt.s32 v1, s20;
	vm3 =	vgt.s32 v1, s14;
	v16 =	vld.idx.msk [tilespmem:v8+s22+$0x0], $0xffff;
	v8 =	vand.u32 $0x3FFF, v14;
	(pc) =	sbr.rel @!p2 .LBB2_76-.Ltmp57, $4  }
0x320: {  	v7 =	vshra.s32 v14, $0xE;
	v17 =	vld.idx.msk [tilespmem:v9+s22+$0x0], $0xffff;
	v9 =	vand.u32 $0x3FFF, v15;
	v14 =	vmul.f32 v12, v20  }
0x321: {  	v21 =	vmul.f32 v21, v18;
	v19 =	vld.idx.msk [tilespmem:v19+s22+$0x0], $0xffff;
	v12 =	vshra.s32 v15, $0xE;
	v15 =	vnsel vm1, $0x0, v6  }
0x322: {  	v18 =	vmul.f32 v13, v4;
	v4 =	vld.idx.msk [tilespmem:v24+s3+$0x0], $0xffff;
	v15 =	vmax.f32 v3, v15;
	v14 =	vnsel vm3, $0x0, v14  }
0x323: {  	s2 =	simm.s32 $0xC;
	p1 =	por $0x1, $0x1;
	v13 =	vshra.s32 v11, $0xE;
	v6 =	vld.idx.msk [tilespmem:v23+s15+$0x0], $0xffff;
	v21 =	vnsel vm2, $0x0, v21;
	v20 =	vmax.f32 v15, v14  }
.LBB2_77:
0x324: {  	v11 =	vadd.s32 s2, v2;
	s14 =	sadd.s32 $0x3, s2;
	v14 =	vld.idx.msk [tilespmem:v8+s3+$0x0], $0xffff;
	v8 =	vmax.f32 v20, v21;
	v15 =	vnsel vm0, $0x0, v18;
	v20 =	vmovc v16  }
0x325: {  	s20 =	sadd.s32 $0x2, s2;
	v21 =	vmov v17;
	v16 =	vadd.s32 s14, v2;
	v18 =	vld.idx.msk [tilespmem:v9+s3+$0x0], $0xffff;
	v15 =	vmax.f32 v8, v15  }
0x326: {  	s29 =	sadd.s32 $0x1, s2;
	v8 =	vadd.s32 s20, v2;
	v22 =	vmov v19;
	v12 =	vld.idx.msk [tilespmem:v12+s15+$0x0], $0xffff  }
0x327: {  	v9 =	vadd.s32 s29, v2;
	v23 =	vld.idx.msk [tilespmem:v7+s15+$0x0], $0xffff  }
0x328: {  	v24 =	vand.u32 $0x3FFF, v10;
	vm2 =	vgt.s32 v1, s16;
	s16 =	smov.u32 s13;
	v13 =	vld.idx.msk [tilespmem:v13+s15+$0x0], $0xffff  }
0x329: {  	v25 =	vshra.s32 v10, $0xE;
	s13 =	smov.u32 s2;
	vm0 =	vgt.s32 v1, s17;
	s17 =	smov.u32 s5;
	s2 =	sadd.s32 $0x4, s2;
	v10 =	vld.idx.msk [tilespmem:v11+s22+$0x0], $0xffff  }
0x32a: {  	vm1 =	vgt.s32 v1, s18;
	s18 =	smov.u32 s6;
	s5 =	smov.u32 s14;
	p2 =	slt.s32 s2, s1;
	v11 =	vand.u32 $0x3FFF, v20;
	v16 =	vld.idx.msk [tilespmem:v16+s22+$0x0], $0xffff  }
.Ltmp58:
0x32b: {  	vm3 =	vgt.s32 v1, s19;
	s19 =	smov.u32 s7;
	s6 =	smov.u32 s20;
	v6 =	vmul.f32 v6, v5;
	v17 =	vld.idx.msk [tilespmem:v8+s22+$0x0], $0xffff;
	v8 =	vand.u32 $0x3FFF, v21;
	(pc) =	sbr.rel @p2 .LBB2_77-.Ltmp58, $4  }
0x32c: {  	s7 =	smov.u32 s29;
	v7 =	vshra.s32 v21, $0xE;
	v18 =	vmul.f32 v12, v18;
	v19 =	vld.idx.msk [tilespmem:v9+s22+$0x0], $0xffff;
	v9 =	vand.u32 $0x3FFF, v22  }
0x32d: {  	v12 =	vshra.s32 v22, $0xE;
	v21 =	vnsel vm2, $0x0, v6;
	v14 =	vmul.f32 v23, v14;
	v5 =	vld.idx.msk [tilespmem:v24+s3+$0x0], $0xffff  }
0x32e: {  	v15 =	vmax.f32 v15, v21;
	v21 =	vnsel vm3, $0x0, v18;
	v18 =	vmul.f32 v13, v4;
	v6 =	vld.idx.msk [tilespmem:v25+s15+$0x0], $0xffff  }
0x32f: {  	v13 =	vshra.s32 v20, $0xE;
	v20 =	vmax.f32 v15, v21;
	v21 =	vnsel vm1, $0x0, v14;
	v4 =	vld.idx.msk [tilespmem:v11+s3+$0x0], $0xffff  }
0x330: {  	s2 =	smov.u32 s16;
	s29 =	smov.u32 s18  }
0x331: {  	s20 =	smov.u32 s17;
	s14 =	smov.u32 s19;
	s16 =	smov.u32 s13  }
0x332: {  	v11 =	vmovc v16;
	v14 =	vmov v17;
	v16 =	vmov v10;
	s17 =	smov.u32 s5;
	s18 =	smov.u32 s6;
	s19 =	smov.u32 s7;
	v15 =	vmov v19  }
.LBB2_79:
0x333: {  	_ =	sdelay $0x3  }
0x334: {  	v8 =	vld.idx.msk @p0 [tilespmem:v8+s3+$0x0], $0xffff;
	v10 =	vand.u32 $0x3FFF, v16  }
0x335: {  	v9 =	vld.idx.msk @p0 [tilespmem:v9+s3+$0x0], $0xffff;
	v54 =	vshra.s32 v16, $0xE  }
0x336: {  	v12 =	vld.idx.msk @p0 [tilespmem:v12+s15+$0x0], $0xffff;
	v17 =	vand.u32 $0x3FFF, v11  }
0x337: {  	v7 =	vld.idx.msk @p0 [tilespmem:v7+s15+$0x0], $0xffff;
	v19 =	vand.u32 $0x3FFF, v14  }
0x338: {  	v13 =	vld.idx.msk @p0 [tilespmem:v13+s15+$0x0], $0xffff;
	v22 =	vand.u32 $0x3FFF, v15  }
0x339: {  	v20 =	vmax.f32 @p1 v20, v21;
	v18 =	vnsel @p1 vm0, $0x0, v18;
	v55 =	vshra.s32 v15, $0xE;
	v10 =	vld.idx.msk [tilespmem:v10+s3+$0x0], $0xffff  }
0x33a: {  	v5 =	vmul.f32 @p0 v6, v5;
	v56 =	vshra.s32 v14, $0xE;
	vm0 =	vgt.s32 @p0 v1, s2;
	v57 =	vld.idx.msk [tilespmem:v54+s15+$0x0], $0xffff  }
0x33b: {  	v58 =	vshra.s32 v11, $0xE;
	vm1 =	vgt.s32 @p0 v1, s14;
	v18 =	vmax.f32 @p1 v20, v18;
	v59 =	vld.idx.msk [tilespmem:v17+s3+$0x0], $0xffff  }
0x33c: {  	v5 =	vnsel @p0 vm0, $0x0, v5;
	v16 =	vpsel p1, v18, v3;
	v9 =	vmul.f32 @p0 v12, v9;
	v60 =	vld.idx.msk [tilespmem:v19+s3+$0x0], $0xffff  }
0x33d: {  	vm0 =	vgt.s32 @p0 v1, s29;
	v7 =	vmul.f32 @p0 v7, v8;
	v61 =	vld.idx.msk [tilespmem:v22+s3+$0x0], $0xffff;
	v4 =	vmul.f32 @p0 v13, v4  }
0x33e: {  	v5 =	vmax.f32 @p0 v16, v5;
	v62 =	vld.idx.msk [tilespmem:v55+s15+$0x0], $0xffff;
	v8 =	vnsel @p0 vm1, $0x0, v9;
	vm1 =	vgt.s32 @p0 v1, s20  }
0x33f: {  	v6 =	vld.idx.msk [tilespmem:v56+s15+$0x0], $0xffff;
	v7 =	vnsel @p0 vm0, $0x0, v7;
	v4 =	vpsel p0, v4, v0;
	v5 =	vmax.f32 @p0 v5, v8  }
0x340: {  	v11 =	vld.idx.msk [tilespmem:v58+s15+$0x0], $0xffff;
	v7 =	vpsel p0, v7, v0;
	vm0 =	vmmov @p0 vm1;
	v5 =	vpsel p0, v5, v0  }
0x341: {  	v4 =	vnsel @p0 vm0, $0x0, v4;
	v5 =	vmax.f32 @p0 v5, v7  }
0x342: {  	vm13 =	vgt.s32 v1, s16;
	v4 =	vmax.f32 @p0 v5, v4;
	v5 =	vmul.f32 v57, v10  }
0x343: {  	vm14 =	vgt.s32 v1, s18;
	vm2 =	vgt.s32 v1, s19;
	v63 =	vmul.f32 v62, v61  }
.Ltmp59:
0x344: {  	v6 =	vmul.f32 v6, v60;
	v3 =	vpsel p0, v4, v3;
	v5 =	vnsel vm13, $0x0, v5;
	(pc) =	sbr.rel .LBB2_27-.Ltmp59, $4  }
0x345: {  	v4 =	vnsel vm2, $0x0, v63;
	v3 =	vmax.f32 v3, v5;
	v5 =	vmul.f32 v11, v59  }
0x346: {  	vm15 =	vgt.s32 v1, s17;
	v3 =	vmax.f32 v3, v4;
	v4 =	vnsel vm14, $0x0, v6  }
0x347: {  	v3 =	vmax.f32 v3, v4;
	v4 =	vnsel vm15, $0x0, v5  }
0x348: {  	v3 =	vmax.f32 v3, v4  }
.LBB2_26:
0x349: {  	v3 =	vimm.f32 $0.0e+00  }
.LBB2_27:
0x34a: {  	p0 =	sge.s32 s1, s0  }
.Ltmp60:
0x34b: {  	_ = 	snop;
	(pc) =	sbr.rel @p0 .LBB2_30-.Ltmp60, $1  }
0x34c: {  	_ =	sdelay $0x3  }
0x34d: {  	s1 =	ssub.s32 s0, s1  }
0x34e: {  	s1 =	ssub.s32 $0x0, s1  }
.LBB2_29:
0x34f: {  	s2 =	sadd.s32 s1, s0  }
0x350: {  	v4 =	vadd.s32 s2, v2;
	_ =	sdelay $0x4  }
0x351: {  	v4 =	vld.idx.msk [tilespmem:v4+s22+$0x0], $0xffff;
	_ =	sdelay $0x4  }
0x352: {  	v5 =	vand.u32 $0x3FFF, v4  }
0x353: {  	v4 =	vshra.s32 v4, $0xE;
	_ =	sdelay $0x3  }
0x354: {  	v5 =	vld.idx.msk [tilespmem:v5+s3+$0x0], $0xffff  }
0x355: {  	v4 =	vld.idx.msk [tilespmem:v4+s15+$0x0], $0xffff;
	_ =	sdelay $0x1  }
0x356: {  	s1 =	sadd.s32 $0x1, s1  }
0x357: {  	p0 =	seq.s32 s1, $0x0  }
.Ltmp61:
0x358: {  	_ = 	snop;
	(pc) =	sbr.rel @!p0 .LBB2_29-.Ltmp61, $4  }
0x359: {  	v4 =	vmul.f32 v4, v5  }
0x35a: {  	vm0 =	vgt.s32 v1, s2  }
0x35b: {  	v4 =	vnsel vm0, $0x0, v4  }
0x35c: {  	v3 =	vmax.f32 v3, v4  }
.Ltmp62:
0x35d: {  	_ = 	snop;
	(pc) =	sbr.rel .LBB2_30-.Ltmp62, $1  }
0x35e: {  	_ =	sdelay $0x3  }
.LBB2_72:
.Ltmp63:
0x35f: {  	_ = 	snop;
	(pc) =	sbr.rel .LBB2_79-.Ltmp63, $3  }
0x360: {  	_ =	sdelay $0x1  }
0x361: {  	s16 =	simm.s32 $0x0  }
0x362: {  	s17 =	simm.s32 $0x3;
	s18 =	simm.s32 $0x2;
	s19 =	simm.s32 $0x1;
	v16 =	vmovc v5;
	v11 =	vmov v4;
	v14 =	vmov v7;
	v15 =	vmov v10  }
.LBB2_74:
.Ltmp64:
0x363: {  	(pc) =	sbr.rel .LBB2_79-.Ltmp64, $2  }
0x364: {  	_ =	sdelay $0x2  }
0x365: {  	_ = 	snop  }
.LBB2_76:
.Ltmp65:
0x366: {  	(pc) =	sbr.rel .LBB2_79-.Ltmp65, $4  }
0x367: {  	_ = 	snop  }
0x368: {  	s2 =	simm.s32 $0x4;
	s16 =	simm.s32 $0x8  }
0x369: {  	s29 =	simm.s32 $0x6;
	s20 =	simm.s32 $0x7;
	s17 =	simm.s32 $0xB  }
0x36a: {  	v11 =	vmovc v16;
	v16 =	vmov v10;
	s18 =	simm.s32 $0xA;
	s14 =	simm.s32 $0x5;
	s19 =	simm.s32 $0x9;
	v14 =	vmov v17;
	v15 =	vmov v19  }
.LBB2_31:
0x36b: {  	_ =	sfence.sel $0x180000  }
0x36c: {  	[bflag:$0x0] =	sbarrier.arrive $0xFFFF  }
0x36d: {  	_ =	strace $0x9000004D  }
0x36e: {  	s0 =	stileid.u32;
	[bflag:$0x2] =	sbarrier.arrive $0xFFFF  }
0x36f: {  	p0 =	sne.s32 s0, $0x0;
	s0 =	rddreg [dreg:$0x3]  }
0x370: {  	s0 =	sadd.s32 @!p0 $0x100000, s0  }
0x371: {  	[sflag:s0] =	ssyncadd.tile.s32 @!p0 $0x1;
	_ =	shalt  }
.Lfunc_end2:
_tile_overlayer_lowered:
.L_overlay_start_2:
0x372: {  	(tag) =	ssettag $0x2  }
0x373: {  	s0 =	rddreg [dreg:$0x0];
	s2 =	stileid.u32  }
0x374: {  	s1 =	rddreg [dreg:$0x1];
	p0 =	sne.s32 s2, $0x0  }
0x375: {  	s3 =	rddreg [dreg:$0x2];
	[bflag:$0x3] =	sbarrier.arrive $0xFFFF;
	s2 =	simm.s32 @!p0 $0x1C03  }
0x376: {  	[timem:s3], [sflag:s2] =	dma.local @!p0 [hbm:s0], s1  }
0x377: {  	s0 =	simm.s32 @!p0 $0x3  }
0x378: {  	_ =	swait.ge @!p0 [sflag:s0], s1  }
0x379: {  	s1 =	ssub.s32 @!p0 $0x0, s1;
	[sflag:s0] =	ssyncset.done @!p0 $0x0  }
0x37a: {  	[sflag:s0] =	ssyncadd.s32 @!p0 s1  }
0x37b: {  	[bflag:$0x3] =	sbarrier.arrive $0xFFFF  }
0x37c: {  	_ =	shalt  }

</sc_bundles>
